<compile_context>
chip_gen: v7x
topology: tpu7x:2x2x1
jax: 0.10.2.dev20260603
libtpu: 0.0.44.dev20260713+nightly
codegen_flags: <defaults>
</compile_context>

<pallas_src>
import functools

import jax
import jax.numpy as jnp
from jax import lax
from jax.experimental import pallas as pl
from jax.experimental.pallas import tpu as pltpu
from jax.experimental.pallas import tpu_sc as plsc

_NBUCK = 100000
_NHASH = 4
_SUBD = 16
_EMBD = 64
_PACK = 8
_LANE = _PACK * _SUBD
_NCORE = 2
_NSUB = 16
_NW = _NCORE * _NSUB
_CHUNK = 1024


def _mod_nbuck(t):
    nb = jnp.int32(_NBUCK)
    q = (t.astype(jnp.float32) * jnp.float32(1.0 / _NBUCK)).astype(jnp.int32)
    r = t - q * nb
    r = jnp.where(r < 0, r + nb, r)
    r = jnp.where(r >= nb, r - nb, r)
    return r


def _sc_body(nflat, ids_hbm, params_hbm, t0, t1, t2, t3, out_hbm,
             params_v, ids_v, idx4_v, gath4_v, sem_g, sem_o):
    tables = (t0, t1, t2, t3)
    wid = lax.axis_index("s") * _NCORE + lax.axis_index("c")
    tpw = nflat // _NW
    pltpu.sync_copy(params_hbm, params_v)

    def chunk_body(k, carry):
        base = pl.multiple_of(
            wid * jnp.int32(tpw) + k * jnp.int32(_CHUNK), _CHUNK)
        pltpu.sync_copy(ids_hbm.at[pl.ds(base, _CHUNK)], ids_v)
        gathers = []
        for i in range(_NHASH):
            am = _mod_nbuck(params_v[i, 0, :])
            cm = _mod_nbuck(am * jnp.int32(1024))
            bm = _mod_nbuck(params_v[i, 1, :])

            def hash_body(j, carry2):
                x = ids_v[pl.ds(j * jnp.int32(16), 16)]
                xh = lax.shift_right_logical(x, jnp.int32(10))
                xl = lax.bitwise_and(x, jnp.int32(1023))
                idx4_v[jnp.int32(i), pl.ds(j * jnp.int32(16), 16)] = (
                    _mod_nbuck(xh * cm + xl * am + bm))
                return carry2

            lax.fori_loop(jnp.int32(0), jnp.int32(_CHUNK // 16), hash_body,
                          jnp.int32(0))
            gathers.append(pltpu.async_copy(
                tables[i].at[idx4_v.at[jnp.int32(i)]],
                gath4_v.at[jnp.int32(i)], sem_g))
        outs = []
        for i in range(_NHASH):
            gathers[i].wait()
            outs.append(pltpu.async_copy(
                gath4_v.at[jnp.int32(i)],
                out_hbm.at[jnp.int32(i), pl.ds(base, _CHUNK), :], sem_o))
        for cp in outs:
            cp.wait()
        return carry

    lax.fori_loop(jnp.int32(0), jnp.int32(tpw // _CHUNK), chunk_body,
                  jnp.int32(0))


@functools.lru_cache(maxsize=None)
def _make_sc_gather(nflat):
    mesh = plsc.VectorSubcoreMesh(core_axis_name="c", subcore_axis_name="s")
    return pl.kernel(
        functools.partial(_sc_body, nflat),
        out_type=jax.ShapeDtypeStruct((_NHASH, nflat, _SUBD), jnp.float32),
        mesh=mesh,
        scratch_types=[
            pltpu.VMEM((_NHASH, 2, 16), jnp.int32),
            pltpu.VMEM((_CHUNK,), jnp.int32),
            pltpu.VMEM((_NHASH, _CHUNK), jnp.int32),
            pltpu.VMEM((_NHASH, _CHUNK, _SUBD), jnp.float32),
            pltpu.SemaphoreType.DMA,
            pltpu.SemaphoreType.DMA,
        ],
        compiler_params=pltpu.CompilerParams(use_tc_tiling_on_sc=False),
    )


def _mix_body(g_ref, w_ref, b_ref, o_ref):
    acc = jnp.dot(g_ref[0], w_ref[0], preferred_element_type=jnp.float32)
    for i in range(1, _NHASH):
        acc = acc + jnp.dot(g_ref[i], w_ref[i],
                            preferred_element_type=jnp.float32)
    o_ref[:, :] = acc + b_ref[0:1, :]


@functools.lru_cache(maxsize=None)
def _make_mix(npack, rows):
    return pl.pallas_call(
        _mix_body,
        grid=(npack // rows,),
        in_specs=[
            pl.BlockSpec((_NHASH, rows, _LANE),
                         lambda r: (jnp.int32(0), r, jnp.int32(0))),
            pl.BlockSpec((_NHASH, _LANE, _PACK * _EMBD),
                         lambda r: (jnp.int32(0), jnp.int32(0), jnp.int32(0))),
            pl.BlockSpec((1, _PACK * _EMBD),
                         lambda r: (jnp.int32(0), jnp.int32(0))),
        ],
        out_specs=pl.BlockSpec((rows, _PACK * _EMBD),
                               lambda r: (r, jnp.int32(0))),
        out_shape=jax.ShapeDtypeStruct((npack, _PACK * _EMBD), jnp.float32),
    )


def kernel(input_ids, table0, table1, table2, table3, W, b, hash_a, hash_b):
    bsz, seq = input_ids.shape
    nflat = bsz * seq
    flat = input_ids.reshape(-1).astype(jnp.int32)
    params = jnp.stack(
        [hash_a.astype(jnp.int32), hash_b.astype(jnp.int32)], axis=1)
    params = jnp.broadcast_to(params[:, :, None], (_NHASH, 2, 16))

    g = _make_sc_gather(nflat)(flat, params, table0, table1, table2, table3)
    g = g.reshape(_NHASH, nflat // _PACK, _LANE)

    w4 = W.astype(jnp.float32).T.reshape(_NHASH, _SUBD, _EMBD)
    eye = jnp.eye(_PACK, dtype=jnp.float32)
    wk = jax.vmap(lambda wi: jnp.kron(eye, wi))(w4)
    bp = jnp.tile(b.astype(jnp.float32), _PACK).reshape(1, _PACK * _EMBD)

    packed = _make_mix(nflat // _PACK, 2048)(g, wk, bp)
    out_dtype = jnp.result_type(table0.dtype, W.dtype, b.dtype)
    return packed.astype(out_dtype).reshape(bsz, seq, _EMBD)

# --- scband reference (transcript-rebuilt; emitter-appended) ---
"""Pipeline reference for scband-resonance-hash-embedding-27066883900161 (READ-ONLY COPY).

The authoritative reference and input builder live on the scoring server;
editing this copy changes nothing except your own understanding.
"""

import jax, jax.numpy as jnp
import numpy as np
jax.config.update("jax_enable_x64", True)

NUM_BUCKETS = 100000
NUM_HASH = 4
EMBED_DIM = 64
SUB_DIM = EMBED_DIM // NUM_HASH
BATCH = 16384
SEQ = 20
VOCAB = 1000000

def setup_inputs(seed: int = 0):
    key = jax.random.key(seed)
    ks = jax.random.split(key, 10)
    input_ids = jax.random.randint(ks[0], (BATCH, SEQ), 0, VOCAB, dtype=jnp.int64)
    hash_a = jax.random.randint(ks[1], (NUM_HASH,), 1, 1000000, dtype=jnp.int64)
    hash_b = jax.random.randint(ks[2], (NUM_HASH,), 0, 1000000, dtype=jnp.int64)
    table0 = jax.random.normal(ks[3], (NUM_BUCKETS, SUB_DIM), dtype=jnp.float32) * 0.02
    table1 = jax.random.normal(ks[4], (NUM_BUCKETS, SUB_DIM), dtype=jnp.float32) * 0.02
    table2 = jax.random.normal(ks[5], (NUM_BUCKETS, SUB_DIM), dtype=jnp.float32) * 0.02
    table3 = jax.random.normal(ks[6], (NUM_BUCKETS, SUB_DIM), dtype=jnp.float32) * 0.02
    W = jax.random.normal(ks[7], (EMBED_DIM, EMBED_DIM), dtype=jnp.float32) * (1.0 / np.sqrt(EMBED_DIM))
    b = jnp.zeros((EMBED_DIM,), dtype=jnp.float32)
    return {"input_ids": input_ids, "table0": table0, "table1": table1, "table2": table2, "table3": table3, "W": W, "b": b, "hash_a": hash_a, "hash_b": hash_b}

def reference(input_ids, table0, table1, table2, table3, W, b, hash_a, hash_b):
    orig_shape = input_ids.shape
    flat = input_ids.reshape(-1)
    tables = [table0, table1, table2, table3]
    embeds = []
    for i in range(NUM_HASH):
        hashed = (flat * hash_a[i] + hash_b[i]) % NUM_BUCKETS
        embeds.append(jnp.take(tables[i], hashed, axis=0))
    combined = jnp.concatenate(embeds, axis=-1)
    mixed = combined @ W.T + b
    return mixed.reshape(orig_shape[0], orig_shape[1], -1)

if __name__ == "__main__":
    import jax
    _d = setup_inputs()
    print(jax.jit(kernel)(*tuple(_d.values())))

</pallas_src>

<mosaic_0001>
#map = affine_map<(d0, d1) -> (0)>
#map1 = affine_map<(d0, d1) -> (0, 0, 0)>
#map2 = affine_map<(d0, d1) -> (0, 0)>
module attributes {stable_mosaic.version = 14 : i64} {
  func.func @_sc_body(%arg0: i32, %arg1: i32, %arg2: memref<327680xi32, #tpu.memory_space<hbm>>, %arg3: memref<4x2x16xi32, #tpu.memory_space<hbm>>, %arg4: memref<100000x16xf32, #tpu.memory_space<hbm>>, %arg5: memref<100000x16xf32, #tpu.memory_space<hbm>>, %arg6: memref<100000x16xf32, #tpu.memory_space<hbm>>, %arg7: memref<100000x16xf32, #tpu.memory_space<hbm>>, %arg8: memref<4x327680x16xf32, #tpu.memory_space<hbm>>, %arg9: memref<4x2x16xi32, #tpu.memory_space<vmem>>, %arg10: memref<1024xi32, #tpu.memory_space<vmem>>, %arg11: memref<4x1024xi32, #tpu.memory_space<vmem>>, %arg12: memref<4x1024x16xf32, #tpu.memory_space<vmem>>, %arg13: memref<!tpu.dma_semaphore, #tpu.memory_space<semaphore_mem>>, %arg14: memref<!tpu.dma_semaphore, #tpu.memory_space<semaphore_mem>>) attributes {dimension_semantics = [#tpu.dimension_semantics<core_parallel>, #tpu.dimension_semantics<subcore_parallel>], iteration_bounds = array<i64: 2, 16>, scalar_prefetch = 0 : i64, scratch_operands = 6 : i64, tpu.core_type = #tpu.core_type<sc_vector_subcore>, window_params = [{transform_indices = #map}, {transform_indices = #map1}, {transform_indices = #map2}, {transform_indices = #map2}, {transform_indices = #map2}, {transform_indices = #map2}, {transform_indices = #map1}]} {
    %mul3A = arith.constant 2 : i32
    %mul3A_0 = arith.muli %arg1, %mul3A : i32
    %add3A = arith.addi %mul3A_0, %arg0 : i32
    "tpu.region"() ({
      %run_scoped3A = tpu.sem_alloc : memref<!tpu.dma_semaphore, #tpu.memory_space<semaphore_mem>>
      tpu.enqueue_dma source(%arg3 : memref<4x2x16xi32, #tpu.memory_space<hbm>>) target(%arg9 : memref<4x2x16xi32, #tpu.memory_space<vmem>>) target_semaphore(%run_scoped3A : memref<!tpu.dma_semaphore, #tpu.memory_space<semaphore_mem>>)
      tpu.wait_dma2 semaphore(%run_scoped3A : memref<!tpu.dma_semaphore, #tpu.memory_space<semaphore_mem>>) src(%arg3 : memref<4x2x16xi32, #tpu.memory_space<hbm>>) dst(%arg9 : memref<4x2x16xi32, #tpu.memory_space<vmem>>)
      tpu.yield
    }) : () -> ()
    %while3A = arith.constant 0 : i32
    %while3A_1 = arith.constant 0 : i32
    %while3A_2 = arith.constant 10 : i32
    %while3A_3 = arith.subi %while3A_2, %while3A_1 : i32
    %while3A_4 = arith.addi %while3A_1, %while3A_3 : i32
    %while3A_5 = arith.constant 1 : i32
    %while3A_6 = arith.divsi %while3A_3, %while3A_5 : i32
    %while3A_7 = arith.muli %while3A_6, %while3A_5 : i32
    %while3A_8 = arith.addi %while3A_1, %while3A_7 : i32
    %while3A_9 = arith.constant 1 : i32
    scf.for %while3A_11 = %while3A_1 to %while3A_8 step %while3A_9  : i32 {
      %mul3A_12 = arith.constant 10240 : i32
      %mul3A_13 = arith.muli %add3A, %mul3A_12 : i32
      %mul3A_14 = arith.constant 1024 : i32
      %mul3A_15 = arith.muli %while3A_11, %mul3A_14 : i32
      %add3A_16 = arith.addi %mul3A_13, %mul3A_15 : i32
      %multiple_of3A = tpu.assume_multiple %add3A_16, 1024 : i32
      "tpu.region"() ({
        %run_scoped3A = tpu.sem_alloc : memref<!tpu.dma_semaphore, #tpu.memory_space<semaphore_mem>>
        %dma_start3A_621 = tpu.memref_slice %arg2[%multiple_of3A] : memref<327680xi32, #tpu.memory_space<hbm>> -> memref<1024xi32, #tpu.memory_space<hbm>>
        %dma_start3A_622 = tpu.memref_slice %arg2[%multiple_of3A] : memref<327680xi32, #tpu.memory_space<hbm>> -> memref<1024xi32, #tpu.memory_space<hbm>>
        tpu.enqueue_dma source(%dma_start3A_622 : memref<1024xi32, #tpu.memory_space<hbm>>) target(%arg10 : memref<1024xi32, #tpu.memory_space<vmem>>) target_semaphore(%run_scoped3A : memref<!tpu.dma_semaphore, #tpu.memory_space<semaphore_mem>>)
        %dma_wait3A_623 = tpu.memref_slice %arg2[%multiple_of3A] : memref<327680xi32, #tpu.memory_space<hbm>> -> memref<1024xi32, #tpu.memory_space<hbm>>
        %dma_wait3A_624 = tpu.memref_slice %arg2[%multiple_of3A] : memref<327680xi32, #tpu.memory_space<hbm>> -> memref<1024xi32, #tpu.memory_space<hbm>>
        tpu.wait_dma2 semaphore(%run_scoped3A : memref<!tpu.dma_semaphore, #tpu.memory_space<semaphore_mem>>) src(%dma_wait3A_624 : memref<1024xi32, #tpu.memory_space<hbm>>) dst(%arg10 : memref<1024xi32, #tpu.memory_space<vmem>>)
        tpu.yield
      }) : () -> ()
      %get3A = arith.constant 0 : i64
      %get3A_17 = arith.constant 0 : i64
      %get3A_18 = arith.index_cast %get3A : i64 to index
      %get3A_19 = arith.index_cast %get3A_17 : i64 to index
      %get3A_20 = arith.constant 0 : index
      %get3A_21 = tpu.vector_load %arg9[%get3A_18, %get3A_19, %get3A_20] {strides = array<i32>} : memref<4x2x16xi32, #tpu.memory_space<vmem>>, vector<1x1x16xi32>,
      %get3A_22 = vector.shape_cast %get3A_21 : vector<1x1x16xi32> to vector<16xi32>
      %convert_element_type3A = arith.sitofp %get3A_22 : vector<16xi32> to vector<16xf32>
      %mul3A_23 = arith.constant 9.99999974E-6 : f32
      %mul3A_24 = vector.broadcast %mul3A_23 : f32 to vector<16xf32>
      %mul3A_25 = arith.mulf %convert_element_type3A, %mul3A_24 : vector<16xf32>
      %convert_element_type3A_26 = arith.fptosi %mul3A_25 : vector<16xf32> to vector<16xi32>
      %mul3A_27 = arith.constant 100000 : i32
      %mul3A_28 = vector.broadcast %mul3A_27 : i32 to vector<16xi32>
      %mul3A_29 = arith.muli %convert_element_type3A_26, %mul3A_28 : vector<16xi32>
      %sub3A = arith.subi %get3A_22, %mul3A_29 : vector<16xi32>
      %lt3A = arith.constant 0 : i32
      %lt3A_30 = vector.broadcast %lt3A : i32 to vector<16xi32>
      %lt3A_31 = arith.cmpi slt, %sub3A, %lt3A_30 : vector<16xi32>
      %add3A_32 = arith.constant 100000 : i32
      %add3A_33 = vector.broadcast %add3A_32 : i32 to vector<16xi32>
      %add3A_34 = arith.addi %sub3A, %add3A_33 : vector<16xi32>
      %select_n3A = arith.select %lt3A_31, %add3A_34, %sub3A : vector<16xi1>, vector<16xi32>
      %ge3A = arith.constant 100000 : i32
      %ge3A_35 = vector.broadcast %ge3A : i32 to vector<16xi32>
      %ge3A_36 = arith.cmpi sge, %select_n3A, %ge3A_35 : vector<16xi32>
      %sub3A_37 = arith.constant 100000 : i32
      %sub3A_38 = vector.broadcast %sub3A_37 : i32 to vector<16xi32>
      %sub3A_39 = arith.subi %select_n3A, %sub3A_38 : vector<16xi32>
      %select_n3A_40 = arith.select %ge3A_36, %sub3A_39, %select_n3A : vector<16xi1>, vector<16xi32>
      %mul3A_41 = arith.constant 1024 : i32
      %mul3A_42 = vector.broadcast %mul3A_41 : i32 to vector<16xi32>
      %mul3A_43 = arith.muli %select_n3A_40, %mul3A_42 : vector<16xi32>
      %convert_element_type3A_44 = arith.sitofp %mul3A_43 : vector<16xi32> to vector<16xf32>
      %mul3A_45 = arith.constant 9.99999974E-6 : f32
      %mul3A_46 = vector.broadcast %mul3A_45 : f32 to vector<16xf32>
      %mul3A_47 = arith.mulf %convert_element_type3A_44, %mul3A_46 : vector<16xf32>
      %convert_element_type3A_48 = arith.fptosi %mul3A_47 : vector<16xf32> to vector<16xi32>
      %mul3A_49 = arith.constant 100000 : i32
      %mul3A_50 = vector.broadcast %mul3A_49 : i32 to vector<16xi32>
      %mul3A_51 = arith.muli %convert_element_type3A_48, %mul3A_50 : vector<16xi32>
      %sub3A_52 = arith.subi %mul3A_43, %mul3A_51 : vector<16xi32>
      %lt3A_53 = arith.constant 0 : i32
      %lt3A_54 = vector.broadcast %lt3A_53 : i32 to vector<16xi32>
      %lt3A_55 = arith.cmpi slt, %sub3A_52, %lt3A_54 : vector<16xi32>
      %add3A_56 = arith.constant 100000 : i32
      %add3A_57 = vector.broadcast %add3A_56 : i32 to vector<16xi32>
      %add3A_58 = arith.addi %sub3A_52, %add3A_57 : vector<16xi32>
      %select_n3A_59 = arith.select %lt3A_55, %add3A_58, %sub3A_52 : vector<16xi1>, vector<16xi32>
      %ge3A_60 = arith.constant 100000 : i32
      %ge3A_61 = vector.broadcast %ge3A_60 : i32 to vector<16xi32>
      %ge3A_62 = arith.cmpi sge, %select_n3A_59, %ge3A_61 : vector<16xi32>
      %sub3A_63 = arith.constant 100000 : i32
      %sub3A_64 = vector.broadcast %sub3A_63 : i32 to vector<16xi32>
      %sub3A_65 = arith.subi %select_n3A_59, %sub3A_64 : vector<16xi32>
      %select_n3A_66 = arith.select %ge3A_62, %sub3A_65, %select_n3A_59 : vector<16xi1>, vector<16xi32>
      %get3A_67 = arith.constant 0 : i64
      %get3A_68 = arith.constant 1 : i64
      %get3A_69 = arith.index_cast %get3A_67 : i64 to index
      %get3A_70 = arith.index_cast %get3A_68 : i64 to index
      %get3A_71 = arith.constant 0 : index
      %get3A_72 = tpu.vector_load %arg9[%get3A_69, %get3A_70, %get3A_71] {strides = array<i32>} : memref<4x2x16xi32, #tpu.memory_space<vmem>>, vector<1x1x16xi32>,
      %get3A_73 = vector.shape_cast %get3A_72 : vector<1x1x16xi32> to vector<16xi32>
      %convert_element_type3A_74 = arith.sitofp %get3A_73 : vector<16xi32> to vector<16xf32>
      %mul3A_75 = arith.constant 9.99999974E-6 : f32
      %mul3A_76 = vector.broadcast %mul3A_75 : f32 to vector<16xf32>
      %mul3A_77 = arith.mulf %convert_element_type3A_74, %mul3A_76 : vector<16xf32>
      %convert_element_type3A_78 = arith.fptosi %mul3A_77 : vector<16xf32> to vector<16xi32>
      %mul3A_79 = arith.constant 100000 : i32
      %mul3A_80 = vector.broadcast %mul3A_79 : i32 to vector<16xi32>
      %mul3A_81 = arith.muli %convert_element_type3A_78, %mul3A_80 : vector<16xi32>
      %sub3A_82 = arith.subi %get3A_73, %mul3A_81 : vector<16xi32>
      %lt3A_83 = arith.constant 0 : i32
      %lt3A_84 = vector.broadcast %lt3A_83 : i32 to vector<16xi32>
      %lt3A_85 = arith.cmpi slt, %sub3A_82, %lt3A_84 : vector<16xi32>
      %add3A_86 = arith.constant 100000 : i32
      %add3A_87 = vector.broadcast %add3A_86 : i32 to vector<16xi32>
      %add3A_88 = arith.addi %sub3A_82, %add3A_87 : vector<16xi32>
      %select_n3A_89 = arith.select %lt3A_85, %add3A_88, %sub3A_82 : vector<16xi1>, vector<16xi32>
      %ge3A_90 = arith.constant 100000 : i32
      %ge3A_91 = vector.broadcast %ge3A_90 : i32 to vector<16xi32>
      %ge3A_92 = arith.cmpi sge, %select_n3A_89, %ge3A_91 : vector<16xi32>
      %sub3A_93 = arith.constant 100000 : i32
      %sub3A_94 = vector.broadcast %sub3A_93 : i32 to vector<16xi32>
      %sub3A_95 = arith.subi %select_n3A_89, %sub3A_94 : vector<16xi32>
      %select_n3A_96 = arith.select %ge3A_92, %sub3A_95, %select_n3A_89 : vector<16xi1>, vector<16xi32>
      %while3A_97 = arith.constant 0 : i32
      %while3A_98 = arith.constant 0 : i32
      %while3A_99 = arith.constant 64 : i32
      %while3A_100 = arith.subi %while3A_99, %while3A_98 : i32
      %while3A_101 = arith.addi %while3A_98, %while3A_100 : i32
      %while3A_102 = arith.constant 1 : i32
      %while3A_103 = arith.divsi %while3A_100, %while3A_102 : i32
      %while3A_104 = arith.muli %while3A_103, %while3A_102 : i32
      %while3A_105 = arith.addi %while3A_98, %while3A_104 : i32
      %while3A_106 = arith.constant 1 : i32
      scf.for %while3A_621 = %while3A_98 to %while3A_105 step %while3A_106  : i32 {
        %mul3A_622 = arith.constant 16 : i32
        %mul3A_623 = arith.muli %while3A_621, %mul3A_622 : i32
        %get3A_624 = arith.index_cast %mul3A_623 : i32 to index
        %get3A_625 = tpu.vector_load %arg10[%get3A_624] {strides = array<i32>} : memref<1024xi32, #tpu.memory_space<vmem>>, vector<16xi32>,
        %get3A_626 = vector.shape_cast %get3A_625 : vector<16xi32> to vector<16xi32>
        %shift_right_logical3A = arith.constant 10 : i32
        %shift_right_logical3A_627 = vector.broadcast %shift_right_logical3A : i32 to vector<16xi32>
        %shift_right_logical3A_628 = arith.shrui %get3A_626, %shift_right_logical3A_627 : vector<16xi32>
        %and3A = arith.constant 1023 : i32
        %and3A_629 = vector.broadcast %and3A : i32 to vector<16xi32>
        %and3A_630 = arith.andi %get3A_626, %and3A_629 : vector<16xi32>
        %mul3A_631 = arith.muli %shift_right_logical3A_628, %select_n3A_66 : vector<16xi32>
        %mul3A_632 = arith.muli %and3A_630, %select_n3A_40 : vector<16xi32>
        %add3A_633 = arith.addi %mul3A_631, %mul3A_632 : vector<16xi32>
        %add3A_634 = arith.addi %add3A_633, %select_n3A_96 : vector<16xi32>
        %convert_element_type3A_635 = arith.sitofp %add3A_634 : vector<16xi32> to vector<16xf32>
        %mul3A_636 = arith.constant 9.99999974E-6 : f32
        %mul3A_637 = vector.broadcast %mul3A_636 : f32 to vector<16xf32>
        %mul3A_638 = arith.mulf %convert_element_type3A_635, %mul3A_637 : vector<16xf32>
        %convert_element_type3A_639 = arith.fptosi %mul3A_638 : vector<16xf32> to vector<16xi32>
        %mul3A_640 = arith.constant 100000 : i32
        %mul3A_641 = vector.broadcast %mul3A_640 : i32 to vector<16xi32>
        %mul3A_642 = arith.muli %convert_element_type3A_639, %mul3A_641 : vector<16xi32>
        %sub3A_643 = arith.subi %add3A_634, %mul3A_642 : vector<16xi32>
        %lt3A_644 = arith.constant 0 : i32
        %lt3A_645 = vector.broadcast %lt3A_644 : i32 to vector<16xi32>
        %lt3A_646 = arith.cmpi slt, %sub3A_643, %lt3A_645 : vector<16xi32>
        %add3A_647 = arith.constant 100000 : i32
        %add3A_648 = vector.broadcast %add3A_647 : i32 to vector<16xi32>
        %add3A_649 = arith.addi %sub3A_643, %add3A_648 : vector<16xi32>
        %select_n3A_650 = arith.select %lt3A_646, %add3A_649, %sub3A_643 : vector<16xi1>, vector<16xi32>
        %ge3A_651 = arith.constant 100000 : i32
        %ge3A_652 = vector.broadcast %ge3A_651 : i32 to vector<16xi32>
        %ge3A_653 = arith.cmpi sge, %select_n3A_650, %ge3A_652 : vector<16xi32>
        %sub3A_654 = arith.constant 100000 : i32
        %sub3A_655 = vector.broadcast %sub3A_654 : i32 to vector<16xi32>
        %sub3A_656 = arith.subi %select_n3A_650, %sub3A_655 : vector<16xi32>
        %select_n3A_657 = arith.select %ge3A_653, %sub3A_656, %select_n3A_650 : vector<16xi1>, vector<16xi32>
        %mul3A_658 = arith.constant 16 : i32
        %mul3A_659 = arith.muli %while3A_621, %mul3A_658 : i32
        %swap3A = arith.constant 0 : i32
        %swap3A_660 = arith.index_cast %swap3A : i32 to index
        %swap3A_661 = arith.index_cast %mul3A_659 : i32 to index
        %swap3A_662 = tpu.vector_load %arg11[%swap3A_660, %swap3A_661] {strides = array<i32>} : memref<4x1024xi32, #tpu.memory_space<vmem>>, vector<1x16xi32>,
        %swap3A_663 = vector.shape_cast %swap3A_662 : vector<1x16xi32> to vector<16xi32>
        %swap3A_664 = vector.shape_cast %select_n3A_657 : vector<16xi32> to vector<1x16xi32>
        tpu.vector_store %arg11[%swap3A_660, %swap3A_661], %swap3A_664 {strides = array<i32>} : memref<4x1024xi32, #tpu.memory_space<vmem>>, vector<1x16xi32>,
      }
      %while3A_107 = arith.constant 1 : i32
      scf.for %while3A_621 = %while3A_105 to %while3A_101 step %while3A_107  : i32 {
        %mul3A_622 = arith.constant 16 : i32
        %mul3A_623 = arith.muli %while3A_621, %mul3A_622 : i32
        %get3A_624 = arith.index_cast %mul3A_623 : i32 to index
        %get3A_625 = tpu.vector_load %arg10[%get3A_624] {strides = array<i32>} : memref<1024xi32, #tpu.memory_space<vmem>>, vector<16xi32>,
        %get3A_626 = vector.shape_cast %get3A_625 : vector<16xi32> to vector<16xi32>
        %shift_right_logical3A = arith.constant 10 : i32
        %shift_right_logical3A_627 = vector.broadcast %shift_right_logical3A : i32 to vector<16xi32>
        %shift_right_logical3A_628 = arith.shrui %get3A_626, %shift_right_logical3A_627 : vector<16xi32>
        %and3A = arith.constant 1023 : i32
        %and3A_629 = vector.broadcast %and3A : i32 to vector<16xi32>
        %and3A_630 = arith.andi %get3A_626, %and3A_629 : vector<16xi32>
        %mul3A_631 = arith.muli %shift_right_logical3A_628, %select_n3A_66 : vector<16xi32>
        %mul3A_632 = arith.muli %and3A_630, %select_n3A_40 : vector<16xi32>
        %add3A_633 = arith.addi %mul3A_631, %mul3A_632 : vector<16xi32>
        %add3A_634 = arith.addi %add3A_633, %select_n3A_96 : vector<16xi32>
        %convert_element_type3A_635 = arith.sitofp %add3A_634 : vector<16xi32> to vector<16xf32>
        %mul3A_636 = arith.constant 9.99999974E-6 : f32
        %mul3A_637 = vector.broadcast %mul3A_636 : f32 to vector<16xf32>
        %mul3A_638 = arith.mulf %convert_element_type3A_635, %mul3A_637 : vector<16xf32>
        %convert_element_type3A_639 = arith.fptosi %mul3A_638 : vector<16xf32> to vector<16xi32>
        %mul3A_640 = arith.constant 100000 : i32
        %mul3A_641 = vector.broadcast %mul3A_640 : i32 to vector<16xi32>
        %mul3A_642 = arith.muli %convert_element_type3A_639, %mul3A_641 : vector<16xi32>
        %sub3A_643 = arith.subi %add3A_634, %mul3A_642 : vector<16xi32>
        %lt3A_644 = arith.constant 0 : i32
        %lt3A_645 = vector.broadcast %lt3A_644 : i32 to vector<16xi32>
        %lt3A_646 = arith.cmpi slt, %sub3A_643, %lt3A_645 : vector<16xi32>
        %add3A_647 = arith.constant 100000 : i32
        %add3A_648 = vector.broadcast %add3A_647 : i32 to vector<16xi32>
        %add3A_649 = arith.addi %sub3A_643, %add3A_648 : vector<16xi32>
        %select_n3A_650 = arith.select %lt3A_646, %add3A_649, %sub3A_643 : vector<16xi1>, vector<16xi32>
        %ge3A_651 = arith.constant 100000 : i32
        %ge3A_652 = vector.broadcast %ge3A_651 : i32 to vector<16xi32>
        %ge3A_653 = arith.cmpi sge, %select_n3A_650, %ge3A_652 : vector<16xi32>
        %sub3A_654 = arith.constant 100000 : i32
        %sub3A_655 = vector.broadcast %sub3A_654 : i32 to vector<16xi32>
        %sub3A_656 = arith.subi %select_n3A_650, %sub3A_655 : vector<16xi32>
        %select_n3A_657 = arith.select %ge3A_653, %sub3A_656, %select_n3A_650 : vector<16xi1>, vector<16xi32>
        %mul3A_658 = arith.constant 16 : i32
        %mul3A_659 = arith.muli %while3A_621, %mul3A_658 : i32
        %swap3A = arith.constant 0 : i32
        %swap3A_660 = arith.index_cast %swap3A : i32 to index
        %swap3A_661 = arith.index_cast %mul3A_659 : i32 to index
        %swap3A_662 = tpu.vector_load %arg11[%swap3A_660, %swap3A_661] {strides = array<i32>} : memref<4x1024xi32, #tpu.memory_space<vmem>>, vector<1x16xi32>,
        %swap3A_663 = vector.shape_cast %swap3A_662 : vector<1x16xi32> to vector<16xi32>
        %swap3A_664 = vector.shape_cast %select_n3A_657 : vector<16xi32> to vector<1x16xi32>
        tpu.vector_store %arg11[%swap3A_660, %swap3A_661], %swap3A_664 {strides = array<i32>} : memref<4x1024xi32, #tpu.memory_space<vmem>>, vector<1x16xi32>,
      }
      %dma_start3A = arith.constant 0 : i32
      %dma_start3A_108 = arith.constant 0 : i32
      %dma_start3A_109 = arith.constant 0 : i32
      %dma_start3A_110 = arith.constant 0 : i32
      %dma_start3A_111 = tpu.memref_slice %arg12[%dma_start3A_108, %dma_start3A_109, %dma_start3A_110] : memref<4x1024x16xf32, #tpu.memory_space<vmem>> -> memref<1x1024x16xf32, #tpu.memory_space<vmem>>
      %dma_start3A_112 = tpu.memref_squeeze %dma_start3A_111 : memref<1x1024x16xf32, #tpu.memory_space<vmem>> -> memref<1024x16xf32, #tpu.memory_space<vmem>>
      %dma_start3A_113 = arith.constant 0 : i32
      %dma_start3A_114 = tpu.memref_slice %arg11[%dma_start3A, %dma_start3A_113] : memref<4x1024xi32, #tpu.memory_space<vmem>> -> memref<1x1024xi32, #tpu.memory_space<vmem>>
      %dma_start3A_115 = tpu.memref_squeeze %dma_start3A_114 : memref<1x1024xi32, #tpu.memory_space<vmem>> -> memref<1024xi32, #tpu.memory_space<vmem>>
      %dma_start3A_116 = arith.constant 0 : i32
      %dma_start3A_117 = arith.constant 0 : i32
      %dma_start3A_118 = tpu.memref_slice %arg4[%dma_start3A_116, %dma_start3A_117] : memref<100000x16xf32, #tpu.memory_space<hbm>> -> memref<100000x16xf32, #tpu.memory_space<hbm>>
      tpu.enqueue_indirect_dma source(%dma_start3A_118 : memref<100000x16xf32, #tpu.memory_space<hbm>>) target(%dma_start3A_112 : memref<1024x16xf32, #tpu.memory_space<vmem>>) offsets(%dma_start3A_115 : memref<1024xi32, #tpu.memory_space<vmem>>) semaphore(%arg13 : memref<!tpu.dma_semaphore, #tpu.memory_space<semaphore_mem>>)
      %get3A_119 = arith.constant 1 : i64
      %get3A_120 = arith.constant 0 : i64
      %get3A_121 = arith.index_cast %get3A_119 : i64 to index
      %get3A_122 = arith.index_cast %get3A_120 : i64 to index
      %get3A_123 = arith.constant 0 : index
      %get3A_124 = tpu.vector_load %arg9[%get3A_121, %get3A_122, %get3A_123] {strides = array<i32>} : memref<4x2x16xi32, #tpu.memory_space<vmem>>, vector<1x1x16xi32>,
      %get3A_125 = vector.shape_cast %get3A_124 : vector<1x1x16xi32> to vector<16xi32>
      %convert_element_type3A_126 = arith.sitofp %get3A_125 : vector<16xi32> to vector<16xf32>
      %mul3A_127 = arith.constant 9.99999974E-6 : f32
      %mul3A_128 = vector.broadcast %mul3A_127 : f32 to vector<16xf32>
      %mul3A_129 = arith.mulf %convert_element_type3A_126, %mul3A_128 : vector<16xf32>
      %convert_element_type3A_130 = arith.fptosi %mul3A_129 : vector<16xf32> to vector<16xi32>
      %mul3A_131 = arith.constant 100000 : i32
      %mul3A_132 = vector.broadcast %mul3A_131 : i32 to vector<16xi32>
      %mul3A_133 = arith.muli %convert_element_type3A_130, %mul3A_132 : vector<16xi32>
      %sub3A_134 = arith.subi %get3A_125, %mul3A_133 : vector<16xi32>
      %lt3A_135 = arith.constant 0 : i32
      %lt3A_136 = vector.broadcast %lt3A_135 : i32 to vector<16xi32>
      %lt3A_137 = arith.cmpi slt, %sub3A_134, %lt3A_136 : vector<16xi32>
      %add3A_138 = arith.constant 100000 : i32
      %add3A_139 = vector.broadcast %add3A_138 : i32 to vector<16xi32>
      %add3A_140 = arith.addi %sub3A_134, %add3A_139 : vector<16xi32>
      %select_n3A_141 = arith.select %lt3A_137, %add3A_140, %sub3A_134 : vector<16xi1>, vector<16xi32>
      %ge3A_142 = arith.constant 100000 : i32
      %ge3A_143 = vector.broadcast %ge3A_142 : i32 to vector<16xi32>
      %ge3A_144 = arith.cmpi sge, %select_n3A_141, %ge3A_143 : vector<16xi32>
      %sub3A_145 = arith.constant 100000 : i32
      %sub3A_146 = vector.broadcast %sub3A_145 : i32 to vector<16xi32>
      %sub3A_147 = arith.subi %select_n3A_141, %sub3A_146 : vector<16xi32>
      %select_n3A_148 = arith.select %ge3A_144, %sub3A_147, %select_n3A_141 : vector<16xi1>, vector<16xi32>
      %mul3A_149 = arith.constant 1024 : i32
      %mul3A_150 = vector.broadcast %mul3A_149 : i32 to vector<16xi32>
      %mul3A_151 = arith.muli %select_n3A_148, %mul3A_150 : vector<16xi32>
      %convert_element_type3A_152 = arith.sitofp %mul3A_151 : vector<16xi32> to vector<16xf32>
      %mul3A_153 = arith.constant 9.99999974E-6 : f32
      %mul3A_154 = vector.broadcast %mul3A_153 : f32 to vector<16xf32>
      %mul3A_155 = arith.mulf %convert_element_type3A_152, %mul3A_154 : vector<16xf32>
      %convert_element_type3A_156 = arith.fptosi %mul3A_155 : vector<16xf32> to vector<16xi32>
      %mul3A_157 = arith.constant 100000 : i32
      %mul3A_158 = vector.broadcast %mul3A_157 : i32 to vector<16xi32>
      %mul3A_159 = arith.muli %convert_element_type3A_156, %mul3A_158 : vector<16xi32>
      %sub3A_160 = arith.subi %mul3A_151, %mul3A_159 : vector<16xi32>
      %lt3A_161 = arith.constant 0 : i32
      %lt3A_162 = vector.broadcast %lt3A_161 : i32 to vector<16xi32>
      %lt3A_163 = arith.cmpi slt, %sub3A_160, %lt3A_162 : vector<16xi32>
      %add3A_164 = arith.constant 100000 : i32
      %add3A_165 = vector.broadcast %add3A_164 : i32 to vector<16xi32>
      %add3A_166 = arith.addi %sub3A_160, %add3A_165 : vector<16xi32>
      %select_n3A_167 = arith.select %lt3A_163, %add3A_166, %sub3A_160 : vector<16xi1>, vector<16xi32>
      %ge3A_168 = arith.constant 100000 : i32
      %ge3A_169 = vector.broadcast %ge3A_168 : i32 to vector<16xi32>
      %ge3A_170 = arith.cmpi sge, %select_n3A_167, %ge3A_169 : vector<16xi32>
      %sub3A_171 = arith.constant 100000 : i32
      %sub3A_172 = vector.broadcast %sub3A_171 : i32 to vector<16xi32>
      %sub3A_173 = arith.subi %select_n3A_167, %sub3A_172 : vector<16xi32>
      %select_n3A_174 = arith.select %ge3A_170, %sub3A_173, %select_n3A_167 : vector<16xi1>, vector<16xi32>
      %get3A_175 = arith.constant 1 : i64
      %get3A_176 = arith.constant 1 : i64
      %get3A_177 = arith.index_cast %get3A_175 : i64 to index
      %get3A_178 = arith.index_cast %get3A_176 : i64 to index
      %get3A_179 = arith.constant 0 : index
      %get3A_180 = tpu.vector_load %arg9[%get3A_177, %get3A_178, %get3A_179] {strides = array<i32>} : memref<4x2x16xi32, #tpu.memory_space<vmem>>, vector<1x1x16xi32>,
      %get3A_181 = vector.shape_cast %get3A_180 : vector<1x1x16xi32> to vector<16xi32>
      %convert_element_type3A_182 = arith.sitofp %get3A_181 : vector<16xi32> to vector<16xf32>
      %mul3A_183 = arith.constant 9.99999974E-6 : f32
      %mul3A_184 = vector.broadcast %mul3A_183 : f32 to vector<16xf32>
      %mul3A_185 = arith.mulf %convert_element_type3A_182, %mul3A_184 : vector<16xf32>
      %convert_element_type3A_186 = arith.fptosi %mul3A_185 : vector<16xf32> to vector<16xi32>
      %mul3A_187 = arith.constant 100000 : i32
      %mul3A_188 = vector.broadcast %mul3A_187 : i32 to vector<16xi32>
      %mul3A_189 = arith.muli %convert_element_type3A_186, %mul3A_188 : vector<16xi32>
      %sub3A_190 = arith.subi %get3A_181, %mul3A_189 : vector<16xi32>
      %lt3A_191 = arith.constant 0 : i32
      %lt3A_192 = vector.broadcast %lt3A_191 : i32 to vector<16xi32>
      %lt3A_193 = arith.cmpi slt, %sub3A_190, %lt3A_192 : vector<16xi32>
      %add3A_194 = arith.constant 100000 : i32
      %add3A_195 = vector.broadcast %add3A_194 : i32 to vector<16xi32>
      %add3A_196 = arith.addi %sub3A_190, %add3A_195 : vector<16xi32>
      %select_n3A_197 = arith.select %lt3A_193, %add3A_196, %sub3A_190 : vector<16xi1>, vector<16xi32>
      %ge3A_198 = arith.constant 100000 : i32
      %ge3A_199 = vector.broadcast %ge3A_198 : i32 to vector<16xi32>
      %ge3A_200 = arith.cmpi sge, %select_n3A_197, %ge3A_199 : vector<16xi32>
      %sub3A_201 = arith.constant 100000 : i32
      %sub3A_202 = vector.broadcast %sub3A_201 : i32 to vector<16xi32>
      %sub3A_203 = arith.subi %select_n3A_197, %sub3A_202 : vector<16xi32>
      %select_n3A_204 = arith.select %ge3A_200, %sub3A_203, %select_n3A_197 : vector<16xi1>, vector<16xi32>
      %while3A_205 = arith.constant 0 : i32
      %while3A_206 = arith.constant 0 : i32
      %while3A_207 = arith.constant 64 : i32
      %while3A_208 = arith.subi %while3A_207, %while3A_206 : i32
      %while3A_209 = arith.addi %while3A_206, %while3A_208 : i32
      %while3A_210 = arith.constant 1 : i32
      %while3A_211 = arith.divsi %while3A_208, %while3A_210 : i32
      %while3A_212 = arith.muli %while3A_211, %while3A_210 : i32
      %while3A_213 = arith.addi %while3A_206, %while3A_212 : i32
      %while3A_214 = arith.constant 1 : i32
      scf.for %while3A_621 = %while3A_206 to %while3A_213 step %while3A_214  : i32 {
        %mul3A_622 = arith.constant 16 : i32
        %mul3A_623 = arith.muli %while3A_621, %mul3A_622 : i32
        %get3A_624 = arith.index_cast %mul3A_623 : i32 to index
        %get3A_625 = tpu.vector_load %arg10[%get3A_624] {strides = array<i32>} : memref<1024xi32, #tpu.memory_space<vmem>>, vector<16xi32>,
        %get3A_626 = vector.shape_cast %get3A_625 : vector<16xi32> to vector<16xi32>
        %shift_right_logical3A = arith.constant 10 : i32
        %shift_right_logical3A_627 = vector.broadcast %shift_right_logical3A : i32 to vector<16xi32>
        %shift_right_logical3A_628 = arith.shrui %get3A_626, %shift_right_logical3A_627 : vector<16xi32>
        %and3A = arith.constant 1023 : i32
        %and3A_629 = vector.broadcast %and3A : i32 to vector<16xi32>
        %and3A_630 = arith.andi %get3A_626, %and3A_629 : vector<16xi32>
        %mul3A_631 = arith.muli %shift_right_logical3A_628, %select_n3A_174 : vector<16xi32>
        %mul3A_632 = arith.muli %and3A_630, %select_n3A_148 : vector<16xi32>
        %add3A_633 = arith.addi %mul3A_631, %mul3A_632 : vector<16xi32>
        %add3A_634 = arith.addi %add3A_633, %select_n3A_204 : vector<16xi32>
        %convert_element_type3A_635 = arith.sitofp %add3A_634 : vector<16xi32> to vector<16xf32>
        %mul3A_636 = arith.constant 9.99999974E-6 : f32
        %mul3A_637 = vector.broadcast %mul3A_636 : f32 to vector<16xf32>
        %mul3A_638 = arith.mulf %convert_element_type3A_635, %mul3A_637 : vector<16xf32>
        %convert_element_type3A_639 = arith.fptosi %mul3A_638 : vector<16xf32> to vector<16xi32>
        %mul3A_640 = arith.constant 100000 : i32
        %mul3A_641 = vector.broadcast %mul3A_640 : i32 to vector<16xi32>
        %mul3A_642 = arith.muli %convert_element_type3A_639, %mul3A_641 : vector<16xi32>
        %sub3A_643 = arith.subi %add3A_634, %mul3A_642 : vector<16xi32>
        %lt3A_644 = arith.constant 0 : i32
        %lt3A_645 = vector.broadcast %lt3A_644 : i32 to vector<16xi32>
        %lt3A_646 = arith.cmpi slt, %sub3A_643, %lt3A_645 : vector<16xi32>
        %add3A_647 = arith.constant 100000 : i32
        %add3A_648 = vector.broadcast %add3A_647 : i32 to vector<16xi32>
        %add3A_649 = arith.addi %sub3A_643, %add3A_648 : vector<16xi32>
        %select_n3A_650 = arith.select %lt3A_646, %add3A_649, %sub3A_643 : vector<16xi1>, vector<16xi32>
        %ge3A_651 = arith.constant 100000 : i32
        %ge3A_652 = vector.broadcast %ge3A_651 : i32 to vector<16xi32>
        %ge3A_653 = arith.cmpi sge, %select_n3A_650, %ge3A_652 : vector<16xi32>
        %sub3A_654 = arith.constant 100000 : i32
        %sub3A_655 = vector.broadcast %sub3A_654 : i32 to vector<16xi32>
        %sub3A_656 = arith.subi %select_n3A_650, %sub3A_655 : vector<16xi32>
        %select_n3A_657 = arith.select %ge3A_653, %sub3A_656, %select_n3A_650 : vector<16xi1>, vector<16xi32>
        %mul3A_658 = arith.constant 16 : i32
        %mul3A_659 = arith.muli %while3A_621, %mul3A_658 : i32
        %swap3A = arith.constant 1 : i32
        %swap3A_660 = arith.index_cast %swap3A : i32 to index
        %swap3A_661 = arith.index_cast %mul3A_659 : i32 to index
        %swap3A_662 = tpu.vector_load %arg11[%swap3A_660, %swap3A_661] {strides = array<i32>} : memref<4x1024xi32, #tpu.memory_space<vmem>>, vector<1x16xi32>,
        %swap3A_663 = vector.shape_cast %swap3A_662 : vector<1x16xi32> to vector<16xi32>
        %swap3A_664 = vector.shape_cast %select_n3A_657 : vector<16xi32> to vector<1x16xi32>
        tpu.vector_store %arg11[%swap3A_660, %swap3A_661], %swap3A_664 {strides = array<i32>} : memref<4x1024xi32, #tpu.memory_space<vmem>>, vector<1x16xi32>,
      }
      %while3A_215 = arith.constant 1 : i32
      scf.for %while3A_621 = %while3A_213 to %while3A_209 step %while3A_215  : i32 {
        %mul3A_622 = arith.constant 16 : i32
        %mul3A_623 = arith.muli %while3A_621, %mul3A_622 : i32
        %get3A_624 = arith.index_cast %mul3A_623 : i32 to index
        %get3A_625 = tpu.vector_load %arg10[%get3A_624] {strides = array<i32>} : memref<1024xi32, #tpu.memory_space<vmem>>, vector<16xi32>,
        %get3A_626 = vector.shape_cast %get3A_625 : vector<16xi32> to vector<16xi32>
        %shift_right_logical3A = arith.constant 10 : i32
        %shift_right_logical3A_627 = vector.broadcast %shift_right_logical3A : i32 to vector<16xi32>
        %shift_right_logical3A_628 = arith.shrui %get3A_626, %shift_right_logical3A_627 : vector<16xi32>
        %and3A = arith.constant 1023 : i32
        %and3A_629 = vector.broadcast %and3A : i32 to vector<16xi32>
        %and3A_630 = arith.andi %get3A_626, %and3A_629 : vector<16xi32>
        %mul3A_631 = arith.muli %shift_right_logical3A_628, %select_n3A_174 : vector<16xi32>
        %mul3A_632 = arith.muli %and3A_630, %select_n3A_148 : vector<16xi32>
        %add3A_633 = arith.addi %mul3A_631, %mul3A_632 : vector<16xi32>
        %add3A_634 = arith.addi %add3A_633, %select_n3A_204 : vector<16xi32>
        %convert_element_type3A_635 = arith.sitofp %add3A_634 : vector<16xi32> to vector<16xf32>
        %mul3A_636 = arith.constant 9.99999974E-6 : f32
        %mul3A_637 = vector.broadcast %mul3A_636 : f32 to vector<16xf32>
        %mul3A_638 = arith.mulf %convert_element_type3A_635, %mul3A_637 : vector<16xf32>
        %convert_element_type3A_639 = arith.fptosi %mul3A_638 : vector<16xf32> to vector<16xi32>
        %mul3A_640 = arith.constant 100000 : i32
        %mul3A_641 = vector.broadcast %mul3A_640 : i32 to vector<16xi32>
        %mul3A_642 = arith.muli %convert_element_type3A_639, %mul3A_641 : vector<16xi32>
        %sub3A_643 = arith.subi %add3A_634, %mul3A_642 : vector<16xi32>
        %lt3A_644 = arith.constant 0 : i32
        %lt3A_645 = vector.broadcast %lt3A_644 : i32 to vector<16xi32>
        %lt3A_646 = arith.cmpi slt, %sub3A_643, %lt3A_645 : vector<16xi32>
        %add3A_647 = arith.constant 100000 : i32
        %add3A_648 = vector.broadcast %add3A_647 : i32 to vector<16xi32>
        %add3A_649 = arith.addi %sub3A_643, %add3A_648 : vector<16xi32>
        %select_n3A_650 = arith.select %lt3A_646, %add3A_649, %sub3A_643 : vector<16xi1>, vector<16xi32>
        %ge3A_651 = arith.constant 100000 : i32
        %ge3A_652 = vector.broadcast %ge3A_651 : i32 to vector<16xi32>
        %ge3A_653 = arith.cmpi sge, %select_n3A_650, %ge3A_652 : vector<16xi32>
        %sub3A_654 = arith.constant 100000 : i32
        %sub3A_655 = vector.broadcast %sub3A_654 : i32 to vector<16xi32>
        %sub3A_656 = arith.subi %select_n3A_650, %sub3A_655 : vector<16xi32>
        %select_n3A_657 = arith.select %ge3A_653, %sub3A_656, %select_n3A_650 : vector<16xi1>, vector<16xi32>
        %mul3A_658 = arith.constant 16 : i32
        %mul3A_659 = arith.muli %while3A_621, %mul3A_658 : i32
        %swap3A = arith.constant 1 : i32
        %swap3A_660 = arith.index_cast %swap3A : i32 to index
        %swap3A_661 = arith.index_cast %mul3A_659 : i32 to index
        %swap3A_662 = tpu.vector_load %arg11[%swap3A_660, %swap3A_661] {strides = array<i32>} : memref<4x1024xi32, #tpu.memory_space<vmem>>, vector<1x16xi32>,
        %swap3A_663 = vector.shape_cast %swap3A_662 : vector<1x16xi32> to vector<16xi32>
        %swap3A_664 = vector.shape_cast %select_n3A_657 : vector<16xi32> to vector<1x16xi32>
        tpu.vector_store %arg11[%swap3A_660, %swap3A_661], %swap3A_664 {strides = array<i32>} : memref<4x1024xi32, #tpu.memory_space<vmem>>, vector<1x16xi32>,
      }
      %dma_start3A_216 = arith.constant 1 : i32
      %dma_start3A_217 = arith.constant 1 : i32
      %dma_start3A_218 = arith.constant 0 : i32
      %dma_start3A_219 = arith.constant 0 : i32
      %dma_start3A_220 = tpu.memref_slice %arg12[%dma_start3A_217, %dma_start3A_218, %dma_start3A_219] : memref<4x1024x16xf32, #tpu.memory_space<vmem>> -> memref<1x1024x16xf32, #tpu.memory_space<vmem>>
      %dma_start3A_221 = tpu.memref_squeeze %dma_start3A_220 : memref<1x1024x16xf32, #tpu.memory_space<vmem>> -> memref<1024x16xf32, #tpu.memory_space<vmem>>
      %dma_start3A_222 = arith.constant 0 : i32
      %dma_start3A_223 = tpu.memref_slice %arg11[%dma_start3A_216, %dma_start3A_222] : memref<4x1024xi32, #tpu.memory_space<vmem>> -> memref<1x1024xi32, #tpu.memory_space<vmem>>
      %dma_start3A_224 = tpu.memref_squeeze %dma_start3A_223 : memref<1x1024xi32, #tpu.memory_space<vmem>> -> memref<1024xi32, #tpu.memory_space<vmem>>
      %dma_start3A_225 = arith.constant 0 : i32
      %dma_start3A_226 = arith.constant 0 : i32
      %dma_start3A_227 = tpu.memref_slice %arg5[%dma_start3A_225, %dma_start3A_226] : memref<100000x16xf32, #tpu.memory_space<hbm>> -> memref<100000x16xf32, #tpu.memory_space<hbm>>
      tpu.enqueue_indirect_dma source(%dma_start3A_227 : memref<100000x16xf32, #tpu.memory_space<hbm>>) target(%dma_start3A_221 : memref<1024x16xf32, #tpu.memory_space<vmem>>) offsets(%dma_start3A_224 : memref<1024xi32, #tpu.memory_space<vmem>>) semaphore(%arg13 : memref<!tpu.dma_semaphore, #tpu.memory_space<semaphore_mem>>)
      %get3A_228 = arith.constant 2 : i64
      %get3A_229 = arith.constant 0 : i64
      %get3A_230 = arith.index_cast %get3A_228 : i64 to index
      %get3A_231 = arith.index_cast %get3A_229 : i64 to index
      %get3A_232 = arith.constant 0 : index
      %get3A_233 = tpu.vector_load %arg9[%get3A_230, %get3A_231, %get3A_232] {strides = array<i32>} : memref<4x2x16xi32, #tpu.memory_space<vmem>>, vector<1x1x16xi32>,
      %get3A_234 = vector.shape_cast %get3A_233 : vector<1x1x16xi32> to vector<16xi32>
      %convert_element_type3A_235 = arith.sitofp %get3A_234 : vector<16xi32> to vector<16xf32>
      %mul3A_236 = arith.constant 9.99999974E-6 : f32
      %mul3A_237 = vector.broadcast %mul3A_236 : f32 to vector<16xf32>
      %mul3A_238 = arith.mulf %convert_element_type3A_235, %mul3A_237 : vector<16xf32>
      %convert_element_type3A_239 = arith.fptosi %mul3A_238 : vector<16xf32> to vector<16xi32>
      %mul3A_240 = arith.constant 100000 : i32
      %mul3A_241 = vector.broadcast %mul3A_240 : i32 to vector<16xi32>
      %mul3A_242 = arith.muli %convert_element_type3A_239, %mul3A_241 : vector<16xi32>
      %sub3A_243 = arith.subi %get3A_234, %mul3A_242 : vector<16xi32>
      %lt3A_244 = arith.constant 0 : i32
      %lt3A_245 = vector.broadcast %lt3A_244 : i32 to vector<16xi32>
      %lt3A_246 = arith.cmpi slt, %sub3A_243, %lt3A_245 : vector<16xi32>
      %add3A_247 = arith.constant 100000 : i32
      %add3A_248 = vector.broadcast %add3A_247 : i32 to vector<16xi32>
      %add3A_249 = arith.addi %sub3A_243, %add3A_248 : vector<16xi32>
      %select_n3A_250 = arith.select %lt3A_246, %add3A_249, %sub3A_243 : vector<16xi1>, vector<16xi32>
      %ge3A_251 = arith.constant 100000 : i32
      %ge3A_252 = vector.broadcast %ge3A_251 : i32 to vector<16xi32>
      %ge3A_253 = arith.cmpi sge, %select_n3A_250, %ge3A_252 : vector<16xi32>
      %sub3A_254 = arith.constant 100000 : i32
      %sub3A_255 = vector.broadcast %sub3A_254 : i32 to vector<16xi32>
      %sub3A_256 = arith.subi %select_n3A_250, %sub3A_255 : vector<16xi32>
      %select_n3A_257 = arith.select %ge3A_253, %sub3A_256, %select_n3A_250 : vector<16xi1>, vector<16xi32>
      %mul3A_258 = arith.constant 1024 : i32
      %mul3A_259 = vector.broadcast %mul3A_258 : i32 to vector<16xi32>
      %mul3A_260 = arith.muli %select_n3A_257, %mul3A_259 : vector<16xi32>
      %convert_element_type3A_261 = arith.sitofp %mul3A_260 : vector<16xi32> to vector<16xf32>
      %mul3A_262 = arith.constant 9.99999974E-6 : f32
      %mul3A_263 = vector.broadcast %mul3A_262 : f32 to vector<16xf32>
      %mul3A_264 = arith.mulf %convert_element_type3A_261, %mul3A_263 : vector<16xf32>
      %convert_element_type3A_265 = arith.fptosi %mul3A_264 : vector<16xf32> to vector<16xi32>
      %mul3A_266 = arith.constant 100000 : i32
      %mul3A_267 = vector.broadcast %mul3A_266 : i32 to vector<16xi32>
      %mul3A_268 = arith.muli %convert_element_type3A_265, %mul3A_267 : vector<16xi32>
      %sub3A_269 = arith.subi %mul3A_260, %mul3A_268 : vector<16xi32>
      %lt3A_270 = arith.constant 0 : i32
      %lt3A_271 = vector.broadcast %lt3A_270 : i32 to vector<16xi32>
      %lt3A_272 = arith.cmpi slt, %sub3A_269, %lt3A_271 : vector<16xi32>
      %add3A_273 = arith.constant 100000 : i32
      %add3A_274 = vector.broadcast %add3A_273 : i32 to vector<16xi32>
      %add3A_275 = arith.addi %sub3A_269, %add3A_274 : vector<16xi32>
      %select_n3A_276 = arith.select %lt3A_272, %add3A_275, %sub3A_269 : vector<16xi1>, vector<16xi32>
      %ge3A_277 = arith.constant 100000 : i32
      %ge3A_278 = vector.broadcast %ge3A_277 : i32 to vector<16xi32>
      %ge3A_279 = arith.cmpi sge, %select_n3A_276, %ge3A_278 : vector<16xi32>
      %sub3A_280 = arith.constant 100000 : i32
      %sub3A_281 = vector.broadcast %sub3A_280 : i32 to vector<16xi32>
      %sub3A_282 = arith.subi %select_n3A_276, %sub3A_281 : vector<16xi32>
      %select_n3A_283 = arith.select %ge3A_279, %sub3A_282, %select_n3A_276 : vector<16xi1>, vector<16xi32>
      %get3A_284 = arith.constant 2 : i64
      %get3A_285 = arith.constant 1 : i64
      %get3A_286 = arith.index_cast %get3A_284 : i64 to index
      %get3A_287 = arith.index_cast %get3A_285 : i64 to index
      %get3A_288 = arith.constant 0 : index
      %get3A_289 = tpu.vector_load %arg9[%get3A_286, %get3A_287, %get3A_288] {strides = array<i32>} : memref<4x2x16xi32, #tpu.memory_space<vmem>>, vector<1x1x16xi32>,
      %get3A_290 = vector.shape_cast %get3A_289 : vector<1x1x16xi32> to vector<16xi32>
      %convert_element_type3A_291 = arith.sitofp %get3A_290 : vector<16xi32> to vector<16xf32>
      %mul3A_292 = arith.constant 9.99999974E-6 : f32
      %mul3A_293 = vector.broadcast %mul3A_292 : f32 to vector<16xf32>
      %mul3A_294 = arith.mulf %convert_element_type3A_291, %mul3A_293 : vector<16xf32>
      %convert_element_type3A_295 = arith.fptosi %mul3A_294 : vector<16xf32> to vector<16xi32>
      %mul3A_296 = arith.constant 100000 : i32
      %mul3A_297 = vector.broadcast %mul3A_296 : i32 to vector<16xi32>
      %mul3A_298 = arith.muli %convert_element_type3A_295, %mul3A_297 : vector<16xi32>
      %sub3A_299 = arith.subi %get3A_290, %mul3A_298 : vector<16xi32>
      %lt3A_300 = arith.constant 0 : i32
      %lt3A_301 = vector.broadcast %lt3A_300 : i32 to vector<16xi32>
      %lt3A_302 = arith.cmpi slt, %sub3A_299, %lt3A_301 : vector<16xi32>
      %add3A_303 = arith.constant 100000 : i32
      %add3A_304 = vector.broadcast %add3A_303 : i32 to vector<16xi32>
      %add3A_305 = arith.addi %sub3A_299, %add3A_304 : vector<16xi32>
      %select_n3A_306 = arith.select %lt3A_302, %add3A_305, %sub3A_299 : vector<16xi1>, vector<16xi32>
      %ge3A_307 = arith.constant 100000 : i32
      %ge3A_308 = vector.broadcast %ge3A_307 : i32 to vector<16xi32>
      %ge3A_309 = arith.cmpi sge, %select_n3A_306, %ge3A_308 : vector<16xi32>
      %sub3A_310 = arith.constant 100000 : i32
      %sub3A_311 = vector.broadcast %sub3A_310 : i32 to vector<16xi32>
      %sub3A_312 = arith.subi %select_n3A_306, %sub3A_311 : vector<16xi32>
      %select_n3A_313 = arith.select %ge3A_309, %sub3A_312, %select_n3A_306 : vector<16xi1>, vector<16xi32>
      %while3A_314 = arith.constant 0 : i32
      %while3A_315 = arith.constant 0 : i32
      %while3A_316 = arith.constant 64 : i32
      %while3A_317 = arith.subi %while3A_316, %while3A_315 : i32
      %while3A_318 = arith.addi %while3A_315, %while3A_317 : i32
      %while3A_319 = arith.constant 1 : i32
      %while3A_320 = arith.divsi %while3A_317, %while3A_319 : i32
      %while3A_321 = arith.muli %while3A_320, %while3A_319 : i32
      %while3A_322 = arith.addi %while3A_315, %while3A_321 : i32
      %while3A_323 = arith.constant 1 : i32
      scf.for %while3A_621 = %while3A_315 to %while3A_322 step %while3A_323  : i32 {
        %mul3A_622 = arith.constant 16 : i32
        %mul3A_623 = arith.muli %while3A_621, %mul3A_622 : i32
        %get3A_624 = arith.index_cast %mul3A_623 : i32 to index
        %get3A_625 = tpu.vector_load %arg10[%get3A_624] {strides = array<i32>} : memref<1024xi32, #tpu.memory_space<vmem>>, vector<16xi32>,
        %get3A_626 = vector.shape_cast %get3A_625 : vector<16xi32> to vector<16xi32>
        %shift_right_logical3A = arith.constant 10 : i32
        %shift_right_logical3A_627 = vector.broadcast %shift_right_logical3A : i32 to vector<16xi32>
        %shift_right_logical3A_628 = arith.shrui %get3A_626, %shift_right_logical3A_627 : vector<16xi32>
        %and3A = arith.constant 1023 : i32
        %and3A_629 = vector.broadcast %and3A : i32 to vector<16xi32>
        %and3A_630 = arith.andi %get3A_626, %and3A_629 : vector<16xi32>
        %mul3A_631 = arith.muli %shift_right_logical3A_628, %select_n3A_283 : vector<16xi32>
        %mul3A_632 = arith.muli %and3A_630, %select_n3A_257 : vector<16xi32>
        %add3A_633 = arith.addi %mul3A_631, %mul3A_632 : vector<16xi32>
        %add3A_634 = arith.addi %add3A_633, %select_n3A_313 : vector<16xi32>
        %convert_element_type3A_635 = arith.sitofp %add3A_634 : vector<16xi32> to vector<16xf32>
        %mul3A_636 = arith.constant 9.99999974E-6 : f32
        %mul3A_637 = vector.broadcast %mul3A_636 : f32 to vector<16xf32>
        %mul3A_638 = arith.mulf %convert_element_type3A_635, %mul3A_637 : vector<16xf32>
        %convert_element_type3A_639 = arith.fptosi %mul3A_638 : vector<16xf32> to vector<16xi32>
        %mul3A_640 = arith.constant 100000 : i32
        %mul3A_641 = vector.broadcast %mul3A_640 : i32 to vector<16xi32>
        %mul3A_642 = arith.muli %convert_element_type3A_639, %mul3A_641 : vector<16xi32>
        %sub3A_643 = arith.subi %add3A_634, %mul3A_642 : vector<16xi32>
        %lt3A_644 = arith.constant 0 : i32
        %lt3A_645 = vector.broadcast %lt3A_644 : i32 to vector<16xi32>
        %lt3A_646 = arith.cmpi slt, %sub3A_643, %lt3A_645 : vector<16xi32>
        %add3A_647 = arith.constant 100000 : i32
        %add3A_648 = vector.broadcast %add3A_647 : i32 to vector<16xi32>
        %add3A_649 = arith.addi %sub3A_643, %add3A_648 : vector<16xi32>
        %select_n3A_650 = arith.select %lt3A_646, %add3A_649, %sub3A_643 : vector<16xi1>, vector<16xi32>
        %ge3A_651 = arith.constant 100000 : i32
        %ge3A_652 = vector.broadcast %ge3A_651 : i32 to vector<16xi32>
        %ge3A_653 = arith.cmpi sge, %select_n3A_650, %ge3A_652 : vector<16xi32>
        %sub3A_654 = arith.constant 100000 : i32
        %sub3A_655 = vector.broadcast %sub3A_654 : i32 to vector<16xi32>
        %sub3A_656 = arith.subi %select_n3A_650, %sub3A_655 : vector<16xi32>
        %select_n3A_657 = arith.select %ge3A_653, %sub3A_656, %select_n3A_650 : vector<16xi1>, vector<16xi32>
        %mul3A_658 = arith.constant 16 : i32
        %mul3A_659 = arith.muli %while3A_621, %mul3A_658 : i32
        %swap3A = arith.constant 2 : i32
        %swap3A_660 = arith.index_cast %swap3A : i32 to index
        %swap3A_661 = arith.index_cast %mul3A_659 : i32 to index
        %swap3A_662 = tpu.vector_load %arg11[%swap3A_660, %swap3A_661] {strides = array<i32>} : memref<4x1024xi32, #tpu.memory_space<vmem>>, vector<1x16xi32>,
        %swap3A_663 = vector.shape_cast %swap3A_662 : vector<1x16xi32> to vector<16xi32>
        %swap3A_664 = vector.shape_cast %select_n3A_657 : vector<16xi32> to vector<1x16xi32>
        tpu.vector_store %arg11[%swap3A_660, %swap3A_661], %swap3A_664 {strides = array<i32>} : memref<4x1024xi32, #tpu.memory_space<vmem>>, vector<1x16xi32>,
      }
      %while3A_324 = arith.constant 1 : i32
      scf.for %while3A_621 = %while3A_322 to %while3A_318 step %while3A_324  : i32 {
        %mul3A_622 = arith.constant 16 : i32
        %mul3A_623 = arith.muli %while3A_621, %mul3A_622 : i32
        %get3A_624 = arith.index_cast %mul3A_623 : i32 to index
        %get3A_625 = tpu.vector_load %arg10[%get3A_624] {strides = array<i32>} : memref<1024xi32, #tpu.memory_space<vmem>>, vector<16xi32>,
        %get3A_626 = vector.shape_cast %get3A_625 : vector<16xi32> to vector<16xi32>
        %shift_right_logical3A = arith.constant 10 : i32
        %shift_right_logical3A_627 = vector.broadcast %shift_right_logical3A : i32 to vector<16xi32>
        %shift_right_logical3A_628 = arith.shrui %get3A_626, %shift_right_logical3A_627 : vector<16xi32>
        %and3A = arith.constant 1023 : i32
        %and3A_629 = vector.broadcast %and3A : i32 to vector<16xi32>
        %and3A_630 = arith.andi %get3A_626, %and3A_629 : vector<16xi32>
        %mul3A_631 = arith.muli %shift_right_logical3A_628, %select_n3A_283 : vector<16xi32>
        %mul3A_632 = arith.muli %and3A_630, %select_n3A_257 : vector<16xi32>
        %add3A_633 = arith.addi %mul3A_631, %mul3A_632 : vector<16xi32>
        %add3A_634 = arith.addi %add3A_633, %select_n3A_313 : vector<16xi32>
        %convert_element_type3A_635 = arith.sitofp %add3A_634 : vector<16xi32> to vector<16xf32>
        %mul3A_636 = arith.constant 9.99999974E-6 : f32
        %mul3A_637 = vector.broadcast %mul3A_636 : f32 to vector<16xf32>
        %mul3A_638 = arith.mulf %convert_element_type3A_635, %mul3A_637 : vector<16xf32>
        %convert_element_type3A_639 = arith.fptosi %mul3A_638 : vector<16xf32> to vector<16xi32>
        %mul3A_640 = arith.constant 100000 : i32
        %mul3A_641 = vector.broadcast %mul3A_640 : i32 to vector<16xi32>
        %mul3A_642 = arith.muli %convert_element_type3A_639, %mul3A_641 : vector<16xi32>
        %sub3A_643 = arith.subi %add3A_634, %mul3A_642 : vector<16xi32>
        %lt3A_644 = arith.constant 0 : i32
        %lt3A_645 = vector.broadcast %lt3A_644 : i32 to vector<16xi32>
        %lt3A_646 = arith.cmpi slt, %sub3A_643, %lt3A_645 : vector<16xi32>
        %add3A_647 = arith.constant 100000 : i32
        %add3A_648 = vector.broadcast %add3A_647 : i32 to vector<16xi32>
        %add3A_649 = arith.addi %sub3A_643, %add3A_648 : vector<16xi32>
        %select_n3A_650 = arith.select %lt3A_646, %add3A_649, %sub3A_643 : vector<16xi1>, vector<16xi32>
        %ge3A_651 = arith.constant 100000 : i32
        %ge3A_652 = vector.broadcast %ge3A_651 : i32 to vector<16xi32>
        %ge3A_653 = arith.cmpi sge, %select_n3A_650, %ge3A_652 : vector<16xi32>
        %sub3A_654 = arith.constant 100000 : i32
        %sub3A_655 = vector.broadcast %sub3A_654 : i32 to vector<16xi32>
        %sub3A_656 = arith.subi %select_n3A_650, %sub3A_655 : vector<16xi32>
        %select_n3A_657 = arith.select %ge3A_653, %sub3A_656, %select_n3A_650 : vector<16xi1>, vector<16xi32>
        %mul3A_658 = arith.constant 16 : i32
        %mul3A_659 = arith.muli %while3A_621, %mul3A_658 : i32
        %swap3A = arith.constant 2 : i32
        %swap3A_660 = arith.index_cast %swap3A : i32 to index
        %swap3A_661 = arith.index_cast %mul3A_659 : i32 to index
        %swap3A_662 = tpu.vector_load %arg11[%swap3A_660, %swap3A_661] {strides = array<i32>} : memref<4x1024xi32, #tpu.memory_space<vmem>>, vector<1x16xi32>,
        %swap3A_663 = vector.shape_cast %swap3A_662 : vector<1x16xi32> to vector<16xi32>
        %swap3A_664 = vector.shape_cast %select_n3A_657 : vector<16xi32> to vector<1x16xi32>
        tpu.vector_store %arg11[%swap3A_660, %swap3A_661], %swap3A_664 {strides = array<i32>} : memref<4x1024xi32, #tpu.memory_space<vmem>>, vector<1x16xi32>,
      }
      %dma_start3A_325 = arith.constant 2 : i32
      %dma_start3A_326 = arith.constant 2 : i32
      %dma_start3A_327 = arith.constant 0 : i32
      %dma_start3A_328 = arith.constant 0 : i32
      %dma_start3A_329 = tpu.memref_slice %arg12[%dma_start3A_326, %dma_start3A_327, %dma_start3A_328] : memref<4x1024x16xf32, #tpu.memory_space<vmem>> -> memref<1x1024x16xf32, #tpu.memory_space<vmem>>
      %dma_start3A_330 = tpu.memref_squeeze %dma_start3A_329 : memref<1x1024x16xf32, #tpu.memory_space<vmem>> -> memref<1024x16xf32, #tpu.memory_space<vmem>>
      %dma_start3A_331 = arith.constant 0 : i32
      %dma_start3A_332 = tpu.memref_slice %arg11[%dma_start3A_325, %dma_start3A_331] : memref<4x1024xi32, #tpu.memory_space<vmem>> -> memref<1x1024xi32, #tpu.memory_space<vmem>>
      %dma_start3A_333 = tpu.memref_squeeze %dma_start3A_332 : memref<1x1024xi32, #tpu.memory_space<vmem>> -> memref<1024xi32, #tpu.memory_space<vmem>>
      %dma_start3A_334 = arith.constant 0 : i32
      %dma_start3A_335 = arith.constant 0 : i32
      %dma_start3A_336 = tpu.memref_slice %arg6[%dma_start3A_334, %dma_start3A_335] : memref<100000x16xf32, #tpu.memory_space<hbm>> -> memref<100000x16xf32, #tpu.memory_space<hbm>>
      tpu.enqueue_indirect_dma source(%dma_start3A_336 : memref<100000x16xf32, #tpu.memory_space<hbm>>) target(%dma_start3A_330 : memref<1024x16xf32, #tpu.memory_space<vmem>>) offsets(%dma_start3A_333 : memref<1024xi32, #tpu.memory_space<vmem>>) semaphore(%arg13 : memref<!tpu.dma_semaphore, #tpu.memory_space<semaphore_mem>>)
      %get3A_337 = arith.constant 3 : i64
      %get3A_338 = arith.constant 0 : i64
      %get3A_339 = arith.index_cast %get3A_337 : i64 to index
      %get3A_340 = arith.index_cast %get3A_338 : i64 to index
      %get3A_341 = arith.constant 0 : index
      %get3A_342 = tpu.vector_load %arg9[%get3A_339, %get3A_340, %get3A_341] {strides = array<i32>} : memref<4x2x16xi32, #tpu.memory_space<vmem>>, vector<1x1x16xi32>,
      %get3A_343 = vector.shape_cast %get3A_342 : vector<1x1x16xi32> to vector<16xi32>
      %convert_element_type3A_344 = arith.sitofp %get3A_343 : vector<16xi32> to vector<16xf32>
      %mul3A_345 = arith.constant 9.99999974E-6 : f32
      %mul3A_346 = vector.broadcast %mul3A_345 : f32 to vector<16xf32>
      %mul3A_347 = arith.mulf %convert_element_type3A_344, %mul3A_346 : vector<16xf32>
      %convert_element_type3A_348 = arith.fptosi %mul3A_347 : vector<16xf32> to vector<16xi32>
      %mul3A_349 = arith.constant 100000 : i32
      %mul3A_350 = vector.broadcast %mul3A_349 : i32 to vector<16xi32>
      %mul3A_351 = arith.muli %convert_element_type3A_348, %mul3A_350 : vector<16xi32>
      %sub3A_352 = arith.subi %get3A_343, %mul3A_351 : vector<16xi32>
      %lt3A_353 = arith.constant 0 : i32
      %lt3A_354 = vector.broadcast %lt3A_353 : i32 to vector<16xi32>
      %lt3A_355 = arith.cmpi slt, %sub3A_352, %lt3A_354 : vector<16xi32>
      %add3A_356 = arith.constant 100000 : i32
      %add3A_357 = vector.broadcast %add3A_356 : i32 to vector<16xi32>
      %add3A_358 = arith.addi %sub3A_352, %add3A_357 : vector<16xi32>
      %select_n3A_359 = arith.select %lt3A_355, %add3A_358, %sub3A_352 : vector<16xi1>, vector<16xi32>
      %ge3A_360 = arith.constant 100000 : i32
      %ge3A_361 = vector.broadcast %ge3A_360 : i32 to vector<16xi32>
      %ge3A_362 = arith.cmpi sge, %select_n3A_359, %ge3A_361 : vector<16xi32>
      %sub3A_363 = arith.constant 100000 : i32
      %sub3A_364 = vector.broadcast %sub3A_363 : i32 to vector<16xi32>
      %sub3A_365 = arith.subi %select_n3A_359, %sub3A_364 : vector<16xi32>
      %select_n3A_366 = arith.select %ge3A_362, %sub3A_365, %select_n3A_359 : vector<16xi1>, vector<16xi32>
      %mul3A_367 = arith.constant 1024 : i32
      %mul3A_368 = vector.broadcast %mul3A_367 : i32 to vector<16xi32>
      %mul3A_369 = arith.muli %select_n3A_366, %mul3A_368 : vector<16xi32>
      %convert_element_type3A_370 = arith.sitofp %mul3A_369 : vector<16xi32> to vector<16xf32>
      %mul3A_371 = arith.constant 9.99999974E-6 : f32
      %mul3A_372 = vector.broadcast %mul3A_371 : f32 to vector<16xf32>
      %mul3A_373 = arith.mulf %convert_element_type3A_370, %mul3A_372 : vector<16xf32>
      %convert_element_type3A_374 = arith.fptosi %mul3A_373 : vector<16xf32> to vector<16xi32>
      %mul3A_375 = arith.constant 100000 : i32
      %mul3A_376 = vector.broadcast %mul3A_375 : i32 to vector<16xi32>
      %mul3A_377 = arith.muli %convert_element_type3A_374, %mul3A_376 : vector<16xi32>
      %sub3A_378 = arith.subi %mul3A_369, %mul3A_377 : vector<16xi32>
      %lt3A_379 = arith.constant 0 : i32
      %lt3A_380 = vector.broadcast %lt3A_379 : i32 to vector<16xi32>
      %lt3A_381 = arith.cmpi slt, %sub3A_378, %lt3A_380 : vector<16xi32>
      %add3A_382 = arith.constant 100000 : i32
      %add3A_383 = vector.broadcast %add3A_382 : i32 to vector<16xi32>
      %add3A_384 = arith.addi %sub3A_378, %add3A_383 : vector<16xi32>
      %select_n3A_385 = arith.select %lt3A_381, %add3A_384, %sub3A_378 : vector<16xi1>, vector<16xi32>
      %ge3A_386 = arith.constant 100000 : i32
      %ge3A_387 = vector.broadcast %ge3A_386 : i32 to vector<16xi32>
      %ge3A_388 = arith.cmpi sge, %select_n3A_385, %ge3A_387 : vector<16xi32>
      %sub3A_389 = arith.constant 100000 : i32
      %sub3A_390 = vector.broadcast %sub3A_389 : i32 to vector<16xi32>
      %sub3A_391 = arith.subi %select_n3A_385, %sub3A_390 : vector<16xi32>
      %select_n3A_392 = arith.select %ge3A_388, %sub3A_391, %select_n3A_385 : vector<16xi1>, vector<16xi32>
      %get3A_393 = arith.constant 3 : i64
      %get3A_394 = arith.constant 1 : i64
      %get3A_395 = arith.index_cast %get3A_393 : i64 to index
      %get3A_396 = arith.index_cast %get3A_394 : i64 to index
      %get3A_397 = arith.constant 0 : index
      %get3A_398 = tpu.vector_load %arg9[%get3A_395, %get3A_396, %get3A_397] {strides = array<i32>} : memref<4x2x16xi32, #tpu.memory_space<vmem>>, vector<1x1x16xi32>,
      %get3A_399 = vector.shape_cast %get3A_398 : vector<1x1x16xi32> to vector<16xi32>
      %convert_element_type3A_400 = arith.sitofp %get3A_399 : vector<16xi32> to vector<16xf32>
      %mul3A_401 = arith.constant 9.99999974E-6 : f32
      %mul3A_402 = vector.broadcast %mul3A_401 : f32 to vector<16xf32>
      %mul3A_403 = arith.mulf %convert_element_type3A_400, %mul3A_402 : vector<16xf32>
      %convert_element_type3A_404 = arith.fptosi %mul3A_403 : vector<16xf32> to vector<16xi32>
      %mul3A_405 = arith.constant 100000 : i32
      %mul3A_406 = vector.broadcast %mul3A_405 : i32 to vector<16xi32>
      %mul3A_407 = arith.muli %convert_element_type3A_404, %mul3A_406 : vector<16xi32>
      %sub3A_408 = arith.subi %get3A_399, %mul3A_407 : vector<16xi32>
      %lt3A_409 = arith.constant 0 : i32
      %lt3A_410 = vector.broadcast %lt3A_409 : i32 to vector<16xi32>
      %lt3A_411 = arith.cmpi slt, %sub3A_408, %lt3A_410 : vector<16xi32>
      %add3A_412 = arith.constant 100000 : i32
      %add3A_413 = vector.broadcast %add3A_412 : i32 to vector<16xi32>
      %add3A_414 = arith.addi %sub3A_408, %add3A_413 : vector<16xi32>
      %select_n3A_415 = arith.select %lt3A_411, %add3A_414, %sub3A_408 : vector<16xi1>, vector<16xi32>
      %ge3A_416 = arith.constant 100000 : i32
      %ge3A_417 = vector.broadcast %ge3A_416 : i32 to vector<16xi32>
      %ge3A_418 = arith.cmpi sge, %select_n3A_415, %ge3A_417 : vector<16xi32>
      %sub3A_419 = arith.constant 100000 : i32
      %sub3A_420 = vector.broadcast %sub3A_419 : i32 to vector<16xi32>
      %sub3A_421 = arith.subi %select_n3A_415, %sub3A_420 : vector<16xi32>
      %select_n3A_422 = arith.select %ge3A_418, %sub3A_421, %select_n3A_415 : vector<16xi1>, vector<16xi32>
      %while3A_423 = arith.constant 0 : i32
      %while3A_424 = arith.constant 0 : i32
      %while3A_425 = arith.constant 64 : i32
      %while3A_426 = arith.subi %while3A_425, %while3A_424 : i32
      %while3A_427 = arith.addi %while3A_424, %while3A_426 : i32
      %while3A_428 = arith.constant 1 : i32
      %while3A_429 = arith.divsi %while3A_426, %while3A_428 : i32
      %while3A_430 = arith.muli %while3A_429, %while3A_428 : i32
      %while3A_431 = arith.addi %while3A_424, %while3A_430 : i32
      %while3A_432 = arith.constant 1 : i32
      scf.for %while3A_621 = %while3A_424 to %while3A_431 step %while3A_432  : i32 {
        %mul3A_622 = arith.constant 16 : i32
        %mul3A_623 = arith.muli %while3A_621, %mul3A_622 : i32
        %get3A_624 = arith.index_cast %mul3A_623 : i32 to index
        %get3A_625 = tpu.vector_load %arg10[%get3A_624] {strides = array<i32>} : memref<1024xi32, #tpu.memory_space<vmem>>, vector<16xi32>,
        %get3A_626 = vector.shape_cast %get3A_625 : vector<16xi32> to vector<16xi32>
        %shift_right_logical3A = arith.constant 10 : i32
        %shift_right_logical3A_627 = vector.broadcast %shift_right_logical3A : i32 to vector<16xi32>
        %shift_right_logical3A_628 = arith.shrui %get3A_626, %shift_right_logical3A_627 : vector<16xi32>
        %and3A = arith.constant 1023 : i32
        %and3A_629 = vector.broadcast %and3A : i32 to vector<16xi32>
        %and3A_630 = arith.andi %get3A_626, %and3A_629 : vector<16xi32>
        %mul3A_631 = arith.muli %shift_right_logical3A_628, %select_n3A_392 : vector<16xi32>
        %mul3A_632 = arith.muli %and3A_630, %select_n3A_366 : vector<16xi32>
        %add3A_633 = arith.addi %mul3A_631, %mul3A_632 : vector<16xi32>
        %add3A_634 = arith.addi %add3A_633, %select_n3A_422 : vector<16xi32>
        %convert_element_type3A_635 = arith.sitofp %add3A_634 : vector<16xi32> to vector<16xf32>
        %mul3A_636 = arith.constant 9.99999974E-6 : f32
        %mul3A_637 = vector.broadcast %mul3A_636 : f32 to vector<16xf32>
        %mul3A_638 = arith.mulf %convert_element_type3A_635, %mul3A_637 : vector<16xf32>
        %convert_element_type3A_639 = arith.fptosi %mul3A_638 : vector<16xf32> to vector<16xi32>
        %mul3A_640 = arith.constant 100000 : i32
        %mul3A_641 = vector.broadcast %mul3A_640 : i32 to vector<16xi32>
        %mul3A_642 = arith.muli %convert_element_type3A_639, %mul3A_641 : vector<16xi32>
        %sub3A_643 = arith.subi %add3A_634, %mul3A_642 : vector<16xi32>
        %lt3A_644 = arith.constant 0 : i32
        %lt3A_645 = vector.broadcast %lt3A_644 : i32 to vector<16xi32>
        %lt3A_646 = arith.cmpi slt, %sub3A_643, %lt3A_645 : vector<16xi32>
        %add3A_647 = arith.constant 100000 : i32
        %add3A_648 = vector.broadcast %add3A_647 : i32 to vector<16xi32>
        %add3A_649 = arith.addi %sub3A_643, %add3A_648 : vector<16xi32>
        %select_n3A_650 = arith.select %lt3A_646, %add3A_649, %sub3A_643 : vector<16xi1>, vector<16xi32>
        %ge3A_651 = arith.constant 100000 : i32
        %ge3A_652 = vector.broadcast %ge3A_651 : i32 to vector<16xi32>
        %ge3A_653 = arith.cmpi sge, %select_n3A_650, %ge3A_652 : vector<16xi32>
        %sub3A_654 = arith.constant 100000 : i32
        %sub3A_655 = vector.broadcast %sub3A_654 : i32 to vector<16xi32>
        %sub3A_656 = arith.subi %select_n3A_650, %sub3A_655 : vector<16xi32>
        %select_n3A_657 = arith.select %ge3A_653, %sub3A_656, %select_n3A_650 : vector<16xi1>, vector<16xi32>
        %mul3A_658 = arith.constant 16 : i32
        %mul3A_659 = arith.muli %while3A_621, %mul3A_658 : i32
        %swap3A = arith.constant 3 : i32
        %swap3A_660 = arith.index_cast %swap3A : i32 to index
        %swap3A_661 = arith.index_cast %mul3A_659 : i32 to index
        %swap3A_662 = tpu.vector_load %arg11[%swap3A_660, %swap3A_661] {strides = array<i32>} : memref<4x1024xi32, #tpu.memory_space<vmem>>, vector<1x16xi32>,
        %swap3A_663 = vector.shape_cast %swap3A_662 : vector<1x16xi32> to vector<16xi32>
        %swap3A_664 = vector.shape_cast %select_n3A_657 : vector<16xi32> to vector<1x16xi32>
        tpu.vector_store %arg11[%swap3A_660, %swap3A_661], %swap3A_664 {strides = array<i32>} : memref<4x1024xi32, #tpu.memory_space<vmem>>, vector<1x16xi32>,
      }
      %while3A_433 = arith.constant 1 : i32
      scf.for %while3A_621 = %while3A_431 to %while3A_427 step %while3A_433  : i32 {
        %mul3A_622 = arith.constant 16 : i32
        %mul3A_623 = arith.muli %while3A_621, %mul3A_622 : i32
        %get3A_624 = arith.index_cast %mul3A_623 : i32 to index
        %get3A_625 = tpu.vector_load %arg10[%get3A_624] {strides = array<i32>} : memref<1024xi32, #tpu.memory_space<vmem>>, vector<16xi32>,
        %get3A_626 = vector.shape_cast %get3A_625 : vector<16xi32> to vector<16xi32>
        %shift_right_logical3A = arith.constant 10 : i32
        %shift_right_logical3A_627 = vector.broadcast %shift_right_logical3A : i32 to vector<16xi32>
        %shift_right_logical3A_628 = arith.shrui %get3A_626, %shift_right_logical3A_627 : vector<16xi32>
        %and3A = arith.constant 1023 : i32
        %and3A_629 = vector.broadcast %and3A : i32 to vector<16xi32>
        %and3A_630 = arith.andi %get3A_626, %and3A_629 : vector<16xi32>
        %mul3A_631 = arith.muli %shift_right_logical3A_628, %select_n3A_392 : vector<16xi32>
        %mul3A_632 = arith.muli %and3A_630, %select_n3A_366 : vector<16xi32>
        %add3A_633 = arith.addi %mul3A_631, %mul3A_632 : vector<16xi32>
        %add3A_634 = arith.addi %add3A_633, %select_n3A_422 : vector<16xi32>
        %convert_element_type3A_635 = arith.sitofp %add3A_634 : vector<16xi32> to vector<16xf32>
        %mul3A_636 = arith.constant 9.99999974E-6 : f32
        %mul3A_637 = vector.broadcast %mul3A_636 : f32 to vector<16xf32>
        %mul3A_638 = arith.mulf %convert_element_type3A_635, %mul3A_637 : vector<16xf32>
        %convert_element_type3A_639 = arith.fptosi %mul3A_638 : vector<16xf32> to vector<16xi32>
        %mul3A_640 = arith.constant 100000 : i32
        %mul3A_641 = vector.broadcast %mul3A_640 : i32 to vector<16xi32>
        %mul3A_642 = arith.muli %convert_element_type3A_639, %mul3A_641 : vector<16xi32>
        %sub3A_643 = arith.subi %add3A_634, %mul3A_642 : vector<16xi32>
        %lt3A_644 = arith.constant 0 : i32
        %lt3A_645 = vector.broadcast %lt3A_644 : i32 to vector<16xi32>
        %lt3A_646 = arith.cmpi slt, %sub3A_643, %lt3A_645 : vector<16xi32>
        %add3A_647 = arith.constant 100000 : i32
        %add3A_648 = vector.broadcast %add3A_647 : i32 to vector<16xi32>
        %add3A_649 = arith.addi %sub3A_643, %add3A_648 : vector<16xi32>
        %select_n3A_650 = arith.select %lt3A_646, %add3A_649, %sub3A_643 : vector<16xi1>, vector<16xi32>
        %ge3A_651 = arith.constant 100000 : i32
        %ge3A_652 = vector.broadcast %ge3A_651 : i32 to vector<16xi32>
        %ge3A_653 = arith.cmpi sge, %select_n3A_650, %ge3A_652 : vector<16xi32>
        %sub3A_654 = arith.constant 100000 : i32
        %sub3A_655 = vector.broadcast %sub3A_654 : i32 to vector<16xi32>
        %sub3A_656 = arith.subi %select_n3A_650, %sub3A_655 : vector<16xi32>
        %select_n3A_657 = arith.select %ge3A_653, %sub3A_656, %select_n3A_650 : vector<16xi1>, vector<16xi32>
        %mul3A_658 = arith.constant 16 : i32
        %mul3A_659 = arith.muli %while3A_621, %mul3A_658 : i32
        %swap3A = arith.constant 3 : i32
        %swap3A_660 = arith.index_cast %swap3A : i32 to index
        %swap3A_661 = arith.index_cast %mul3A_659 : i32 to index
        %swap3A_662 = tpu.vector_load %arg11[%swap3A_660, %swap3A_661] {strides = array<i32>} : memref<4x1024xi32, #tpu.memory_space<vmem>>, vector<1x16xi32>,
        %swap3A_663 = vector.shape_cast %swap3A_662 : vector<1x16xi32> to vector<16xi32>
        %swap3A_664 = vector.shape_cast %select_n3A_657 : vector<16xi32> to vector<1x16xi32>
        tpu.vector_store %arg11[%swap3A_660, %swap3A_661], %swap3A_664 {strides = array<i32>} : memref<4x1024xi32, #tpu.memory_space<vmem>>, vector<1x16xi32>,
      }
      %dma_start3A_434 = arith.constant 3 : i32
      %dma_start3A_435 = arith.constant 3 : i32
      %dma_start3A_436 = arith.constant 0 : i32
      %dma_start3A_437 = arith.constant 0 : i32
      %dma_start3A_438 = tpu.memref_slice %arg12[%dma_start3A_435, %dma_start3A_436, %dma_start3A_437] : memref<4x1024x16xf32, #tpu.memory_space<vmem>> -> memref<1x1024x16xf32, #tpu.memory_space<vmem>>
      %dma_start3A_439 = tpu.memref_squeeze %dma_start3A_438 : memref<1x1024x16xf32, #tpu.memory_space<vmem>> -> memref<1024x16xf32, #tpu.memory_space<vmem>>
      %dma_start3A_440 = arith.constant 0 : i32
      %dma_start3A_441 = tpu.memref_slice %arg11[%dma_start3A_434, %dma_start3A_440] : memref<4x1024xi32, #tpu.memory_space<vmem>> -> memref<1x1024xi32, #tpu.memory_space<vmem>>
      %dma_start3A_442 = tpu.memref_squeeze %dma_start3A_441 : memref<1x1024xi32, #tpu.memory_space<vmem>> -> memref<1024xi32, #tpu.memory_space<vmem>>
      %dma_start3A_443 = arith.constant 0 : i32
      %dma_start3A_444 = arith.constant 0 : i32
      %dma_start3A_445 = tpu.memref_slice %arg7[%dma_start3A_443, %dma_start3A_444] : memref<100000x16xf32, #tpu.memory_space<hbm>> -> memref<100000x16xf32, #tpu.memory_space<hbm>>
      tpu.enqueue_indirect_dma source(%dma_start3A_445 : memref<100000x16xf32, #tpu.memory_space<hbm>>) target(%dma_start3A_439 : memref<1024x16xf32, #tpu.memory_space<vmem>>) offsets(%dma_start3A_442 : memref<1024xi32, #tpu.memory_space<vmem>>) semaphore(%arg13 : memref<!tpu.dma_semaphore, #tpu.memory_space<semaphore_mem>>)
      %dma_wait3A = arith.constant 0 : i32
      %dma_wait3A_446 = arith.constant 0 : i32
      %dma_wait3A_447 = arith.constant 0 : i32
      %dma_wait3A_448 = arith.constant 0 : i32
      %dma_wait3A_449 = tpu.memref_slice %arg12[%dma_wait3A_446, %dma_wait3A_447, %dma_wait3A_448] : memref<4x1024x16xf32, #tpu.memory_space<vmem>> -> memref<1x1024x16xf32, #tpu.memory_space<vmem>>
      %dma_wait3A_450 = tpu.memref_squeeze %dma_wait3A_449 : memref<1x1024x16xf32, #tpu.memory_space<vmem>> -> memref<1024x16xf32, #tpu.memory_space<vmem>>
      %dma_wait3A_451 = arith.constant 0 : i32
      %dma_wait3A_452 = tpu.memref_slice %arg11[%dma_wait3A, %dma_wait3A_451] : memref<4x1024xi32, #tpu.memory_space<vmem>> -> memref<1x1024xi32, #tpu.memory_space<vmem>>
      %dma_wait3A_453 = tpu.memref_squeeze %dma_wait3A_452 : memref<1x1024xi32, #tpu.memory_space<vmem>> -> memref<1024xi32, #tpu.memory_space<vmem>>
      %dma_wait3A_454 = arith.constant 0 : i32
      %dma_wait3A_455 = arith.constant 0 : i32
      %dma_wait3A_456 = tpu.memref_slice %arg4[%dma_wait3A_454, %dma_wait3A_455] : memref<100000x16xf32, #tpu.memory_space<hbm>> -> memref<100000x16xf32, #tpu.memory_space<hbm>>
      tpu.wait_indirect_dma semaphore(%arg13 : memref<!tpu.dma_semaphore, #tpu.memory_space<semaphore_mem>>) src(%dma_wait3A_456 : memref<100000x16xf32, #tpu.memory_space<hbm>>) dst(%dma_wait3A_450 : memref<1024x16xf32, #tpu.memory_space<vmem>>)
      %dma_start3A_457 = arith.constant 0 : i32
      %dma_start3A_458 = arith.constant 0 : i32
      %dma_start3A_459 = arith.constant 0 : i32
      %dma_start3A_460 = arith.constant 0 : i32
      %dma_start3A_461 = tpu.memref_slice %arg12[%dma_start3A_457, %dma_start3A_459, %dma_start3A_460] : memref<4x1024x16xf32, #tpu.memory_space<vmem>> -> memref<1x1024x16xf32, #tpu.memory_space<vmem>>
      %dma_start3A_462 = tpu.memref_squeeze %dma_start3A_461 : memref<1x1024x16xf32, #tpu.memory_space<vmem>> -> memref<1024x16xf32, #tpu.memory_space<vmem>>
      %dma_start3A_463 = arith.constant 0 : i32
      %dma_start3A_464 = tpu.memref_slice %arg8[%dma_start3A_458, %multiple_of3A, %dma_start3A_463] : memref<4x327680x16xf32, #tpu.memory_space<hbm>> -> memref<1x1024x16xf32, #tpu.memory_space<hbm>>
      %dma_start3A_465 = tpu.memref_squeeze %dma_start3A_464 : memref<1x1024x16xf32, #tpu.memory_space<hbm>> -> memref<1024x16xf32, #tpu.memory_space<hbm>>
      %dma_start3A_466 = arith.constant 0 : i32
      %dma_start3A_467 = tpu.memref_slice %arg8[%dma_start3A_458, %multiple_of3A, %dma_start3A_466] : memref<4x327680x16xf32, #tpu.memory_space<hbm>> -> memref<1x1024x16xf32, #tpu.memory_space<hbm>>
      %dma_start3A_468 = tpu.memref_squeeze %dma_start3A_467 : memref<1x1024x16xf32, #tpu.memory_space<hbm>> -> memref<1024x16xf32, #tpu.memory_space<hbm>>
      %dma_start3A_469 = arith.constant 0 : i32
      %dma_start3A_470 = arith.constant 0 : i32
      %dma_start3A_471 = tpu.memref_slice %arg12[%dma_start3A_457, %dma_start3A_469, %dma_start3A_470] : memref<4x1024x16xf32, #tpu.memory_space<vmem>> -> memref<1x1024x16xf32, #tpu.memory_space<vmem>>
      %dma_start3A_472 = tpu.memref_squeeze %dma_start3A_471 : memref<1x1024x16xf32, #tpu.memory_space<vmem>> -> memref<1024x16xf32, #tpu.memory_space<vmem>>
      tpu.enqueue_dma source(%dma_start3A_472 : memref<1024x16xf32, #tpu.memory_space<vmem>>) target(%dma_start3A_468 : memref<1024x16xf32, #tpu.memory_space<hbm>>) target_semaphore(%arg14 : memref<!tpu.dma_semaphore, #tpu.memory_space<semaphore_mem>>)
      %dma_wait3A_473 = arith.constant 1 : i32
      %dma_wait3A_474 = arith.constant 1 : i32
      %dma_wait3A_475 = arith.constant 0 : i32
      %dma_wait3A_476 = arith.constant 0 : i32
      %dma_wait3A_477 = tpu.memref_slice %arg12[%dma_wait3A_474, %dma_wait3A_475, %dma_wait3A_476] : memref<4x1024x16xf32, #tpu.memory_space<vmem>> -> memref<1x1024x16xf32, #tpu.memory_space<vmem>>
      %dma_wait3A_478 = tpu.memref_squeeze %dma_wait3A_477 : memref<1x1024x16xf32, #tpu.memory_space<vmem>> -> memref<1024x16xf32, #tpu.memory_space<vmem>>
      %dma_wait3A_479 = arith.constant 0 : i32
      %dma_wait3A_480 = tpu.memref_slice %arg11[%dma_wait3A_473, %dma_wait3A_479] : memref<4x1024xi32, #tpu.memory_space<vmem>> -> memref<1x1024xi32, #tpu.memory_space<vmem>>
      %dma_wait3A_481 = tpu.memref_squeeze %dma_wait3A_480 : memref<1x1024xi32, #tpu.memory_space<vmem>> -> memref<1024xi32, #tpu.memory_space<vmem>>
      %dma_wait3A_482 = arith.constant 0 : i32
      %dma_wait3A_483 = arith.constant 0 : i32
      %dma_wait3A_484 = tpu.memref_slice %arg5[%dma_wait3A_482, %dma_wait3A_483] : memref<100000x16xf32, #tpu.memory_space<hbm>> -> memref<100000x16xf32, #tpu.memory_space<hbm>>
      tpu.wait_indirect_dma semaphore(%arg13 : memref<!tpu.dma_semaphore, #tpu.memory_space<semaphore_mem>>) src(%dma_wait3A_484 : memref<100000x16xf32, #tpu.memory_space<hbm>>) dst(%dma_wait3A_478 : memref<1024x16xf32, #tpu.memory_space<vmem>>)
      %dma_start3A_485 = arith.constant 1 : i32
      %dma_start3A_486 = arith.constant 1 : i32
      %dma_start3A_487 = arith.constant 0 : i32
      %dma_start3A_488 = arith.constant 0 : i32
      %dma_start3A_489 = tpu.memref_slice %arg12[%dma_start3A_485, %dma_start3A_487, %dma_start3A_488] : memref<4x1024x16xf32, #tpu.memory_space<vmem>> -> memref<1x1024x16xf32, #tpu.memory_space<vmem>>
      %dma_start3A_490 = tpu.memref_squeeze %dma_start3A_489 : memref<1x1024x16xf32, #tpu.memory_space<vmem>> -> memref<1024x16xf32, #tpu.memory_space<vmem>>
      %dma_start3A_491 = arith.constant 0 : i32
      %dma_start3A_492 = tpu.memref_slice %arg8[%dma_start3A_486, %multiple_of3A, %dma_start3A_491] : memref<4x327680x16xf32, #tpu.memory_space<hbm>> -> memref<1x1024x16xf32, #tpu.memory_space<hbm>>
      %dma_start3A_493 = tpu.memref_squeeze %dma_start3A_492 : memref<1x1024x16xf32, #tpu.memory_space<hbm>> -> memref<1024x16xf32, #tpu.memory_space<hbm>>
      %dma_start3A_494 = arith.constant 0 : i32
      %dma_start3A_495 = tpu.memref_slice %arg8[%dma_start3A_486, %multiple_of3A, %dma_start3A_494] : memref<4x327680x16xf32, #tpu.memory_space<hbm>> -> memref<1x1024x16xf32, #tpu.memory_space<hbm>>
      %dma_start3A_496 = tpu.memref_squeeze %dma_start3A_495 : memref<1x1024x16xf32, #tpu.memory_space<hbm>> -> memref<1024x16xf32, #tpu.memory_space<hbm>>
      %dma_start3A_497 = arith.constant 0 : i32
      %dma_start3A_498 = arith.constant 0 : i32
      %dma_start3A_499 = tpu.memref_slice %arg12[%dma_start3A_485, %dma_start3A_497, %dma_start3A_498] : memref<4x1024x16xf32, #tpu.memory_space<vmem>> -> memref<1x1024x16xf32, #tpu.memory_space<vmem>>
      %dma_start3A_500 = tpu.memref_squeeze %dma_start3A_499 : memref<1x1024x16xf32, #tpu.memory_space<vmem>> -> memref<1024x16xf32, #tpu.memory_space<vmem>>
      tpu.enqueue_dma source(%dma_start3A_500 : memref<1024x16xf32, #tpu.memory_space<vmem>>) target(%dma_start3A_496 : memref<1024x16xf32, #tpu.memory_space<hbm>>) target_semaphore(%arg14 : memref<!tpu.dma_semaphore, #tpu.memory_space<semaphore_mem>>)
      %dma_wait3A_501 = arith.constant 2 : i32
      %dma_wait3A_502 = arith.constant 2 : i32
      %dma_wait3A_503 = arith.constant 0 : i32
      %dma_wait3A_504 = arith.constant 0 : i32
      %dma_wait3A_505 = tpu.memref_slice %arg12[%dma_wait3A_502, %dma_wait3A_503, %dma_wait3A_504] : memref<4x1024x16xf32, #tpu.memory_space<vmem>> -> memref<1x1024x16xf32, #tpu.memory_space<vmem>>
      %dma_wait3A_506 = tpu.memref_squeeze %dma_wait3A_505 : memref<1x1024x16xf32, #tpu.memory_space<vmem>> -> memref<1024x16xf32, #tpu.memory_space<vmem>>
      %dma_wait3A_507 = arith.constant 0 : i32
      %dma_wait3A_508 = tpu.memref_slice %arg11[%dma_wait3A_501, %dma_wait3A_507] : memref<4x1024xi32, #tpu.memory_space<vmem>> -> memref<1x1024xi32, #tpu.memory_space<vmem>>
      %dma_wait3A_509 = tpu.memref_squeeze %dma_wait3A_508 : memref<1x1024xi32, #tpu.memory_space<vmem>> -> memref<1024xi32, #tpu.memory_space<vmem>>
      %dma_wait3A_510 = arith.constant 0 : i32
      %dma_wait3A_511 = arith.constant 0 : i32
      %dma_wait3A_512 = tpu.memref_slice %arg6[%dma_wait3A_510, %dma_wait3A_511] : memref<100000x16xf32, #tpu.memory_space<hbm>> -> memref<100000x16xf32, #tpu.memory_space<hbm>>
      tpu.wait_indirect_dma semaphore(%arg13 : memref<!tpu.dma_semaphore, #tpu.memory_space<semaphore_mem>>) src(%dma_wait3A_512 : memref<100000x16xf32, #tpu.memory_space<hbm>>) dst(%dma_wait3A_506 : memref<1024x16xf32, #tpu.memory_space<vmem>>)
      %dma_start3A_513 = arith.constant 2 : i32
      %dma_start3A_514 = arith.constant 2 : i32
      %dma_start3A_515 = arith.constant 0 : i32
      %dma_start3A_516 = arith.constant 0 : i32
      %dma_start3A_517 = tpu.memref_slice %arg12[%dma_start3A_513, %dma_start3A_515, %dma_start3A_516] : memref<4x1024x16xf32, #tpu.memory_space<vmem>> -> memref<1x1024x16xf32, #tpu.memory_space<vmem>>
      %dma_start3A_518 = tpu.memref_squeeze %dma_start3A_517 : memref<1x1024x16xf32, #tpu.memory_space<vmem>> -> memref<1024x16xf32, #tpu.memory_space<vmem>>
      %dma_start3A_519 = arith.constant 0 : i32
      %dma_start3A_520 = tpu.memref_slice %arg8[%dma_start3A_514, %multiple_of3A, %dma_start3A_519] : memref<4x327680x16xf32, #tpu.memory_space<hbm>> -> memref<1x1024x16xf32, #tpu.memory_space<hbm>>
      %dma_start3A_521 = tpu.memref_squeeze %dma_start3A_520 : memref<1x1024x16xf32, #tpu.memory_space<hbm>> -> memref<1024x16xf32, #tpu.memory_space<hbm>>
      %dma_start3A_522 = arith.constant 0 : i32
      %dma_start3A_523 = tpu.memref_slice %arg8[%dma_start3A_514, %multiple_of3A, %dma_start3A_522] : memref<4x327680x16xf32, #tpu.memory_space<hbm>> -> memref<1x1024x16xf32, #tpu.memory_space<hbm>>
      %dma_start3A_524 = tpu.memref_squeeze %dma_start3A_523 : memref<1x1024x16xf32, #tpu.memory_space<hbm>> -> memref<1024x16xf32, #tpu.memory_space<hbm>>
      %dma_start3A_525 = arith.constant 0 : i32
      %dma_start3A_526 = arith.constant 0 : i32
      %dma_start3A_527 = tpu.memref_slice %arg12[%dma_start3A_513, %dma_start3A_525, %dma_start3A_526] : memref<4x1024x16xf32, #tpu.memory_space<vmem>> -> memref<1x1024x16xf32, #tpu.memory_space<vmem>>
      %dma_start3A_528 = tpu.memref_squeeze %dma_start3A_527 : memref<1x1024x16xf32, #tpu.memory_space<vmem>> -> memref<1024x16xf32, #tpu.memory_space<vmem>>
      tpu.enqueue_dma source(%dma_start3A_528 : memref<1024x16xf32, #tpu.memory_space<vmem>>) target(%dma_start3A_524 : memref<1024x16xf32, #tpu.memory_space<hbm>>) target_semaphore(%arg14 : memref<!tpu.dma_semaphore, #tpu.memory_space<semaphore_mem>>)
      %dma_wait3A_529 = arith.constant 3 : i32
      %dma_wait3A_530 = arith.constant 3 : i32
      %dma_wait3A_531 = arith.constant 0 : i32
      %dma_wait3A_532 = arith.constant 0 : i32
      %dma_wait3A_533 = tpu.memref_slice %arg12[%dma_wait3A_530, %dma_wait3A_531, %dma_wait3A_532] : memref<4x1024x16xf32, #tpu.memory_space<vmem>> -> memref<1x1024x16xf32, #tpu.memory_space<vmem>>
      %dma_wait3A_534 = tpu.memref_squeeze %dma_wait3A_533 : memref<1x1024x16xf32, #tpu.memory_space<vmem>> -> memref<1024x16xf32, #tpu.memory_space<vmem>>
      %dma_wait3A_535 = arith.constant 0 : i32
      %dma_wait3A_536 = tpu.memref_slice %arg11[%dma_wait3A_529, %dma_wait3A_535] : memref<4x1024xi32, #tpu.memory_space<vmem>> -> memref<1x1024xi32, #tpu.memory_space<vmem>>
      %dma_wait3A_537 = tpu.memref_squeeze %dma_wait3A_536 : memref<1x1024xi32, #tpu.memory_space<vmem>> -> memref<1024xi32, #tpu.memory_space<vmem>>
      %dma_wait3A_538 = arith.constant 0 : i32
      %dma_wait3A_539 = arith.constant 0 : i32
      %dma_wait3A_540 = tpu.memref_slice %arg7[%dma_wait3A_538, %dma_wait3A_539] : memref<100000x16xf32, #tpu.memory_space<hbm>> -> memref<100000x16xf32, #tpu.memory_space<hbm>>
      tpu.wait_indirect_dma semaphore(%arg13 : memref<!tpu.dma_semaphore, #tpu.memory_space<semaphore_mem>>) src(%dma_wait3A_540 : memref<100000x16xf32, #tpu.memory_space<hbm>>) dst(%dma_wait3A_534 : memref<1024x16xf32, #tpu.memory_space<vmem>>)
      %dma_start3A_541 = arith.constant 3 : i32
      %dma_start3A_542 = arith.constant 3 : i32
      %dma_start3A_543 = arith.constant 0 : i32
      %dma_start3A_544 = arith.constant 0 : i32
      %dma_start3A_545 = tpu.memref_slice %arg12[%dma_start3A_541, %dma_start3A_543, %dma_start3A_544] : memref<4x1024x16xf32, #tpu.memory_space<vmem>> -> memref<1x1024x16xf32, #tpu.memory_space<vmem>>
      %dma_start3A_546 = tpu.memref_squeeze %dma_start3A_545 : memref<1x1024x16xf32, #tpu.memory_space<vmem>> -> memref<1024x16xf32, #tpu.memory_space<vmem>>
      %dma_start3A_547 = arith.constant 0 : i32
      %dma_start3A_548 = tpu.memref_slice %arg8[%dma_start3A_542, %multiple_of3A, %dma_start3A_547] : memref<4x327680x16xf32, #tpu.memory_space<hbm>> -> memref<1x1024x16xf32, #tpu.memory_space<hbm>>
      %dma_start3A_549 = tpu.memref_squeeze %dma_start3A_548 : memref<1x1024x16xf32, #tpu.memory_space<hbm>> -> memref<1024x16xf32, #tpu.memory_space<hbm>>
      %dma_start3A_550 = arith.constant 0 : i32
      %dma_start3A_551 = tpu.memref_slice %arg8[%dma_start3A_542, %multiple_of3A, %dma_start3A_550] : memref<4x327680x16xf32, #tpu.memory_space<hbm>> -> memref<1x1024x16xf32, #tpu.memory_space<hbm>>
      %dma_start3A_552 = tpu.memref_squeeze %dma_start3A_551 : memref<1x1024x16xf32, #tpu.memory_space<hbm>> -> memref<1024x16xf32, #tpu.memory_space<hbm>>
      %dma_start3A_553 = arith.constant 0 : i32
      %dma_start3A_554 = arith.constant 0 : i32
      %dma_start3A_555 = tpu.memref_slice %arg12[%dma_start3A_541, %dma_start3A_553, %dma_start3A_554] : memref<4x1024x16xf32, #tpu.memory_space<vmem>> -> memref<1x1024x16xf32, #tpu.memory_space<vmem>>
      %dma_start3A_556 = tpu.memref_squeeze %dma_start3A_555 : memref<1x1024x16xf32, #tpu.memory_space<vmem>> -> memref<1024x16xf32, #tpu.memory_space<vmem>>
      tpu.enqueue_dma source(%dma_start3A_556 : memref<1024x16xf32, #tpu.memory_space<vmem>>) target(%dma_start3A_552 : memref<1024x16xf32, #tpu.memory_space<hbm>>) target_semaphore(%arg14 : memref<!tpu.dma_semaphore, #tpu.memory_space<semaphore_mem>>)
      %dma_wait3A_557 = arith.constant 0 : i32
      %dma_wait3A_558 = arith.constant 0 : i32
      %dma_wait3A_559 = arith.constant 0 : i32
      %dma_wait3A_560 = arith.constant 0 : i32
      %dma_wait3A_561 = tpu.memref_slice %arg12[%dma_wait3A_557, %dma_wait3A_559, %dma_wait3A_560] : memref<4x1024x16xf32, #tpu.memory_space<vmem>> -> memref<1x1024x16xf32, #tpu.memory_space<vmem>>
      %dma_wait3A_562 = tpu.memref_squeeze %dma_wait3A_561 : memref<1x1024x16xf32, #tpu.memory_space<vmem>> -> memref<1024x16xf32, #tpu.memory_space<vmem>>
      %dma_wait3A_563 = arith.constant 0 : i32
      %dma_wait3A_564 = tpu.memref_slice %arg8[%dma_wait3A_558, %multiple_of3A, %dma_wait3A_563] : memref<4x327680x16xf32, #tpu.memory_space<hbm>> -> memref<1x1024x16xf32, #tpu.memory_space<hbm>>
      %dma_wait3A_565 = tpu.memref_squeeze %dma_wait3A_564 : memref<1x1024x16xf32, #tpu.memory_space<hbm>> -> memref<1024x16xf32, #tpu.memory_space<hbm>>
      %dma_wait3A_566 = arith.constant 0 : i32
      %dma_wait3A_567 = tpu.memref_slice %arg8[%dma_wait3A_558, %multiple_of3A, %dma_wait3A_566] : memref<4x327680x16xf32, #tpu.memory_space<hbm>> -> memref<1x1024x16xf32, #tpu.memory_space<hbm>>
      %dma_wait3A_568 = tpu.memref_squeeze %dma_wait3A_567 : memref<1x1024x16xf32, #tpu.memory_space<hbm>> -> memref<1024x16xf32, #tpu.memory_space<hbm>>
      %dma_wait3A_569 = arith.constant 0 : i32
      %dma_wait3A_570 = arith.constant 0 : i32
      %dma_wait3A_571 = tpu.memref_slice %arg12[%dma_wait3A_557, %dma_wait3A_569, %dma_wait3A_570] : memref<4x1024x16xf32, #tpu.memory_space<vmem>> -> memref<1x1024x16xf32, #tpu.memory_space<vmem>>
      %dma_wait3A_572 = tpu.memref_squeeze %dma_wait3A_571 : memref<1x1024x16xf32, #tpu.memory_space<vmem>> -> memref<1024x16xf32, #tpu.memory_space<vmem>>
      tpu.wait_dma2 semaphore(%arg14 : memref<!tpu.dma_semaphore, #tpu.memory_space<semaphore_mem>>) src(%dma_wait3A_572 : memref<1024x16xf32, #tpu.memory_space<vmem>>) dst(%dma_wait3A_568 : memref<1024x16xf32, #tpu.memory_space<hbm>>)
      %dma_wait3A_573 = arith.constant 1 : i32
      %dma_wait3A_574 = arith.constant 1 : i32
      %dma_wait3A_575 = arith.constant 0 : i32
      %dma_wait3A_576 = arith.constant 0 : i32
      %dma_wait3A_577 = tpu.memref_slice %arg12[%dma_wait3A_573, %dma_wait3A_575, %dma_wait3A_576] : memref<4x1024x16xf32, #tpu.memory_space<vmem>> -> memref<1x1024x16xf32, #tpu.memory_space<vmem>>
      %dma_wait3A_578 = tpu.memref_squeeze %dma_wait3A_577 : memref<1x1024x16xf32, #tpu.memory_space<vmem>> -> memref<1024x16xf32, #tpu.memory_space<vmem>>
      %dma_wait3A_579 = arith.constant 0 : i32
      %dma_wait3A_580 = tpu.memref_slice %arg8[%dma_wait3A_574, %multiple_of3A, %dma_wait3A_579] : memref<4x327680x16xf32, #tpu.memory_space<hbm>> -> memref<1x1024x16xf32, #tpu.memory_space<hbm>>
      %dma_wait3A_581 = tpu.memref_squeeze %dma_wait3A_580 : memref<1x1024x16xf32, #tpu.memory_space<hbm>> -> memref<1024x16xf32, #tpu.memory_space<hbm>>
      %dma_wait3A_582 = arith.constant 0 : i32
      %dma_wait3A_583 = tpu.memref_slice %arg8[%dma_wait3A_574, %multiple_of3A, %dma_wait3A_582] : memref<4x327680x16xf32, #tpu.memory_space<hbm>> -> memref<1x1024x16xf32, #tpu.memory_space<hbm>>
      %dma_wait3A_584 = tpu.memref_squeeze %dma_wait3A_583 : memref<1x1024x16xf32, #tpu.memory_space<hbm>> -> memref<1024x16xf32, #tpu.memory_space<hbm>>
      %dma_wait3A_585 = arith.constant 0 : i32
      %dma_wait3A_586 = arith.constant 0 : i32
      %dma_wait3A_587 = tpu.memref_slice %arg12[%dma_wait3A_573, %dma_wait3A_585, %dma_wait3A_586] : memref<4x1024x16xf32, #tpu.memory_space<vmem>> -> memref<1x1024x16xf32, #tpu.memory_space<vmem>>
      %dma_wait3A_588 = tpu.memref_squeeze %dma_wait3A_587 : memref<1x1024x16xf32, #tpu.memory_space<vmem>> -> memref<1024x16xf32, #tpu.memory_space<vmem>>
      tpu.wait_dma2 semaphore(%arg14 : memref<!tpu.dma_semaphore, #tpu.memory_space<semaphore_mem>>) src(%dma_wait3A_588 : memref<1024x16xf32, #tpu.memory_space<vmem>>) dst(%dma_wait3A_584 : memref<1024x16xf32, #tpu.memory_space<hbm>>)
      %dma_wait3A_589 = arith.constant 2 : i32
      %dma_wait3A_590 = arith.constant 2 : i32
      %dma_wait3A_591 = arith.constant 0 : i32
      %dma_wait3A_592 = arith.constant 0 : i32
      %dma_wait3A_593 = tpu.memref_slice %arg12[%dma_wait3A_589, %dma_wait3A_591, %dma_wait3A_592] : memref<4x1024x16xf32, #tpu.memory_space<vmem>> -> memref<1x1024x16xf32, #tpu.memory_space<vmem>>
      %dma_wait3A_594 = tpu.memref_squeeze %dma_wait3A_593 : memref<1x1024x16xf32, #tpu.memory_space<vmem>> -> memref<1024x16xf32, #tpu.memory_space<vmem>>
      %dma_wait3A_595 = arith.constant 0 : i32
      %dma_wait3A_596 = tpu.memref_slice %arg8[%dma_wait3A_590, %multiple_of3A, %dma_wait3A_595] : memref<4x327680x16xf32, #tpu.memory_space<hbm>> -> memref<1x1024x16xf32, #tpu.memory_space<hbm>>
      %dma_wait3A_597 = tpu.memref_squeeze %dma_wait3A_596 : memref<1x1024x16xf32, #tpu.memory_space<hbm>> -> memref<1024x16xf32, #tpu.memory_space<hbm>>
      %dma_wait3A_598 = arith.constant 0 : i32
      %dma_wait3A_599 = tpu.memref_slice %arg8[%dma_wait3A_590, %multiple_of3A, %dma_wait3A_598] : memref<4x327680x16xf32, #tpu.memory_space<hbm>> -> memref<1x1024x16xf32, #tpu.memory_space<hbm>>
      %dma_wait3A_600 = tpu.memref_squeeze %dma_wait3A_599 : memref<1x1024x16xf32, #tpu.memory_space<hbm>> -> memref<1024x16xf32, #tpu.memory_space<hbm>>
      %dma_wait3A_601 = arith.constant 0 : i32
      %dma_wait3A_602 = arith.constant 0 : i32
      %dma_wait3A_603 = tpu.memref_slice %arg12[%dma_wait3A_589, %dma_wait3A_601, %dma_wait3A_602] : memref<4x1024x16xf32, #tpu.memory_space<vmem>> -> memref<1x1024x16xf32, #tpu.memory_space<vmem>>
      %dma_wait3A_604 = tpu.memref_squeeze %dma_wait3A_603 : memref<1x1024x16xf32, #tpu.memory_space<vmem>> -> memref<1024x16xf32, #tpu.memory_space<vmem>>
      tpu.wait_dma2 semaphore(%arg14 : memref<!tpu.dma_semaphore, #tpu.memory_space<semaphore_mem>>) src(%dma_wait3A_604 : memref<1024x16xf32, #tpu.memory_space<vmem>>) dst(%dma_wait3A_600 : memref<1024x16xf32, #tpu.memory_space<hbm>>)
      %dma_wait3A_605 = arith.constant 3 : i32
      %dma_wait3A_606 = arith.constant 3 : i32
      %dma_wait3A_607 = arith.constant 0 : i32
      %dma_wait3A_608 = arith.constant 0 : i32
      %dma_wait3A_609 = tpu.memref_slice %arg12[%dma_wait3A_605, %dma_wait3A_607, %dma_wait3A_608] : memref<4x1024x16xf32, #tpu.memory_space<vmem>> -> memref<1x1024x16xf32, #tpu.memory_space<vmem>>
      %dma_wait3A_610 = tpu.memref_squeeze %dma_wait3A_609 : memref<1x1024x16xf32, #tpu.memory_space<vmem>> -> memref<1024x16xf32, #tpu.memory_space<vmem>>
      %dma_wait3A_611 = arith.constant 0 : i32
      %dma_wait3A_612 = tpu.memref_slice %arg8[%dma_wait3A_606, %multiple_of3A, %dma_wait3A_611] : memref<4x327680x16xf32, #tpu.memory_space<hbm>> -> memref<1x1024x16xf32, #tpu.memory_space<hbm>>
      %dma_wait3A_613 = tpu.memref_squeeze %dma_wait3A_612 : memref<1x1024x16xf32, #tpu.memory_space<hbm>> -> memref<1024x16xf32, #tpu.memory_space<hbm>>
      %dma_wait3A_614 = arith.constant 0 : i32
      %dma_wait3A_615 = tpu.memref_slice %arg8[%dma_wait3A_606, %multiple_of3A, %dma_wait3A_614] : memref<4x327680x16xf32, #tpu.memory_space<hbm>> -> memref<1x1024x16xf32, #tpu.memory_space<hbm>>
      %dma_wait3A_616 = tpu.memref_squeeze %dma_wait3A_615 : memref<1x1024x16xf32, #tpu.memory_space<hbm>> -> memref<1024x16xf32, #tpu.memory_space<hbm>>
      %dma_wait3A_617 = arith.constant 0 : i32
      %dma_wait3A_618 = arith.constant 0 : i32
      %dma_wait3A_619 = tpu.memref_slice %arg12[%dma_wait3A_605, %dma_wait3A_617, %dma_wait3A_618] : memref<4x1024x16xf32, #tpu.memory_space<vmem>> -> memref<1x1024x16xf32, #tpu.memory_space<vmem>>
      %dma_wait3A_620 = tpu.memref_squeeze %dma_wait3A_619 : memref<1x1024x16xf32, #tpu.memory_space<vmem>> -> memref<1024x16xf32, #tpu.memory_space<vmem>>
      tpu.wait_dma2 semaphore(%arg14 : memref<!tpu.dma_semaphore, #tpu.memory_space<semaphore_mem>>) src(%dma_wait3A_620 : memref<1024x16xf32, #tpu.memory_space<vmem>>) dst(%dma_wait3A_616 : memref<1024x16xf32, #tpu.memory_space<hbm>>)
    }
    %while3A_10 = arith.constant 1 : i32
    scf.for %while3A_11 = %while3A_8 to %while3A_4 step %while3A_10  : i32 {
      %mul3A_12 = arith.constant 10240 : i32
      %mul3A_13 = arith.muli %add3A, %mul3A_12 : i32
      %mul3A_14 = arith.constant 1024 : i32
      %mul3A_15 = arith.muli %while3A_11, %mul3A_14 : i32
      %add3A_16 = arith.addi %mul3A_13, %mul3A_15 : i32
      %multiple_of3A = tpu.assume_multiple %add3A_16, 1024 : i32
      "tpu.region"() ({
        %run_scoped3A = tpu.sem_alloc : memref<!tpu.dma_semaphore, #tpu.memory_space<semaphore_mem>>
        %dma_start3A_621 = tpu.memref_slice %arg2[%multiple_of3A] : memref<327680xi32, #tpu.memory_space<hbm>> -> memref<1024xi32, #tpu.memory_space<hbm>>
        %dma_start3A_622 = tpu.memref_slice %arg2[%multiple_of3A] : memref<327680xi32, #tpu.memory_space<hbm>> -> memref<1024xi32, #tpu.memory_space<hbm>>
        tpu.enqueue_dma source(%dma_start3A_622 : memref<1024xi32, #tpu.memory_space<hbm>>) target(%arg10 : memref<1024xi32, #tpu.memory_space<vmem>>) target_semaphore(%run_scoped3A : memref<!tpu.dma_semaphore, #tpu.memory_space<semaphore_mem>>)
        %dma_wait3A_623 = tpu.memref_slice %arg2[%multiple_of3A] : memref<327680xi32, #tpu.memory_space<hbm>> -> memref<1024xi32, #tpu.memory_space<hbm>>
        %dma_wait3A_624 = tpu.memref_slice %arg2[%multiple_of3A] : memref<327680xi32, #tpu.memory_space<hbm>> -> memref<1024xi32, #tpu.memory_space<hbm>>
        tpu.wait_dma2 semaphore(%run_scoped3A : memref<!tpu.dma_semaphore, #tpu.memory_space<semaphore_mem>>) src(%dma_wait3A_624 : memref<1024xi32, #tpu.memory_space<hbm>>) dst(%arg10 : memref<1024xi32, #tpu.memory_space<vmem>>)
        tpu.yield
      }) : () -> ()
      %get3A = arith.constant 0 : i64
      %get3A_17 = arith.constant 0 : i64
      %get3A_18 = arith.index_cast %get3A : i64 to index
      %get3A_19 = arith.index_cast %get3A_17 : i64 to index
      %get3A_20 = arith.constant 0 : index
      %get3A_21 = tpu.vector_load %arg9[%get3A_18, %get3A_19, %get3A_20] {strides = array<i32>} : memref<4x2x16xi32, #tpu.memory_space<vmem>>, vector<1x1x16xi32>,
      %get3A_22 = vector.shape_cast %get3A_21 : vector<1x1x16xi32> to vector<16xi32>
      %convert_element_type3A = arith.sitofp %get3A_22 : vector<16xi32> to vector<16xf32>
      %mul3A_23 = arith.constant 9.99999974E-6 : f32
      %mul3A_24 = vector.broadcast %mul3A_23 : f32 to vector<16xf32>
      %mul3A_25 = arith.mulf %convert_element_type3A, %mul3A_24 : vector<16xf32>
      %convert_element_type3A_26 = arith.fptosi %mul3A_25 : vector<16xf32> to vector<16xi32>
      %mul3A_27 = arith.constant 100000 : i32
      %mul3A_28 = vector.broadcast %mul3A_27 : i32 to vector<16xi32>
      %mul3A_29 = arith.muli %convert_element_type3A_26, %mul3A_28 : vector<16xi32>
      %sub3A = arith.subi %get3A_22, %mul3A_29 : vector<16xi32>
      %lt3A = arith.constant 0 : i32
      %lt3A_30 = vector.broadcast %lt3A : i32 to vector<16xi32>
      %lt3A_31 = arith.cmpi slt, %sub3A, %lt3A_30 : vector<16xi32>
      %add3A_32 = arith.constant 100000 : i32
      %add3A_33 = vector.broadcast %add3A_32 : i32 to vector<16xi32>
      %add3A_34 = arith.addi %sub3A, %add3A_33 : vector<16xi32>
      %select_n3A = arith.select %lt3A_31, %add3A_34, %sub3A : vector<16xi1>, vector<16xi32>
      %ge3A = arith.constant 100000 : i32
      %ge3A_35 = vector.broadcast %ge3A : i32 to vector<16xi32>
      %ge3A_36 = arith.cmpi sge, %select_n3A, %ge3A_35 : vector<16xi32>
      %sub3A_37 = arith.constant 100000 : i32
      %sub3A_38 = vector.broadcast %sub3A_37 : i32 to vector<16xi32>
      %sub3A_39 = arith.subi %select_n3A, %sub3A_38 : vector<16xi32>
      %select_n3A_40 = arith.select %ge3A_36, %sub3A_39, %select_n3A : vector<16xi1>, vector<16xi32>
      %mul3A_41 = arith.constant 1024 : i32
      %mul3A_42 = vector.broadcast %mul3A_41 : i32 to vector<16xi32>
      %mul3A_43 = arith.muli %select_n3A_40, %mul3A_42 : vector<16xi32>
      %convert_element_type3A_44 = arith.sitofp %mul3A_43 : vector<16xi32> to vector<16xf32>
      %mul3A_45 = arith.constant 9.99999974E-6 : f32
      %mul3A_46 = vector.broadcast %mul3A_45 : f32 to vector<16xf32>
      %mul3A_47 = arith.mulf %convert_element_type3A_44, %mul3A_46 : vector<16xf32>
      %convert_element_type3A_48 = arith.fptosi %mul3A_47 : vector<16xf32> to vector<16xi32>
      %mul3A_49 = arith.constant 100000 : i32
      %mul3A_50 = vector.broadcast %mul3A_49 : i32 to vector<16xi32>
      %mul3A_51 = arith.muli %convert_element_type3A_48, %mul3A_50 : vector<16xi32>
      %sub3A_52 = arith.subi %mul3A_43, %mul3A_51 : vector<16xi32>
      %lt3A_53 = arith.constant 0 : i32
      %lt3A_54 = vector.broadcast %lt3A_53 : i32 to vector<16xi32>
      %lt3A_55 = arith.cmpi slt, %sub3A_52, %lt3A_54 : vector<16xi32>
      %add3A_56 = arith.constant 100000 : i32
      %add3A_57 = vector.broadcast %add3A_56 : i32 to vector<16xi32>
      %add3A_58 = arith.addi %sub3A_52, %add3A_57 : vector<16xi32>
      %select_n3A_59 = arith.select %lt3A_55, %add3A_58, %sub3A_52 : vector<16xi1>, vector<16xi32>
      %ge3A_60 = arith.constant 100000 : i32
      %ge3A_61 = vector.broadcast %ge3A_60 : i32 to vector<16xi32>
      %ge3A_62 = arith.cmpi sge, %select_n3A_59, %ge3A_61 : vector<16xi32>
      %sub3A_63 = arith.constant 100000 : i32
      %sub3A_64 = vector.broadcast %sub3A_63 : i32 to vector<16xi32>
      %sub3A_65 = arith.subi %select_n3A_59, %sub3A_64 : vector<16xi32>
      %select_n3A_66 = arith.select %ge3A_62, %sub3A_65, %select_n3A_59 : vector<16xi1>, vector<16xi32>
      %get3A_67 = arith.constant 0 : i64
      %get3A_68 = arith.constant 1 : i64
      %get3A_69 = arith.index_cast %get3A_67 : i64 to index
      %get3A_70 = arith.index_cast %get3A_68 : i64 to index
      %get3A_71 = arith.constant 0 : index
      %get3A_72 = tpu.vector_load %arg9[%get3A_69, %get3A_70, %get3A_71] {strides = array<i32>} : memref<4x2x16xi32, #tpu.memory_space<vmem>>, vector<1x1x16xi32>,
      %get3A_73 = vector.shape_cast %get3A_72 : vector<1x1x16xi32> to vector<16xi32>
      %convert_element_type3A_74 = arith.sitofp %get3A_73 : vector<16xi32> to vector<16xf32>
      %mul3A_75 = arith.constant 9.99999974E-6 : f32
      %mul3A_76 = vector.broadcast %mul3A_75 : f32 to vector<16xf32>
      %mul3A_77 = arith.mulf %convert_element_type3A_74, %mul3A_76 : vector<16xf32>
      %convert_element_type3A_78 = arith.fptosi %mul3A_77 : vector<16xf32> to vector<16xi32>
      %mul3A_79 = arith.constant 100000 : i32
      %mul3A_80 = vector.broadcast %mul3A_79 : i32 to vector<16xi32>
      %mul3A_81 = arith.muli %convert_element_type3A_78, %mul3A_80 : vector<16xi32>
      %sub3A_82 = arith.subi %get3A_73, %mul3A_81 : vector<16xi32>
      %lt3A_83 = arith.constant 0 : i32
      %lt3A_84 = vector.broadcast %lt3A_83 : i32 to vector<16xi32>
      %lt3A_85 = arith.cmpi slt, %sub3A_82, %lt3A_84 : vector<16xi32>
      %add3A_86 = arith.constant 100000 : i32
      %add3A_87 = vector.broadcast %add3A_86 : i32 to vector<16xi32>
      %add3A_88 = arith.addi %sub3A_82, %add3A_87 : vector<16xi32>
      %select_n3A_89 = arith.select %lt3A_85, %add3A_88, %sub3A_82 : vector<16xi1>, vector<16xi32>
      %ge3A_90 = arith.constant 100000 : i32
      %ge3A_91 = vector.broadcast %ge3A_90 : i32 to vector<16xi32>
      %ge3A_92 = arith.cmpi sge, %select_n3A_89, %ge3A_91 : vector<16xi32>
      %sub3A_93 = arith.constant 100000 : i32
      %sub3A_94 = vector.broadcast %sub3A_93 : i32 to vector<16xi32>
      %sub3A_95 = arith.subi %select_n3A_89, %sub3A_94 : vector<16xi32>
      %select_n3A_96 = arith.select %ge3A_92, %sub3A_95, %select_n3A_89 : vector<16xi1>, vector<16xi32>
      %while3A_97 = arith.constant 0 : i32
      %while3A_98 = arith.constant 0 : i32
      %while3A_99 = arith.constant 64 : i32
      %while3A_100 = arith.subi %while3A_99, %while3A_98 : i32
      %while3A_101 = arith.addi %while3A_98, %while3A_100 : i32
      %while3A_102 = arith.constant 1 : i32
      %while3A_103 = arith.divsi %while3A_100, %while3A_102 : i32
      %while3A_104 = arith.muli %while3A_103, %while3A_102 : i32
      %while3A_105 = arith.addi %while3A_98, %while3A_104 : i32
      %while3A_106 = arith.constant 1 : i32
      scf.for %while3A_621 = %while3A_98 to %while3A_105 step %while3A_106  : i32 {
        %mul3A_622 = arith.constant 16 : i32
        %mul3A_623 = arith.muli %while3A_621, %mul3A_622 : i32
        %get3A_624 = arith.index_cast %mul3A_623 : i32 to index
        %get3A_625 = tpu.vector_load %arg10[%get3A_624] {strides = array<i32>} : memref<1024xi32, #tpu.memory_space<vmem>>, vector<16xi32>,
        %get3A_626 = vector.shape_cast %get3A_625 : vector<16xi32> to vector<16xi32>
        %shift_right_logical3A = arith.constant 10 : i32
        %shift_right_logical3A_627 = vector.broadcast %shift_right_logical3A : i32 to vector<16xi32>
        %shift_right_logical3A_628 = arith.shrui %get3A_626, %shift_right_logical3A_627 : vector<16xi32>
        %and3A = arith.constant 1023 : i32
        %and3A_629 = vector.broadcast %and3A : i32 to vector<16xi32>
        %and3A_630 = arith.andi %get3A_626, %and3A_629 : vector<16xi32>
        %mul3A_631 = arith.muli %shift_right_logical3A_628, %select_n3A_66 : vector<16xi32>
        %mul3A_632 = arith.muli %and3A_630, %select_n3A_40 : vector<16xi32>
        %add3A_633 = arith.addi %mul3A_631, %mul3A_632 : vector<16xi32>
        %add3A_634 = arith.addi %add3A_633, %select_n3A_96 : vector<16xi32>
        %convert_element_type3A_635 = arith.sitofp %add3A_634 : vector<16xi32> to vector<16xf32>
        %mul3A_636 = arith.constant 9.99999974E-6 : f32
        %mul3A_637 = vector.broadcast %mul3A_636 : f32 to vector<16xf32>
        %mul3A_638 = arith.mulf %convert_element_type3A_635, %mul3A_637 : vector<16xf32>
        %convert_element_type3A_639 = arith.fptosi %mul3A_638 : vector<16xf32> to vector<16xi32>
        %mul3A_640 = arith.constant 100000 : i32
        %mul3A_641 = vector.broadcast %mul3A_640 : i32 to vector<16xi32>
        %mul3A_642 = arith.muli %convert_element_type3A_639, %mul3A_641 : vector<16xi32>
        %sub3A_643 = arith.subi %add3A_634, %mul3A_642 : vector<16xi32>
        %lt3A_644 = arith.constant 0 : i32
        %lt3A_645 = vector.broadcast %lt3A_644 : i32 to vector<16xi32>
        %lt3A_646 = arith.cmpi slt, %sub3A_643, %lt3A_645 : vector<16xi32>
        %add3A_647 = arith.constant 100000 : i32
        %add3A_648 = vector.broadcast %add3A_647 : i32 to vector<16xi32>
        %add3A_649 = arith.addi %sub3A_643, %add3A_648 : vector<16xi32>
        %select_n3A_650 = arith.select %lt3A_646, %add3A_649, %sub3A_643 : vector<16xi1>, vector<16xi32>
        %ge3A_651 = arith.constant 100000 : i32
        %ge3A_652 = vector.broadcast %ge3A_651 : i32 to vector<16xi32>
        %ge3A_653 = arith.cmpi sge, %select_n3A_650, %ge3A_652 : vector<16xi32>
        %sub3A_654 = arith.constant 100000 : i32
        %sub3A_655 = vector.broadcast %sub3A_654 : i32 to vector<16xi32>
        %sub3A_656 = arith.subi %select_n3A_650, %sub3A_655 : vector<16xi32>
        %select_n3A_657 = arith.select %ge3A_653, %sub3A_656, %select_n3A_650 : vector<16xi1>, vector<16xi32>
        %mul3A_658 = arith.constant 16 : i32
        %mul3A_659 = arith.muli %while3A_621, %mul3A_658 : i32
        %swap3A = arith.constant 0 : i32
        %swap3A_660 = arith.index_cast %swap3A : i32 to index
        %swap3A_661 = arith.index_cast %mul3A_659 : i32 to index
        %swap3A_662 = tpu.vector_load %arg11[%swap3A_660, %swap3A_661] {strides = array<i32>} : memref<4x1024xi32, #tpu.memory_space<vmem>>, vector<1x16xi32>,
        %swap3A_663 = vector.shape_cast %swap3A_662 : vector<1x16xi32> to vector<16xi32>
        %swap3A_664 = vector.shape_cast %select_n3A_657 : vector<16xi32> to vector<1x16xi32>
        tpu.vector_store %arg11[%swap3A_660, %swap3A_661], %swap3A_664 {strides = array<i32>} : memref<4x1024xi32, #tpu.memory_space<vmem>>, vector<1x16xi32>,
      }
      %while3A_107 = arith.constant 1 : i32
      scf.for %while3A_621 = %while3A_105 to %while3A_101 step %while3A_107  : i32 {
        %mul3A_622 = arith.constant 16 : i32
        %mul3A_623 = arith.muli %while3A_621, %mul3A_622 : i32
        %get3A_624 = arith.index_cast %mul3A_623 : i32 to index
        %get3A_625 = tpu.vector_load %arg10[%get3A_624] {strides = array<i32>} : memref<1024xi32, #tpu.memory_space<vmem>>, vector<16xi32>,
        %get3A_626 = vector.shape_cast %get3A_625 : vector<16xi32> to vector<16xi32>
        %shift_right_logical3A = arith.constant 10 : i32
        %shift_right_logical3A_627 = vector.broadcast %shift_right_logical3A : i32 to vector<16xi32>
        %shift_right_logical3A_628 = arith.shrui %get3A_626, %shift_right_logical3A_627 : vector<16xi32>
        %and3A = arith.constant 1023 : i32
        %and3A_629 = vector.broadcast %and3A : i32 to vector<16xi32>
        %and3A_630 = arith.andi %get3A_626, %and3A_629 : vector<16xi32>
        %mul3A_631 = arith.muli %shift_right_logical3A_628, %select_n3A_66 : vector<16xi32>
        %mul3A_632 = arith.muli %and3A_630, %select_n3A_40 : vector<16xi32>
        %add3A_633 = arith.addi %mul3A_631, %mul3A_632 : vector<16xi32>
        %add3A_634 = arith.addi %add3A_633, %select_n3A_96 : vector<16xi32>
        %convert_element_type3A_635 = arith.sitofp %add3A_634 : vector<16xi32> to vector<16xf32>
        %mul3A_636 = arith.constant 9.99999974E-6 : f32
        %mul3A_637 = vector.broadcast %mul3A_636 : f32 to vector<16xf32>
        %mul3A_638 = arith.mulf %convert_element_type3A_635, %mul3A_637 : vector<16xf32>
        %convert_element_type3A_639 = arith.fptosi %mul3A_638 : vector<16xf32> to vector<16xi32>
        %mul3A_640 = arith.constant 100000 : i32
        %mul3A_641 = vector.broadcast %mul3A_640 : i32 to vector<16xi32>
        %mul3A_642 = arith.muli %convert_element_type3A_639, %mul3A_641 : vector<16xi32>
        %sub3A_643 = arith.subi %add3A_634, %mul3A_642 : vector<16xi32>
        %lt3A_644 = arith.constant 0 : i32
        %lt3A_645 = vector.broadcast %lt3A_644 : i32 to vector<16xi32>
        %lt3A_646 = arith.cmpi slt, %sub3A_643, %lt3A_645 : vector<16xi32>
        %add3A_647 = arith.constant 100000 : i32
        %add3A_648 = vector.broadcast %add3A_647 : i32 to vector<16xi32>
        %add3A_649 = arith.addi %sub3A_643, %add3A_648 : vector<16xi32>
        %select_n3A_650 = arith.select %lt3A_646, %add3A_649, %sub3A_643 : vector<16xi1>, vector<16xi32>
        %ge3A_651 = arith.constant 100000 : i32
        %ge3A_652 = vector.broadcast %ge3A_651 : i32 to vector<16xi32>
        %ge3A_653 = arith.cmpi sge, %select_n3A_650, %ge3A_652 : vector<16xi32>
        %sub3A_654 = arith.constant 100000 : i32
        %sub3A_655 = vector.broadcast %sub3A_654 : i32 to vector<16xi32>
        %sub3A_656 = arith.subi %select_n3A_650, %sub3A_655 : vector<16xi32>
        %select_n3A_657 = arith.select %ge3A_653, %sub3A_656, %select_n3A_650 : vector<16xi1>, vector<16xi32>
        %mul3A_658 = arith.constant 16 : i32
        %mul3A_659 = arith.muli %while3A_621, %mul3A_658 : i32
        %swap3A = arith.constant 0 : i32
        %swap3A_660 = arith.index_cast %swap3A : i32 to index
        %swap3A_661 = arith.index_cast %mul3A_659 : i32 to index
        %swap3A_662 = tpu.vector_load %arg11[%swap3A_660, %swap3A_661] {strides = array<i32>} : memref<4x1024xi32, #tpu.memory_space<vmem>>, vector<1x16xi32>,
        %swap3A_663 = vector.shape_cast %swap3A_662 : vector<1x16xi32> to vector<16xi32>
        %swap3A_664 = vector.shape_cast %select_n3A_657 : vector<16xi32> to vector<1x16xi32>
        tpu.vector_store %arg11[%swap3A_660, %swap3A_661], %swap3A_664 {strides = array<i32>} : memref<4x1024xi32, #tpu.memory_space<vmem>>, vector<1x16xi32>,
      }
      %dma_start3A = arith.constant 0 : i32
      %dma_start3A_108 = arith.constant 0 : i32
      %dma_start3A_109 = arith.constant 0 : i32
      %dma_start3A_110 = arith.constant 0 : i32
      %dma_start3A_111 = tpu.memref_slice %arg12[%dma_start3A_108, %dma_start3A_109, %dma_start3A_110] : memref<4x1024x16xf32, #tpu.memory_space<vmem>> -> memref<1x1024x16xf32, #tpu.memory_space<vmem>>
      %dma_start3A_112 = tpu.memref_squeeze %dma_start3A_111 : memref<1x1024x16xf32, #tpu.memory_space<vmem>> -> memref<1024x16xf32, #tpu.memory_space<vmem>>
      %dma_start3A_113 = arith.constant 0 : i32
      %dma_start3A_114 = tpu.memref_slice %arg11[%dma_start3A, %dma_start3A_113] : memref<4x1024xi32, #tpu.memory_space<vmem>> -> memref<1x1024xi32, #tpu.memory_space<vmem>>
      %dma_start3A_115 = tpu.memref_squeeze %dma_start3A_114 : memref<1x1024xi32, #tpu.memory_space<vmem>> -> memref<1024xi32, #tpu.memory_space<vmem>>
      %dma_start3A_116 = arith.constant 0 : i32
      %dma_start3A_117 = arith.constant 0 : i32
      %dma_start3A_118 = tpu.memref_slice %arg4[%dma_start3A_116, %dma_start3A_117] : memref<100000x16xf32, #tpu.memory_space<hbm>> -> memref<100000x16xf32, #tpu.memory_space<hbm>>
      tpu.enqueue_indirect_dma source(%dma_start3A_118 : memref<100000x16xf32, #tpu.memory_space<hbm>>) target(%dma_start3A_112 : memref<1024x16xf32, #tpu.memory_space<vmem>>) offsets(%dma_start3A_115 : memref<1024xi32, #tpu.memory_space<vmem>>) semaphore(%arg13 : memref<!tpu.dma_semaphore, #tpu.memory_space<semaphore_mem>>)
      %get3A_119 = arith.constant 1 : i64
      %get3A_120 = arith.constant 0 : i64
      %get3A_121 = arith.index_cast %get3A_119 : i64 to index
      %get3A_122 = arith.index_cast %get3A_120 : i64 to index
      %get3A_123 = arith.constant 0 : index
      %get3A_124 = tpu.vector_load %arg9[%get3A_121, %get3A_122, %get3A_123] {strides = array<i32>} : memref<4x2x16xi32, #tpu.memory_space<vmem>>, vector<1x1x16xi32>,
      %get3A_125 = vector.shape_cast %get3A_124 : vector<1x1x16xi32> to vector<16xi32>
      %convert_element_type3A_126 = arith.sitofp %get3A_125 : vector<16xi32> to vector<16xf32>
      %mul3A_127 = arith.constant 9.99999974E-6 : f32
      %mul3A_128 = vector.broadcast %mul3A_127 : f32 to vector<16xf32>
      %mul3A_129 = arith.mulf %convert_element_type3A_126, %mul3A_128 : vector<16xf32>
      %convert_element_type3A_130 = arith.fptosi %mul3A_129 : vector<16xf32> to vector<16xi32>
      %mul3A_131 = arith.constant 100000 : i32
      %mul3A_132 = vector.broadcast %mul3A_131 : i32 to vector<16xi32>
      %mul3A_133 = arith.muli %convert_element_type3A_130, %mul3A_132 : vector<16xi32>
      %sub3A_134 = arith.subi %get3A_125, %mul3A_133 : vector<16xi32>
      %lt3A_135 = arith.constant 0 : i32
      %lt3A_136 = vector.broadcast %lt3A_135 : i32 to vector<16xi32>
      %lt3A_137 = arith.cmpi slt, %sub3A_134, %lt3A_136 : vector<16xi32>
      %add3A_138 = arith.constant 100000 : i32
      %add3A_139 = vector.broadcast %add3A_138 : i32 to vector<16xi32>
      %add3A_140 = arith.addi %sub3A_134, %add3A_139 : vector<16xi32>
      %select_n3A_141 = arith.select %lt3A_137, %add3A_140, %sub3A_134 : vector<16xi1>, vector<16xi32>
      %ge3A_142 = arith.constant 100000 : i32
      %ge3A_143 = vector.broadcast %ge3A_142 : i32 to vector<16xi32>
      %ge3A_144 = arith.cmpi sge, %select_n3A_141, %ge3A_143 : vector<16xi32>
      %sub3A_145 = arith.constant 100000 : i32
      %sub3A_146 = vector.broadcast %sub3A_145 : i32 to vector<16xi32>
      %sub3A_147 = arith.subi %select_n3A_141, %sub3A_146 : vector<16xi32>
      %select_n3A_148 = arith.select %ge3A_144, %sub3A_147, %select_n3A_141 : vector<16xi1>, vector<16xi32>
      %mul3A_149 = arith.constant 1024 : i32
      %mul3A_150 = vector.broadcast %mul3A_149 : i32 to vector<16xi32>
      %mul3A_151 = arith.muli %select_n3A_148, %mul3A_150 : vector<16xi32>
      %convert_element_type3A_152 = arith.sitofp %mul3A_151 : vector<16xi32> to vector<16xf32>
      %mul3A_153 = arith.constant 9.99999974E-6 : f32
      %mul3A_154 = vector.broadcast %mul3A_153 : f32 to vector<16xf32>
      %mul3A_155 = arith.mulf %convert_element_type3A_152, %mul3A_154 : vector<16xf32>
      %convert_element_type3A_156 = arith.fptosi %mul3A_155 : vector<16xf32> to vector<16xi32>
      %mul3A_157 = arith.constant 100000 : i32
      %mul3A_158 = vector.broadcast %mul3A_157 : i32 to vector<16xi32>
      %mul3A_159 = arith.muli %convert_element_type3A_156, %mul3A_158 : vector<16xi32>
      %sub3A_160 = arith.subi %mul3A_151, %mul3A_159 : vector<16xi32>
      %lt3A_161 = arith.constant 0 : i32
      %lt3A_162 = vector.broadcast %lt3A_161 : i32 to vector<16xi32>
      %lt3A_163 = arith.cmpi slt, %sub3A_160, %lt3A_162 : vector<16xi32>
      %add3A_164 = arith.constant 100000 : i32
      %add3A_165 = vector.broadcast %add3A_164 : i32 to vector<16xi32>
      %add3A_166 = arith.addi %sub3A_160, %add3A_165 : vector<16xi32>
      %select_n3A_167 = arith.select %lt3A_163, %add3A_166, %sub3A_160 : vector<16xi1>, vector<16xi32>
      %ge3A_168 = arith.constant 100000 : i32
      %ge3A_169 = vector.broadcast %ge3A_168 : i32 to vector<16xi32>
      %ge3A_170 = arith.cmpi sge, %select_n3A_167, %ge3A_169 : vector<16xi32>
      %sub3A_171 = arith.constant 100000 : i32
      %sub3A_172 = vector.broadcast %sub3A_171 : i32 to vector<16xi32>
      %sub3A_173 = arith.subi %select_n3A_167, %sub3A_172 : vector<16xi32>
      %select_n3A_174 = arith.select %ge3A_170, %sub3A_173, %select_n3A_167 : vector<16xi1>, vector<16xi32>
      %get3A_175 = arith.constant 1 : i64
      %get3A_176 = arith.constant 1 : i64
      %get3A_177 = arith.index_cast %get3A_175 : i64 to index
      %get3A_178 = arith.index_cast %get3A_176 : i64 to index
      %get3A_179 = arith.constant 0 : index
      %get3A_180 = tpu.vector_load %arg9[%get3A_177, %get3A_178, %get3A_179] {strides = array<i32>} : memref<4x2x16xi32, #tpu.memory_space<vmem>>, vector<1x1x16xi32>,
      %get3A_181 = vector.shape_cast %get3A_180 : vector<1x1x16xi32> to vector<16xi32>
      %convert_element_type3A_182 = arith.sitofp %get3A_181 : vector<16xi32> to vector<16xf32>
      %mul3A_183 = arith.constant 9.99999974E-6 : f32
      %mul3A_184 = vector.broadcast %mul3A_183 : f32 to vector<16xf32>
      %mul3A_185 = arith.mulf %convert_element_type3A_182, %mul3A_184 : vector<16xf32>
      %convert_element_type3A_186 = arith.fptosi %mul3A_185 : vector<16xf32> to vector<16xi32>
      %mul3A_187 = arith.constant 100000 : i32
      %mul3A_188 = vector.broadcast %mul3A_187 : i32 to vector<16xi32>
      %mul3A_189 = arith.muli %convert_element_type3A_186, %mul3A_188 : vector<16xi32>
      %sub3A_190 = arith.subi %get3A_181, %mul3A_189 : vector<16xi32>
      %lt3A_191 = arith.constant 0 : i32
      %lt3A_192 = vector.broadcast %lt3A_191 : i32 to vector<16xi32>
      %lt3A_193 = arith.cmpi slt, %sub3A_190, %lt3A_192 : vector<16xi32>
      %add3A_194 = arith.constant 100000 : i32
      %add3A_195 = vector.broadcast %add3A_194 : i32 to vector<16xi32>
      %add3A_196 = arith.addi %sub3A_190, %add3A_195 : vector<16xi32>
      %select_n3A_197 = arith.select %lt3A_193, %add3A_196, %sub3A_190 : vector<16xi1>, vector<16xi32>
      %ge3A_198 = arith.constant 100000 : i32
      %ge3A_199 = vector.broadcast %ge3A_198 : i32 to vector<16xi32>
      %ge3A_200 = arith.cmpi sge, %select_n3A_197, %ge3A_199 : vector<16xi32>
      %sub3A_201 = arith.constant 100000 : i32
      %sub3A_202 = vector.broadcast %sub3A_201 : i32 to vector<16xi32>
      %sub3A_203 = arith.subi %select_n3A_197, %sub3A_202 : vector<16xi32>
      %select_n3A_204 = arith.select %ge3A_200, %sub3A_203, %select_n3A_197 : vector<16xi1>, vector<16xi32>
      %while3A_205 = arith.constant 0 : i32
      %while3A_206 = arith.constant 0 : i32
      %while3A_207 = arith.constant 64 : i32
      %while3A_208 = arith.subi %while3A_207, %while3A_206 : i32
      %while3A_209 = arith.addi %while3A_206, %while3A_208 : i32
      %while3A_210 = arith.constant 1 : i32
      %while3A_211 = arith.divsi %while3A_208, %while3A_210 : i32
      %while3A_212 = arith.muli %while3A_211, %while3A_210 : i32
      %while3A_213 = arith.addi %while3A_206, %while3A_212 : i32
      %while3A_214 = arith.constant 1 : i32
      scf.for %while3A_621 = %while3A_206 to %while3A_213 step %while3A_214  : i32 {
        %mul3A_622 = arith.constant 16 : i32
        %mul3A_623 = arith.muli %while3A_621, %mul3A_622 : i32
        %get3A_624 = arith.index_cast %mul3A_623 : i32 to index
        %get3A_625 = tpu.vector_load %arg10[%get3A_624] {strides = array<i32>} : memref<1024xi32, #tpu.memory_space<vmem>>, vector<16xi32>,
        %get3A_626 = vector.shape_cast %get3A_625 : vector<16xi32> to vector<16xi32>
        %shift_right_logical3A = arith.constant 10 : i32
        %shift_right_logical3A_627 = vector.broadcast %shift_right_logical3A : i32 to vector<16xi32>
        %shift_right_logical3A_628 = arith.shrui %get3A_626, %shift_right_logical3A_627 : vector<16xi32>
        %and3A = arith.constant 1023 : i32
        %and3A_629 = vector.broadcast %and3A : i32 to vector<16xi32>
        %and3A_630 = arith.andi %get3A_626, %and3A_629 : vector<16xi32>
        %mul3A_631 = arith.muli %shift_right_logical3A_628, %select_n3A_174 : vector<16xi32>
        %mul3A_632 = arith.muli %and3A_630, %select_n3A_148 : vector<16xi32>
        %add3A_633 = arith.addi %mul3A_631, %mul3A_632 : vector<16xi32>
        %add3A_634 = arith.addi %add3A_633, %select_n3A_204 : vector<16xi32>
        %convert_element_type3A_635 = arith.sitofp %add3A_634 : vector<16xi32> to vector<16xf32>
        %mul3A_636 = arith.constant 9.99999974E-6 : f32
        %mul3A_637 = vector.broadcast %mul3A_636 : f32 to vector<16xf32>
        %mul3A_638 = arith.mulf %convert_element_type3A_635, %mul3A_637 : vector<16xf32>
        %convert_element_type3A_639 = arith.fptosi %mul3A_638 : vector<16xf32> to vector<16xi32>
        %mul3A_640 = arith.constant 100000 : i32
        %mul3A_641 = vector.broadcast %mul3A_640 : i32 to vector<16xi32>
        %mul3A_642 = arith.muli %convert_element_type3A_639, %mul3A_641 : vector<16xi32>
        %sub3A_643 = arith.subi %add3A_634, %mul3A_642 : vector<16xi32>
        %lt3A_644 = arith.constant 0 : i32
        %lt3A_645 = vector.broadcast %lt3A_644 : i32 to vector<16xi32>
        %lt3A_646 = arith.cmpi slt, %sub3A_643, %lt3A_645 : vector<16xi32>
        %add3A_647 = arith.constant 100000 : i32
        %add3A_648 = vector.broadcast %add3A_647 : i32 to vector<16xi32>
        %add3A_649 = arith.addi %sub3A_643, %add3A_648 : vector<16xi32>
        %select_n3A_650 = arith.select %lt3A_646, %add3A_649, %sub3A_643 : vector<16xi1>, vector<16xi32>
        %ge3A_651 = arith.constant 100000 : i32
        %ge3A_652 = vector.broadcast %ge3A_651 : i32 to vector<16xi32>
        %ge3A_653 = arith.cmpi sge, %select_n3A_650, %ge3A_652 : vector<16xi32>
        %sub3A_654 = arith.constant 100000 : i32
        %sub3A_655 = vector.broadcast %sub3A_654 : i32 to vector<16xi32>
        %sub3A_656 = arith.subi %select_n3A_650, %sub3A_655 : vector<16xi32>
        %select_n3A_657 = arith.select %ge3A_653, %sub3A_656, %select_n3A_650 : vector<16xi1>, vector<16xi32>
        %mul3A_658 = arith.constant 16 : i32
        %mul3A_659 = arith.muli %while3A_621, %mul3A_658 : i32
        %swap3A = arith.constant 1 : i32
        %swap3A_660 = arith.index_cast %swap3A : i32 to index
        %swap3A_661 = arith.index_cast %mul3A_659 : i32 to index
        %swap3A_662 = tpu.vector_load %arg11[%swap3A_660, %swap3A_661] {strides = array<i32>} : memref<4x1024xi32, #tpu.memory_space<vmem>>, vector<1x16xi32>,
        %swap3A_663 = vector.shape_cast %swap3A_662 : vector<1x16xi32> to vector<16xi32>
        %swap3A_664 = vector.shape_cast %select_n3A_657 : vector<16xi32> to vector<1x16xi32>
        tpu.vector_store %arg11[%swap3A_660, %swap3A_661], %swap3A_664 {strides = array<i32>} : memref<4x1024xi32, #tpu.memory_space<vmem>>, vector<1x16xi32>,
      }
      %while3A_215 = arith.constant 1 : i32
      scf.for %while3A_621 = %while3A_213 to %while3A_209 step %while3A_215  : i32 {
        %mul3A_622 = arith.constant 16 : i32
        %mul3A_623 = arith.muli %while3A_621, %mul3A_622 : i32
        %get3A_624 = arith.index_cast %mul3A_623 : i32 to index
        %get3A_625 = tpu.vector_load %arg10[%get3A_624] {strides = array<i32>} : memref<1024xi32, #tpu.memory_space<vmem>>, vector<16xi32>,
        %get3A_626 = vector.shape_cast %get3A_625 : vector<16xi32> to vector<16xi32>
        %shift_right_logical3A = arith.constant 10 : i32
        %shift_right_logical3A_627 = vector.broadcast %shift_right_logical3A : i32 to vector<16xi32>
        %shift_right_logical3A_628 = arith.shrui %get3A_626, %shift_right_logical3A_627 : vector<16xi32>
        %and3A = arith.constant 1023 : i32
        %and3A_629 = vector.broadcast %and3A : i32 to vector<16xi32>
        %and3A_630 = arith.andi %get3A_626, %and3A_629 : vector<16xi32>
        %mul3A_631 = arith.muli %shift_right_logical3A_628, %select_n3A_174 : vector<16xi32>
        %mul3A_632 = arith.muli %and3A_630, %select_n3A_148 : vector<16xi32>
        %add3A_633 = arith.addi %mul3A_631, %mul3A_632 : vector<16xi32>
        %add3A_634 = arith.addi %add3A_633, %select_n3A_204 : vector<16xi32>
        %convert_element_type3A_635 = arith.sitofp %add3A_634 : vector<16xi32> to vector<16xf32>
        %mul3A_636 = arith.constant 9.99999974E-6 : f32
        %mul3A_637 = vector.broadcast %mul3A_636 : f32 to vector<16xf32>
        %mul3A_638 = arith.mulf %convert_element_type3A_635, %mul3A_637 : vector<16xf32>
        %convert_element_type3A_639 = arith.fptosi %mul3A_638 : vector<16xf32> to vector<16xi32>
        %mul3A_640 = arith.constant 100000 : i32
        %mul3A_641 = vector.broadcast %mul3A_640 : i32 to vector<16xi32>
        %mul3A_642 = arith.muli %convert_element_type3A_639, %mul3A_641 : vector<16xi32>
        %sub3A_643 = arith.subi %add3A_634, %mul3A_642 : vector<16xi32>
        %lt3A_644 = arith.constant 0 : i32
        %lt3A_645 = vector.broadcast %lt3A_644 : i32 to vector<16xi32>
        %lt3A_646 = arith.cmpi slt, %sub3A_643, %lt3A_645 : vector<16xi32>
        %add3A_647 = arith.constant 100000 : i32
        %add3A_648 = vector.broadcast %add3A_647 : i32 to vector<16xi32>
        %add3A_649 = arith.addi %sub3A_643, %add3A_648 : vector<16xi32>
        %select_n3A_650 = arith.select %lt3A_646, %add3A_649, %sub3A_643 : vector<16xi1>, vector<16xi32>
        %ge3A_651 = arith.constant 100000 : i32
        %ge3A_652 = vector.broadcast %ge3A_651 : i32 to vector<16xi32>
        %ge3A_653 = arith.cmpi sge, %select_n3A_650, %ge3A_652 : vector<16xi32>
        %sub3A_654 = arith.constant 100000 : i32
        %sub3A_655 = vector.broadcast %sub3A_654 : i32 to vector<16xi32>
        %sub3A_656 = arith.subi %select_n3A_650, %sub3A_655 : vector<16xi32>
        %select_n3A_657 = arith.select %ge3A_653, %sub3A_656, %select_n3A_650 : vector<16xi1>, vector<16xi32>
        %mul3A_658 = arith.constant 16 : i32
        %mul3A_659 = arith.muli %while3A_621, %mul3A_658 : i32
        %swap3A = arith.constant 1 : i32
        %swap3A_660 = arith.index_cast %swap3A : i32 to index
        %swap3A_661 = arith.index_cast %mul3A_659 : i32 to index
        %swap3A_662 = tpu.vector_load %arg11[%swap3A_660, %swap3A_661] {strides = array<i32>} : memref<4x1024xi32, #tpu.memory_space<vmem>>, vector<1x16xi32>,
        %swap3A_663 = vector.shape_cast %swap3A_662 : vector<1x16xi32> to vector<16xi32>
        %swap3A_664 = vector.shape_cast %select_n3A_657 : vector<16xi32> to vector<1x16xi32>
        tpu.vector_store %arg11[%swap3A_660, %swap3A_661], %swap3A_664 {strides = array<i32>} : memref<4x1024xi32, #tpu.memory_space<vmem>>, vector<1x16xi32>,
      }
      %dma_start3A_216 = arith.constant 1 : i32
      %dma_start3A_217 = arith.constant 1 : i32
      %dma_start3A_218 = arith.constant 0 : i32
      %dma_start3A_219 = arith.constant 0 : i32
      %dma_start3A_220 = tpu.memref_slice %arg12[%dma_start3A_217, %dma_start3A_218, %dma_start3A_219] : memref<4x1024x16xf32, #tpu.memory_space<vmem>> -> memref<1x1024x16xf32, #tpu.memory_space<vmem>>
      %dma_start3A_221 = tpu.memref_squeeze %dma_start3A_220 : memref<1x1024x16xf32, #tpu.memory_space<vmem>> -> memref<1024x16xf32, #tpu.memory_space<vmem>>
      %dma_start3A_222 = arith.constant 0 : i32
      %dma_start3A_223 = tpu.memref_slice %arg11[%dma_start3A_216, %dma_start3A_222] : memref<4x1024xi32, #tpu.memory_space<vmem>> -> memref<1x1024xi32, #tpu.memory_space<vmem>>
      %dma_start3A_224 = tpu.memref_squeeze %dma_start3A_223 : memref<1x1024xi32, #tpu.memory_space<vmem>> -> memref<1024xi32, #tpu.memory_space<vmem>>
      %dma_start3A_225 = arith.constant 0 : i32
      %dma_start3A_226 = arith.constant 0 : i32
      %dma_start3A_227 = tpu.memref_slice %arg5[%dma_start3A_225, %dma_start3A_226] : memref<100000x16xf32, #tpu.memory_space<hbm>> -> memref<100000x16xf32, #tpu.memory_space<hbm>>
      tpu.enqueue_indirect_dma source(%dma_start3A_227 : memref<100000x16xf32, #tpu.memory_space<hbm>>) target(%dma_start3A_221 : memref<1024x16xf32, #tpu.memory_space<vmem>>) offsets(%dma_start3A_224 : memref<1024xi32, #tpu.memory_space<vmem>>) semaphore(%arg13 : memref<!tpu.dma_semaphore, #tpu.memory_space<semaphore_mem>>)
      %get3A_228 = arith.constant 2 : i64
      %get3A_229 = arith.constant 0 : i64
      %get3A_230 = arith.index_cast %get3A_228 : i64 to index
      %get3A_231 = arith.index_cast %get3A_229 : i64 to index
      %get3A_232 = arith.constant 0 : index
      %get3A_233 = tpu.vector_load %arg9[%get3A_230, %get3A_231, %get3A_232] {strides = array<i32>} : memref<4x2x16xi32, #tpu.memory_space<vmem>>, vector<1x1x16xi32>,
      %get3A_234 = vector.shape_cast %get3A_233 : vector<1x1x16xi32> to vector<16xi32>
      %convert_element_type3A_235 = arith.sitofp %get3A_234 : vector<16xi32> to vector<16xf32>
      %mul3A_236 = arith.constant 9.99999974E-6 : f32
      %mul3A_237 = vector.broadcast %mul3A_236 : f32 to vector<16xf32>
      %mul3A_238 = arith.mulf %convert_element_type3A_235, %mul3A_237 : vector<16xf32>
      %convert_element_type3A_239 = arith.fptosi %mul3A_238 : vector<16xf32> to vector<16xi32>
      %mul3A_240 = arith.constant 100000 : i32
      %mul3A_241 = vector.broadcast %mul3A_240 : i32 to vector<16xi32>
      %mul3A_242 = arith.muli %convert_element_type3A_239, %mul3A_241 : vector<16xi32>
      %sub3A_243 = arith.subi %get3A_234, %mul3A_242 : vector<16xi32>
      %lt3A_244 = arith.constant 0 : i32
      %lt3A_245 = vector.broadcast %lt3A_244 : i32 to vector<16xi32>
      %lt3A_246 = arith.cmpi slt, %sub3A_243, %lt3A_245 : vector<16xi32>
      %add3A_247 = arith.constant 100000 : i32
      %add3A_248 = vector.broadcast %add3A_247 : i32 to vector<16xi32>
      %add3A_249 = arith.addi %sub3A_243, %add3A_248 : vector<16xi32>
      %select_n3A_250 = arith.select %lt3A_246, %add3A_249, %sub3A_243 : vector<16xi1>, vector<16xi32>
      %ge3A_251 = arith.constant 100000 : i32
      %ge3A_252 = vector.broadcast %ge3A_251 : i32 to vector<16xi32>
      %ge3A_253 = arith.cmpi sge, %select_n3A_250, %ge3A_252 : vector<16xi32>
      %sub3A_254 = arith.constant 100000 : i32
      %sub3A_255 = vector.broadcast %sub3A_254 : i32 to vector<16xi32>
      %sub3A_256 = arith.subi %select_n3A_250, %sub3A_255 : vector<16xi32>
      %select_n3A_257 = arith.select %ge3A_253, %sub3A_256, %select_n3A_250 : vector<16xi1>, vector<16xi32>
      %mul3A_258 = arith.constant 1024 : i32
      %mul3A_259 = vector.broadcast %mul3A_258 : i32 to vector<16xi32>
      %mul3A_260 = arith.muli %select_n3A_257, %mul3A_259 : vector<16xi32>
      %convert_element_type3A_261 = arith.sitofp %mul3A_260 : vector<16xi32> to vector<16xf32>
      %mul3A_262 = arith.constant 9.99999974E-6 : f32
      %mul3A_263 = vector.broadcast %mul3A_262 : f32 to vector<16xf32>
      %mul3A_264 = arith.mulf %convert_element_type3A_261, %mul3A_263 : vector<16xf32>
      %convert_element_type3A_265 = arith.fptosi %mul3A_264 : vector<16xf32> to vector<16xi32>
      %mul3A_266 = arith.constant 100000 : i32
      %mul3A_267 = vector.broadcast %mul3A_266 : i32 to vector<16xi32>
      %mul3A_268 = arith.muli %convert_element_type3A_265, %mul3A_267 : vector<16xi32>
      %sub3A_269 = arith.subi %mul3A_260, %mul3A_268 : vector<16xi32>
      %lt3A_270 = arith.constant 0 : i32
      %lt3A_271 = vector.broadcast %lt3A_270 : i32 to vector<16xi32>
      %lt3A_272 = arith.cmpi slt, %sub3A_269, %lt3A_271 : vector<16xi32>
      %add3A_273 = arith.constant 100000 : i32
      %add3A_274 = vector.broadcast %add3A_273 : i32 to vector<16xi32>
      %add3A_275 = arith.addi %sub3A_269, %add3A_274 : vector<16xi32>
      %select_n3A_276 = arith.select %lt3A_272, %add3A_275, %sub3A_269 : vector<16xi1>, vector<16xi32>
      %ge3A_277 = arith.constant 100000 : i32
      %ge3A_278 = vector.broadcast %ge3A_277 : i32 to vector<16xi32>
      %ge3A_279 = arith.cmpi sge, %select_n3A_276, %ge3A_278 : vector<16xi32>
      %sub3A_280 = arith.constant 100000 : i32
      %sub3A_281 = vector.broadcast %sub3A_280 : i32 to vector<16xi32>
      %sub3A_282 = arith.subi %select_n3A_276, %sub3A_281 : vector<16xi32>
      %select_n3A_283 = arith.select %ge3A_279, %sub3A_282, %select_n3A_276 : vector<16xi1>, vector<16xi32>
      %get3A_284 = arith.constant 2 : i64
      %get3A_285 = arith.constant 1 : i64
      %get3A_286 = arith.index_cast %get3A_284 : i64 to index
      %get3A_287 = arith.index_cast %get3A_285 : i64 to index
      %get3A_288 = arith.constant 0 : index
      %get3A_289 = tpu.vector_load %arg9[%get3A_286, %get3A_287, %get3A_288] {strides = array<i32>} : memref<4x2x16xi32, #tpu.memory_space<vmem>>, vector<1x1x16xi32>,
      %get3A_290 = vector.shape_cast %get3A_289 : vector<1x1x16xi32> to vector<16xi32>
      %convert_element_type3A_291 = arith.sitofp %get3A_290 : vector<16xi32> to vector<16xf32>
      %mul3A_292 = arith.constant 9.99999974E-6 : f32
      %mul3A_293 = vector.broadcast %mul3A_292 : f32 to vector<16xf32>
      %mul3A_294 = arith.mulf %convert_element_type3A_291, %mul3A_293 : vector<16xf32>
      %convert_element_type3A_295 = arith.fptosi %mul3A_294 : vector<16xf32> to vector<16xi32>
      %mul3A_296 = arith.constant 100000 : i32
      %mul3A_297 = vector.broadcast %mul3A_296 : i32 to vector<16xi32>
      %mul3A_298 = arith.muli %convert_element_type3A_295, %mul3A_297 : vector<16xi32>
      %sub3A_299 = arith.subi %get3A_290, %mul3A_298 : vector<16xi32>
      %lt3A_300 = arith.constant 0 : i32
      %lt3A_301 = vector.broadcast %lt3A_300 : i32 to vector<16xi32>
      %lt3A_302 = arith.cmpi slt, %sub3A_299, %lt3A_301 : vector<16xi32>
      %add3A_303 = arith.constant 100000 : i32
      %add3A_304 = vector.broadcast %add3A_303 : i32 to vector<16xi32>
      %add3A_305 = arith.addi %sub3A_299, %add3A_304 : vector<16xi32>
      %select_n3A_306 = arith.select %lt3A_302, %add3A_305, %sub3A_299 : vector<16xi1>, vector<16xi32>
      %ge3A_307 = arith.constant 100000 : i32
      %ge3A_308 = vector.broadcast %ge3A_307 : i32 to vector<16xi32>
      %ge3A_309 = arith.cmpi sge, %select_n3A_306, %ge3A_308 : vector<16xi32>
      %sub3A_310 = arith.constant 100000 : i32
      %sub3A_311 = vector.broadcast %sub3A_310 : i32 to vector<16xi32>
      %sub3A_312 = arith.subi %select_n3A_306, %sub3A_311 : vector<16xi32>
      %select_n3A_313 = arith.select %ge3A_309, %sub3A_312, %select_n3A_306 : vector<16xi1>, vector<16xi32>
      %while3A_314 = arith.constant 0 : i32
      %while3A_315 = arith.constant 0 : i32
      %while3A_316 = arith.constant 64 : i32
      %while3A_317 = arith.subi %while3A_316, %while3A_315 : i32
      %while3A_318 = arith.addi %while3A_315, %while3A_317 : i32
      %while3A_319 = arith.constant 1 : i32
      %while3A_320 = arith.divsi %while3A_317, %while3A_319 : i32
      %while3A_321 = arith.muli %while3A_320, %while3A_319 : i32
      %while3A_322 = arith.addi %while3A_315, %while3A_321 : i32
      %while3A_323 = arith.constant 1 : i32
      scf.for %while3A_621 = %while3A_315 to %while3A_322 step %while3A_323  : i32 {
        %mul3A_622 = arith.constant 16 : i32
        %mul3A_623 = arith.muli %while3A_621, %mul3A_622 : i32
        %get3A_624 = arith.index_cast %mul3A_623 : i32 to index
        %get3A_625 = tpu.vector_load %arg10[%get3A_624] {strides = array<i32>} : memref<1024xi32, #tpu.memory_space<vmem>>, vector<16xi32>,
        %get3A_626 = vector.shape_cast %get3A_625 : vector<16xi32> to vector<16xi32>
        %shift_right_logical3A = arith.constant 10 : i32
        %shift_right_logical3A_627 = vector.broadcast %shift_right_logical3A : i32 to vector<16xi32>
        %shift_right_logical3A_628 = arith.shrui %get3A_626, %shift_right_logical3A_627 : vector<16xi32>
        %and3A = arith.constant 1023 : i32
        %and3A_629 = vector.broadcast %and3A : i32 to vector<16xi32>
        %and3A_630 = arith.andi %get3A_626, %and3A_629 : vector<16xi32>
        %mul3A_631 = arith.muli %shift_right_logical3A_628, %select_n3A_283 : vector<16xi32>
        %mul3A_632 = arith.muli %and3A_630, %select_n3A_257 : vector<16xi32>
        %add3A_633 = arith.addi %mul3A_631, %mul3A_632 : vector<16xi32>
        %add3A_634 = arith.addi %add3A_633, %select_n3A_313 : vector<16xi32>
        %convert_element_type3A_635 = arith.sitofp %add3A_634 : vector<16xi32> to vector<16xf32>
        %mul3A_636 = arith.constant 9.99999974E-6 : f32
        %mul3A_637 = vector.broadcast %mul3A_636 : f32 to vector<16xf32>
        %mul3A_638 = arith.mulf %convert_element_type3A_635, %mul3A_637 : vector<16xf32>
        %convert_element_type3A_639 = arith.fptosi %mul3A_638 : vector<16xf32> to vector<16xi32>
        %mul3A_640 = arith.constant 100000 : i32
        %mul3A_641 = vector.broadcast %mul3A_640 : i32 to vector<16xi32>
        %mul3A_642 = arith.muli %convert_element_type3A_639, %mul3A_641 : vector<16xi32>
        %sub3A_643 = arith.subi %add3A_634, %mul3A_642 : vector<16xi32>
        %lt3A_644 = arith.constant 0 : i32
        %lt3A_645 = vector.broadcast %lt3A_644 : i32 to vector<16xi32>
        %lt3A_646 = arith.cmpi slt, %sub3A_643, %lt3A_645 : vector<16xi32>
        %add3A_647 = arith.constant 100000 : i32
        %add3A_648 = vector.broadcast %add3A_647 : i32 to vector<16xi32>
        %add3A_649 = arith.addi %sub3A_643, %add3A_648 : vector<16xi32>
        %select_n3A_650 = arith.select %lt3A_646, %add3A_649, %sub3A_643 : vector<16xi1>, vector<16xi32>
        %ge3A_651 = arith.constant 100000 : i32
        %ge3A_652 = vector.broadcast %ge3A_651 : i32 to vector<16xi32>
        %ge3A_653 = arith.cmpi sge, %select_n3A_650, %ge3A_652 : vector<16xi32>
        %sub3A_654 = arith.constant 100000 : i32
        %sub3A_655 = vector.broadcast %sub3A_654 : i32 to vector<16xi32>
        %sub3A_656 = arith.subi %select_n3A_650, %sub3A_655 : vector<16xi32>
        %select_n3A_657 = arith.select %ge3A_653, %sub3A_656, %select_n3A_650 : vector<16xi1>, vector<16xi32>
        %mul3A_658 = arith.constant 16 : i32
        %mul3A_659 = arith.muli %while3A_621, %mul3A_658 : i32
        %swap3A = arith.constant 2 : i32
        %swap3A_660 = arith.index_cast %swap3A : i32 to index
        %swap3A_661 = arith.index_cast %mul3A_659 : i32 to index
        %swap3A_662 = tpu.vector_load %arg11[%swap3A_660, %swap3A_661] {strides = array<i32>} : memref<4x1024xi32, #tpu.memory_space<vmem>>, vector<1x16xi32>,
        %swap3A_663 = vector.shape_cast %swap3A_662 : vector<1x16xi32> to vector<16xi32>
        %swap3A_664 = vector.shape_cast %select_n3A_657 : vector<16xi32> to vector<1x16xi32>
        tpu.vector_store %arg11[%swap3A_660, %swap3A_661], %swap3A_664 {strides = array<i32>} : memref<4x1024xi32, #tpu.memory_space<vmem>>, vector<1x16xi32>,
      }
      %while3A_324 = arith.constant 1 : i32
      scf.for %while3A_621 = %while3A_322 to %while3A_318 step %while3A_324  : i32 {
        %mul3A_622 = arith.constant 16 : i32
        %mul3A_623 = arith.muli %while3A_621, %mul3A_622 : i32
        %get3A_624 = arith.index_cast %mul3A_623 : i32 to index
        %get3A_625 = tpu.vector_load %arg10[%get3A_624] {strides = array<i32>} : memref<1024xi32, #tpu.memory_space<vmem>>, vector<16xi32>,
        %get3A_626 = vector.shape_cast %get3A_625 : vector<16xi32> to vector<16xi32>
        %shift_right_logical3A = arith.constant 10 : i32
        %shift_right_logical3A_627 = vector.broadcast %shift_right_logical3A : i32 to vector<16xi32>
        %shift_right_logical3A_628 = arith.shrui %get3A_626, %shift_right_logical3A_627 : vector<16xi32>
        %and3A = arith.constant 1023 : i32
        %and3A_629 = vector.broadcast %and3A : i32 to vector<16xi32>
        %and3A_630 = arith.andi %get3A_626, %and3A_629 : vector<16xi32>
        %mul3A_631 = arith.muli %shift_right_logical3A_628, %select_n3A_283 : vector<16xi32>
        %mul3A_632 = arith.muli %and3A_630, %select_n3A_257 : vector<16xi32>
        %add3A_633 = arith.addi %mul3A_631, %mul3A_632 : vector<16xi32>
        %add3A_634 = arith.addi %add3A_633, %select_n3A_313 : vector<16xi32>
        %convert_element_type3A_635 = arith.sitofp %add3A_634 : vector<16xi32> to vector<16xf32>
        %mul3A_636 = arith.constant 9.99999974E-6 : f32
        %mul3A_637 = vector.broadcast %mul3A_636 : f32 to vector<16xf32>
        %mul3A_638 = arith.mulf %convert_element_type3A_635, %mul3A_637 : vector<16xf32>
        %convert_element_type3A_639 = arith.fptosi %mul3A_638 : vector<16xf32> to vector<16xi32>
        %mul3A_640 = arith.constant 100000 : i32
        %mul3A_641 = vector.broadcast %mul3A_640 : i32 to vector<16xi32>
        %mul3A_642 = arith.muli %convert_element_type3A_639, %mul3A_641 : vector<16xi32>
        %sub3A_643 = arith.subi %add3A_634, %mul3A_642 : vector<16xi32>
        %lt3A_644 = arith.constant 0 : i32
        %lt3A_645 = vector.broadcast %lt3A_644 : i32 to vector<16xi32>
        %lt3A_646 = arith.cmpi slt, %sub3A_643, %lt3A_645 : vector<16xi32>
        %add3A_647 = arith.constant 100000 : i32
        %add3A_648 = vector.broadcast %add3A_647 : i32 to vector<16xi32>
        %add3A_649 = arith.addi %sub3A_643, %add3A_648 : vector<16xi32>
        %select_n3A_650 = arith.select %lt3A_646, %add3A_649, %sub3A_643 : vector<16xi1>, vector<16xi32>
        %ge3A_651 = arith.constant 100000 : i32
        %ge3A_652 = vector.broadcast %ge3A_651 : i32 to vector<16xi32>
        %ge3A_653 = arith.cmpi sge, %select_n3A_650, %ge3A_652 : vector<16xi32>
        %sub3A_654 = arith.constant 100000 : i32
        %sub3A_655 = vector.broadcast %sub3A_654 : i32 to vector<16xi32>
        %sub3A_656 = arith.subi %select_n3A_650, %sub3A_655 : vector<16xi32>
        %select_n3A_657 = arith.select %ge3A_653, %sub3A_656, %select_n3A_650 : vector<16xi1>, vector<16xi32>
        %mul3A_658 = arith.constant 16 : i32
        %mul3A_659 = arith.muli %while3A_621, %mul3A_658 : i32
        %swap3A = arith.constant 2 : i32
        %swap3A_660 = arith.index_cast %swap3A : i32 to index
        %swap3A_661 = arith.index_cast %mul3A_659 : i32 to index
        %swap3A_662 = tpu.vector_load %arg11[%swap3A_660, %swap3A_661] {strides = array<i32>} : memref<4x1024xi32, #tpu.memory_space<vmem>>, vector<1x16xi32>,
        %swap3A_663 = vector.shape_cast %swap3A_662 : vector<1x16xi32> to vector<16xi32>
        %swap3A_664 = vector.shape_cast %select_n3A_657 : vector<16xi32> to vector<1x16xi32>
        tpu.vector_store %arg11[%swap3A_660, %swap3A_661], %swap3A_664 {strides = array<i32>} : memref<4x1024xi32, #tpu.memory_space<vmem>>, vector<1x16xi32>,
      }
      %dma_start3A_325 = arith.constant 2 : i32
      %dma_start3A_326 = arith.constant 2 : i32
      %dma_start3A_327 = arith.constant 0 : i32
      %dma_start3A_328 = arith.constant 0 : i32
      %dma_start3A_329 = tpu.memref_slice %arg12[%dma_start3A_326, %dma_start3A_327, %dma_start3A_328] : memref<4x1024x16xf32, #tpu.memory_space<vmem>> -> memref<1x1024x16xf32, #tpu.memory_space<vmem>>
      %dma_start3A_330 = tpu.memref_squeeze %dma_start3A_329 : memref<1x1024x16xf32, #tpu.memory_space<vmem>> -> memref<1024x16xf32, #tpu.memory_space<vmem>>
      %dma_start3A_331 = arith.constant 0 : i32
      %dma_start3A_332 = tpu.memref_slice %arg11[%dma_start3A_325, %dma_start3A_331] : memref<4x1024xi32, #tpu.memory_space<vmem>> -> memref<1x1024xi32, #tpu.memory_space<vmem>>
      %dma_start3A_333 = tpu.memref_squeeze %dma_start3A_332 : memref<1x1024xi32, #tpu.memory_space<vmem>> -> memref<1024xi32, #tpu.memory_space<vmem>>
      %dma_start3A_334 = arith.constant 0 : i32
      %dma_start3A_335 = arith.constant 0 : i32
      %dma_start3A_336 = tpu.memref_slice %arg6[%dma_start3A_334, %dma_start3A_335] : memref<100000x16xf32, #tpu.memory_space<hbm>> -> memref<100000x16xf32, #tpu.memory_space<hbm>>
      tpu.enqueue_indirect_dma source(%dma_start3A_336 : memref<100000x16xf32, #tpu.memory_space<hbm>>) target(%dma_start3A_330 : memref<1024x16xf32, #tpu.memory_space<vmem>>) offsets(%dma_start3A_333 : memref<1024xi32, #tpu.memory_space<vmem>>) semaphore(%arg13 : memref<!tpu.dma_semaphore, #tpu.memory_space<semaphore_mem>>)
      %get3A_337 = arith.constant 3 : i64
      %get3A_338 = arith.constant 0 : i64
      %get3A_339 = arith.index_cast %get3A_337 : i64 to index
      %get3A_340 = arith.index_cast %get3A_338 : i64 to index
      %get3A_341 = arith.constant 0 : index
      %get3A_342 = tpu.vector_load %arg9[%get3A_339, %get3A_340, %get3A_341] {strides = array<i32>} : memref<4x2x16xi32, #tpu.memory_space<vmem>>, vector<1x1x16xi32>,
      %get3A_343 = vector.shape_cast %get3A_342 : vector<1x1x16xi32> to vector<16xi32>
      %convert_element_type3A_344 = arith.sitofp %get3A_343 : vector<16xi32> to vector<16xf32>
      %mul3A_345 = arith.constant 9.99999974E-6 : f32
      %mul3A_346 = vector.broadcast %mul3A_345 : f32 to vector<16xf32>
      %mul3A_347 = arith.mulf %convert_element_type3A_344, %mul3A_346 : vector<16xf32>
      %convert_element_type3A_348 = arith.fptosi %mul3A_347 : vector<16xf32> to vector<16xi32>
      %mul3A_349 = arith.constant 100000 : i32
      %mul3A_350 = vector.broadcast %mul3A_349 : i32 to vector<16xi32>
      %mul3A_351 = arith.muli %convert_element_type3A_348, %mul3A_350 : vector<16xi32>
      %sub3A_352 = arith.subi %get3A_343, %mul3A_351 : vector<16xi32>
      %lt3A_353 = arith.constant 0 : i32
      %lt3A_354 = vector.broadcast %lt3A_353 : i32 to vector<16xi32>
      %lt3A_355 = arith.cmpi slt, %sub3A_352, %lt3A_354 : vector<16xi32>
      %add3A_356 = arith.constant 100000 : i32
      %add3A_357 = vector.broadcast %add3A_356 : i32 to vector<16xi32>
      %add3A_358 = arith.addi %sub3A_352, %add3A_357 : vector<16xi32>
      %select_n3A_359 = arith.select %lt3A_355, %add3A_358, %sub3A_352 : vector<16xi1>, vector<16xi32>
      %ge3A_360 = arith.constant 100000 : i32
      %ge3A_361 = vector.broadcast %ge3A_360 : i32 to vector<16xi32>
      %ge3A_362 = arith.cmpi sge, %select_n3A_359, %ge3A_361 : vector<16xi32>
      %sub3A_363 = arith.constant 100000 : i32
      %sub3A_364 = vector.broadcast %sub3A_363 : i32 to vector<16xi32>
      %sub3A_365 = arith.subi %select_n3A_359, %sub3A_364 : vector<16xi32>
      %select_n3A_366 = arith.select %ge3A_362, %sub3A_365, %select_n3A_359 : vector<16xi1>, vector<16xi32>
      %mul3A_367 = arith.constant 1024 : i32
      %mul3A_368 = vector.broadcast %mul3A_367 : i32 to vector<16xi32>
      %mul3A_369 = arith.muli %select_n3A_366, %mul3A_368 : vector<16xi32>
      %convert_element_type3A_370 = arith.sitofp %mul3A_369 : vector<16xi32> to vector<16xf32>
      %mul3A_371 = arith.constant 9.99999974E-6 : f32
      %mul3A_372 = vector.broadcast %mul3A_371 : f32 to vector<16xf32>
      %mul3A_373 = arith.mulf %convert_element_type3A_370, %mul3A_372 : vector<16xf32>
      %convert_element_type3A_374 = arith.fptosi %mul3A_373 : vector<16xf32> to vector<16xi32>
      %mul3A_375 = arith.constant 100000 : i32
      %mul3A_376 = vector.broadcast %mul3A_375 : i32 to vector<16xi32>
      %mul3A_377 = arith.muli %convert_element_type3A_374, %mul3A_376 : vector<16xi32>
      %sub3A_378 = arith.subi %mul3A_369, %mul3A_377 : vector<16xi32>
      %lt3A_379 = arith.constant 0 : i32
      %lt3A_380 = vector.broadcast %lt3A_379 : i32 to vector<16xi32>
      %lt3A_381 = arith.cmpi slt, %sub3A_378, %lt3A_380 : vector<16xi32>
      %add3A_382 = arith.constant 100000 : i32
      %add3A_383 = vector.broadcast %add3A_382 : i32 to vector<16xi32>
      %add3A_384 = arith.addi %sub3A_378, %add3A_383 : vector<16xi32>
      %select_n3A_385 = arith.select %lt3A_381, %add3A_384, %sub3A_378 : vector<16xi1>, vector<16xi32>
      %ge3A_386 = arith.constant 100000 : i32
      %ge3A_387 = vector.broadcast %ge3A_386 : i32 to vector<16xi32>
      %ge3A_388 = arith.cmpi sge, %select_n3A_385, %ge3A_387 : vector<16xi32>
      %sub3A_389 = arith.constant 100000 : i32
      %sub3A_390 = vector.broadcast %sub3A_389 : i32 to vector<16xi32>
      %sub3A_391 = arith.subi %select_n3A_385, %sub3A_390 : vector<16xi32>
      %select_n3A_392 = arith.select %ge3A_388, %sub3A_391, %select_n3A_385 : vector<16xi1>, vector<16xi32>
      %get3A_393 = arith.constant 3 : i64
      %get3A_394 = arith.constant 1 : i64
      %get3A_395 = arith.index_cast %get3A_393 : i64 to index
      %get3A_396 = arith.index_cast %get3A_394 : i64 to index
      %get3A_397 = arith.constant 0 : index
      %get3A_398 = tpu.vector_load %arg9[%get3A_395, %get3A_396, %get3A_397] {strides = array<i32>} : memref<4x2x16xi32, #tpu.memory_space<vmem>>, vector<1x1x16xi32>,
      %get3A_399 = vector.shape_cast %get3A_398 : vector<1x1x16xi32> to vector<16xi32>
      %convert_element_type3A_400 = arith.sitofp %get3A_399 : vector<16xi32> to vector<16xf32>
      %mul3A_401 = arith.constant 9.99999974E-6 : f32
      %mul3A_402 = vector.broadcast %mul3A_401 : f32 to vector<16xf32>
      %mul3A_403 = arith.mulf %convert_element_type3A_400, %mul3A_402 : vector<16xf32>
      %convert_element_type3A_404 = arith.fptosi %mul3A_403 : vector<16xf32> to vector<16xi32>
      %mul3A_405 = arith.constant 100000 : i32
      %mul3A_406 = vector.broadcast %mul3A_405 : i32 to vector<16xi32>
      %mul3A_407 = arith.muli %convert_element_type3A_404, %mul3A_406 : vector<16xi32>
      %sub3A_408 = arith.subi %get3A_399, %mul3A_407 : vector<16xi32>
      %lt3A_409 = arith.constant 0 : i32
      %lt3A_410 = vector.broadcast %lt3A_409 : i32 to vector<16xi32>
      %lt3A_411 = arith.cmpi slt, %sub3A_408, %lt3A_410 : vector<16xi32>
      %add3A_412 = arith.constant 100000 : i32
      %add3A_413 = vector.broadcast %add3A_412 : i32 to vector<16xi32>
      %add3A_414 = arith.addi %sub3A_408, %add3A_413 : vector<16xi32>
      %select_n3A_415 = arith.select %lt3A_411, %add3A_414, %sub3A_408 : vector<16xi1>, vector<16xi32>
      %ge3A_416 = arith.constant 100000 : i32
      %ge3A_417 = vector.broadcast %ge3A_416 : i32 to vector<16xi32>
      %ge3A_418 = arith.cmpi sge, %select_n3A_415, %ge3A_417 : vector<16xi32>
      %sub3A_419 = arith.constant 100000 : i32
      %sub3A_420 = vector.broadcast %sub3A_419 : i32 to vector<16xi32>
      %sub3A_421 = arith.subi %select_n3A_415, %sub3A_420 : vector<16xi32>
      %select_n3A_422 = arith.select %ge3A_418, %sub3A_421, %select_n3A_415 : vector<16xi1>, vector<16xi32>
      %while3A_423 = arith.constant 0 : i32
      %while3A_424 = arith.constant 0 : i32
      %while3A_425 = arith.constant 64 : i32
      %while3A_426 = arith.subi %while3A_425, %while3A_424 : i32
      %while3A_427 = arith.addi %while3A_424, %while3A_426 : i32
      %while3A_428 = arith.constant 1 : i32
      %while3A_429 = arith.divsi %while3A_426, %while3A_428 : i32
      %while3A_430 = arith.muli %while3A_429, %while3A_428 : i32
      %while3A_431 = arith.addi %while3A_424, %while3A_430 : i32
      %while3A_432 = arith.constant 1 : i32
      scf.for %while3A_621 = %while3A_424 to %while3A_431 step %while3A_432  : i32 {
        %mul3A_622 = arith.constant 16 : i32
        %mul3A_623 = arith.muli %while3A_621, %mul3A_622 : i32
        %get3A_624 = arith.index_cast %mul3A_623 : i32 to index
        %get3A_625 = tpu.vector_load %arg10[%get3A_624] {strides = array<i32>} : memref<1024xi32, #tpu.memory_space<vmem>>, vector<16xi32>,
        %get3A_626 = vector.shape_cast %get3A_625 : vector<16xi32> to vector<16xi32>
        %shift_right_logical3A = arith.constant 10 : i32
        %shift_right_logical3A_627 = vector.broadcast %shift_right_logical3A : i32 to vector<16xi32>
        %shift_right_logical3A_628 = arith.shrui %get3A_626, %shift_right_logical3A_627 : vector<16xi32>
        %and3A = arith.constant 1023 : i32
        %and3A_629 = vector.broadcast %and3A : i32 to vector<16xi32>
        %and3A_630 = arith.andi %get3A_626, %and3A_629 : vector<16xi32>
        %mul3A_631 = arith.muli %shift_right_logical3A_628, %select_n3A_392 : vector<16xi32>
        %mul3A_632 = arith.muli %and3A_630, %select_n3A_366 : vector<16xi32>
        %add3A_633 = arith.addi %mul3A_631, %mul3A_632 : vector<16xi32>
        %add3A_634 = arith.addi %add3A_633, %select_n3A_422 : vector<16xi32>
        %convert_element_type3A_635 = arith.sitofp %add3A_634 : vector<16xi32> to vector<16xf32>
        %mul3A_636 = arith.constant 9.99999974E-6 : f32
        %mul3A_637 = vector.broadcast %mul3A_636 : f32 to vector<16xf32>
        %mul3A_638 = arith.mulf %convert_element_type3A_635, %mul3A_637 : vector<16xf32>
        %convert_element_type3A_639 = arith.fptosi %mul3A_638 : vector<16xf32> to vector<16xi32>
        %mul3A_640 = arith.constant 100000 : i32
        %mul3A_641 = vector.broadcast %mul3A_640 : i32 to vector<16xi32>
        %mul3A_642 = arith.muli %convert_element_type3A_639, %mul3A_641 : vector<16xi32>
        %sub3A_643 = arith.subi %add3A_634, %mul3A_642 : vector<16xi32>
        %lt3A_644 = arith.constant 0 : i32
        %lt3A_645 = vector.broadcast %lt3A_644 : i32 to vector<16xi32>
        %lt3A_646 = arith.cmpi slt, %sub3A_643, %lt3A_645 : vector<16xi32>
        %add3A_647 = arith.constant 100000 : i32
        %add3A_648 = vector.broadcast %add3A_647 : i32 to vector<16xi32>
        %add3A_649 = arith.addi %sub3A_643, %add3A_648 : vector<16xi32>
        %select_n3A_650 = arith.select %lt3A_646, %add3A_649, %sub3A_643 : vector<16xi1>, vector<16xi32>
        %ge3A_651 = arith.constant 100000 : i32
        %ge3A_652 = vector.broadcast %ge3A_651 : i32 to vector<16xi32>
        %ge3A_653 = arith.cmpi sge, %select_n3A_650, %ge3A_652 : vector<16xi32>
        %sub3A_654 = arith.constant 100000 : i32
        %sub3A_655 = vector.broadcast %sub3A_654 : i32 to vector<16xi32>
        %sub3A_656 = arith.subi %select_n3A_650, %sub3A_655 : vector<16xi32>
        %select_n3A_657 = arith.select %ge3A_653, %sub3A_656, %select_n3A_650 : vector<16xi1>, vector<16xi32>
        %mul3A_658 = arith.constant 16 : i32
        %mul3A_659 = arith.muli %while3A_621, %mul3A_658 : i32
        %swap3A = arith.constant 3 : i32
        %swap3A_660 = arith.index_cast %swap3A : i32 to index
        %swap3A_661 = arith.index_cast %mul3A_659 : i32 to index
        %swap3A_662 = tpu.vector_load %arg11[%swap3A_660, %swap3A_661] {strides = array<i32>} : memref<4x1024xi32, #tpu.memory_space<vmem>>, vector<1x16xi32>,
        %swap3A_663 = vector.shape_cast %swap3A_662 : vector<1x16xi32> to vector<16xi32>
        %swap3A_664 = vector.shape_cast %select_n3A_657 : vector<16xi32> to vector<1x16xi32>
        tpu.vector_store %arg11[%swap3A_660, %swap3A_661], %swap3A_664 {strides = array<i32>} : memref<4x1024xi32, #tpu.memory_space<vmem>>, vector<1x16xi32>,
      }
      %while3A_433 = arith.constant 1 : i32
      scf.for %while3A_621 = %while3A_431 to %while3A_427 step %while3A_433  : i32 {
        %mul3A_622 = arith.constant 16 : i32
        %mul3A_623 = arith.muli %while3A_621, %mul3A_622 : i32
        %get3A_624 = arith.index_cast %mul3A_623 : i32 to index
        %get3A_625 = tpu.vector_load %arg10[%get3A_624] {strides = array<i32>} : memref<1024xi32, #tpu.memory_space<vmem>>, vector<16xi32>,
        %get3A_626 = vector.shape_cast %get3A_625 : vector<16xi32> to vector<16xi32>
        %shift_right_logical3A = arith.constant 10 : i32
        %shift_right_logical3A_627 = vector.broadcast %shift_right_logical3A : i32 to vector<16xi32>
        %shift_right_logical3A_628 = arith.shrui %get3A_626, %shift_right_logical3A_627 : vector<16xi32>
        %and3A = arith.constant 1023 : i32
        %and3A_629 = vector.broadcast %and3A : i32 to vector<16xi32>
        %and3A_630 = arith.andi %get3A_626, %and3A_629 : vector<16xi32>
        %mul3A_631 = arith.muli %shift_right_logical3A_628, %select_n3A_392 : vector<16xi32>
        %mul3A_632 = arith.muli %and3A_630, %select_n3A_366 : vector<16xi32>
        %add3A_633 = arith.addi %mul3A_631, %mul3A_632 : vector<16xi32>
        %add3A_634 = arith.addi %add3A_633, %select_n3A_422 : vector<16xi32>
        %convert_element_type3A_635 = arith.sitofp %add3A_634 : vector<16xi32> to vector<16xf32>
        %mul3A_636 = arith.constant 9.99999974E-6 : f32
        %mul3A_637 = vector.broadcast %mul3A_636 : f32 to vector<16xf32>
        %mul3A_638 = arith.mulf %convert_element_type3A_635, %mul3A_637 : vector<16xf32>
        %convert_element_type3A_639 = arith.fptosi %mul3A_638 : vector<16xf32> to vector<16xi32>
        %mul3A_640 = arith.constant 100000 : i32
        %mul3A_641 = vector.broadcast %mul3A_640 : i32 to vector<16xi32>
        %mul3A_642 = arith.muli %convert_element_type3A_639, %mul3A_641 : vector<16xi32>
        %sub3A_643 = arith.subi %add3A_634, %mul3A_642 : vector<16xi32>
        %lt3A_644 = arith.constant 0 : i32
        %lt3A_645 = vector.broadcast %lt3A_644 : i32 to vector<16xi32>
        %lt3A_646 = arith.cmpi slt, %sub3A_643, %lt3A_645 : vector<16xi32>
        %add3A_647 = arith.constant 100000 : i32
        %add3A_648 = vector.broadcast %add3A_647 : i32 to vector<16xi32>
        %add3A_649 = arith.addi %sub3A_643, %add3A_648 : vector<16xi32>
        %select_n3A_650 = arith.select %lt3A_646, %add3A_649, %sub3A_643 : vector<16xi1>, vector<16xi32>
        %ge3A_651 = arith.constant 100000 : i32
        %ge3A_652 = vector.broadcast %ge3A_651 : i32 to vector<16xi32>
        %ge3A_653 = arith.cmpi sge, %select_n3A_650, %ge3A_652 : vector<16xi32>
        %sub3A_654 = arith.constant 100000 : i32
        %sub3A_655 = vector.broadcast %sub3A_654 : i32 to vector<16xi32>
        %sub3A_656 = arith.subi %select_n3A_650, %sub3A_655 : vector<16xi32>
        %select_n3A_657 = arith.select %ge3A_653, %sub3A_656, %select_n3A_650 : vector<16xi1>, vector<16xi32>
        %mul3A_658 = arith.constant 16 : i32
        %mul3A_659 = arith.muli %while3A_621, %mul3A_658 : i32
        %swap3A = arith.constant 3 : i32
        %swap3A_660 = arith.index_cast %swap3A : i32 to index
        %swap3A_661 = arith.index_cast %mul3A_659 : i32 to index
        %swap3A_662 = tpu.vector_load %arg11[%swap3A_660, %swap3A_661] {strides = array<i32>} : memref<4x1024xi32, #tpu.memory_space<vmem>>, vector<1x16xi32>,
        %swap3A_663 = vector.shape_cast %swap3A_662 : vector<1x16xi32> to vector<16xi32>
        %swap3A_664 = vector.shape_cast %select_n3A_657 : vector<16xi32> to vector<1x16xi32>
        tpu.vector_store %arg11[%swap3A_660, %swap3A_661], %swap3A_664 {strides = array<i32>} : memref<4x1024xi32, #tpu.memory_space<vmem>>, vector<1x16xi32>,
      }
      %dma_start3A_434 = arith.constant 3 : i32
      %dma_start3A_435 = arith.constant 3 : i32
      %dma_start3A_436 = arith.constant 0 : i32
      %dma_start3A_437 = arith.constant 0 : i32
      %dma_start3A_438 = tpu.memref_slice %arg12[%dma_start3A_435, %dma_start3A_436, %dma_start3A_437] : memref<4x1024x16xf32, #tpu.memory_space<vmem>> -> memref<1x1024x16xf32, #tpu.memory_space<vmem>>
      %dma_start3A_439 = tpu.memref_squeeze %dma_start3A_438 : memref<1x1024x16xf32, #tpu.memory_space<vmem>> -> memref<1024x16xf32, #tpu.memory_space<vmem>>
      %dma_start3A_440 = arith.constant 0 : i32
      %dma_start3A_441 = tpu.memref_slice %arg11[%dma_start3A_434, %dma_start3A_440] : memref<4x1024xi32, #tpu.memory_space<vmem>> -> memref<1x1024xi32, #tpu.memory_space<vmem>>
      %dma_start3A_442 = tpu.memref_squeeze %dma_start3A_441 : memref<1x1024xi32, #tpu.memory_space<vmem>> -> memref<1024xi32, #tpu.memory_space<vmem>>
      %dma_start3A_443 = arith.constant 0 : i32
      %dma_start3A_444 = arith.constant 0 : i32
      %dma_start3A_445 = tpu.memref_slice %arg7[%dma_start3A_443, %dma_start3A_444] : memref<100000x16xf32, #tpu.memory_space<hbm>> -> memref<100000x16xf32, #tpu.memory_space<hbm>>
      tpu.enqueue_indirect_dma source(%dma_start3A_445 : memref<100000x16xf32, #tpu.memory_space<hbm>>) target(%dma_start3A_439 : memref<1024x16xf32, #tpu.memory_space<vmem>>) offsets(%dma_start3A_442 : memref<1024xi32, #tpu.memory_space<vmem>>) semaphore(%arg13 : memref<!tpu.dma_semaphore, #tpu.memory_space<semaphore_mem>>)
      %dma_wait3A = arith.constant 0 : i32
      %dma_wait3A_446 = arith.constant 0 : i32
      %dma_wait3A_447 = arith.constant 0 : i32
      %dma_wait3A_448 = arith.constant 0 : i32
      %dma_wait3A_449 = tpu.memref_slice %arg12[%dma_wait3A_446, %dma_wait3A_447, %dma_wait3A_448] : memref<4x1024x16xf32, #tpu.memory_space<vmem>> -> memref<1x1024x16xf32, #tpu.memory_space<vmem>>
      %dma_wait3A_450 = tpu.memref_squeeze %dma_wait3A_449 : memref<1x1024x16xf32, #tpu.memory_space<vmem>> -> memref<1024x16xf32, #tpu.memory_space<vmem>>
      %dma_wait3A_451 = arith.constant 0 : i32
      %dma_wait3A_452 = tpu.memref_slice %arg11[%dma_wait3A, %dma_wait3A_451] : memref<4x1024xi32, #tpu.memory_space<vmem>> -> memref<1x1024xi32, #tpu.memory_space<vmem>>
      %dma_wait3A_453 = tpu.memref_squeeze %dma_wait3A_452 : memref<1x1024xi32, #tpu.memory_space<vmem>> -> memref<1024xi32, #tpu.memory_space<vmem>>
      %dma_wait3A_454 = arith.constant 0 : i32
      %dma_wait3A_455 = arith.constant 0 : i32
      %dma_wait3A_456 = tpu.memref_slice %arg4[%dma_wait3A_454, %dma_wait3A_455] : memref<100000x16xf32, #tpu.memory_space<hbm>> -> memref<100000x16xf32, #tpu.memory_space<hbm>>
      tpu.wait_indirect_dma semaphore(%arg13 : memref<!tpu.dma_semaphore, #tpu.memory_space<semaphore_mem>>) src(%dma_wait3A_456 : memref<100000x16xf32, #tpu.memory_space<hbm>>) dst(%dma_wait3A_450 : memref<1024x16xf32, #tpu.memory_space<vmem>>)
      %dma_start3A_457 = arith.constant 0 : i32
      %dma_start3A_458 = arith.constant 0 : i32
      %dma_start3A_459 = arith.constant 0 : i32
      %dma_start3A_460 = arith.constant 0 : i32
      %dma_start3A_461 = tpu.memref_slice %arg12[%dma_start3A_457, %dma_start3A_459, %dma_start3A_460] : memref<4x1024x16xf32, #tpu.memory_space<vmem>> -> memref<1x1024x16xf32, #tpu.memory_space<vmem>>
      %dma_start3A_462 = tpu.memref_squeeze %dma_start3A_461 : memref<1x1024x16xf32, #tpu.memory_space<vmem>> -> memref<1024x16xf32, #tpu.memory_space<vmem>>
      %dma_start3A_463 = arith.constant 0 : i32
      %dma_start3A_464 = tpu.memref_slice %arg8[%dma_start3A_458, %multiple_of3A, %dma_start3A_463] : memref<4x327680x16xf32, #tpu.memory_space<hbm>> -> memref<1x1024x16xf32, #tpu.memory_space<hbm>>
      %dma_start3A_465 = tpu.memref_squeeze %dma_start3A_464 : memref<1x1024x16xf32, #tpu.memory_space<hbm>> -> memref<1024x16xf32, #tpu.memory_space<hbm>>
      %dma_start3A_466 = arith.constant 0 : i32
      %dma_start3A_467 = tpu.memref_slice %arg8[%dma_start3A_458, %multiple_of3A, %dma_start3A_466] : memref<4x327680x16xf32, #tpu.memory_space<hbm>> -> memref<1x1024x16xf32, #tpu.memory_space<hbm>>
      %dma_start3A_468 = tpu.memref_squeeze %dma_start3A_467 : memref<1x1024x16xf32, #tpu.memory_space<hbm>> -> memref<1024x16xf32, #tpu.memory_space<hbm>>
      %dma_start3A_469 = arith.constant 0 : i32
      %dma_start3A_470 = arith.constant 0 : i32
      %dma_start3A_471 = tpu.memref_slice %arg12[%dma_start3A_457, %dma_start3A_469, %dma_start3A_470] : memref<4x1024x16xf32, #tpu.memory_space<vmem>> -> memref<1x1024x16xf32, #tpu.memory_space<vmem>>
      %dma_start3A_472 = tpu.memref_squeeze %dma_start3A_471 : memref<1x1024x16xf32, #tpu.memory_space<vmem>> -> memref<1024x16xf32, #tpu.memory_space<vmem>>
      tpu.enqueue_dma source(%dma_start3A_472 : memref<1024x16xf32, #tpu.memory_space<vmem>>) target(%dma_start3A_468 : memref<1024x16xf32, #tpu.memory_space<hbm>>) target_semaphore(%arg14 : memref<!tpu.dma_semaphore, #tpu.memory_space<semaphore_mem>>)
      %dma_wait3A_473 = arith.constant 1 : i32
      %dma_wait3A_474 = arith.constant 1 : i32
      %dma_wait3A_475 = arith.constant 0 : i32
      %dma_wait3A_476 = arith.constant 0 : i32
      %dma_wait3A_477 = tpu.memref_slice %arg12[%dma_wait3A_474, %dma_wait3A_475, %dma_wait3A_476] : memref<4x1024x16xf32, #tpu.memory_space<vmem>> -> memref<1x1024x16xf32, #tpu.memory_space<vmem>>
      %dma_wait3A_478 = tpu.memref_squeeze %dma_wait3A_477 : memref<1x1024x16xf32, #tpu.memory_space<vmem>> -> memref<1024x16xf32, #tpu.memory_space<vmem>>
      %dma_wait3A_479 = arith.constant 0 : i32
      %dma_wait3A_480 = tpu.memref_slice %arg11[%dma_wait3A_473, %dma_wait3A_479] : memref<4x1024xi32, #tpu.memory_space<vmem>> -> memref<1x1024xi32, #tpu.memory_space<vmem>>
      %dma_wait3A_481 = tpu.memref_squeeze %dma_wait3A_480 : memref<1x1024xi32, #tpu.memory_space<vmem>> -> memref<1024xi32, #tpu.memory_space<vmem>>
      %dma_wait3A_482 = arith.constant 0 : i32
      %dma_wait3A_483 = arith.constant 0 : i32
      %dma_wait3A_484 = tpu.memref_slice %arg5[%dma_wait3A_482, %dma_wait3A_483] : memref<100000x16xf32, #tpu.memory_space<hbm>> -> memref<100000x16xf32, #tpu.memory_space<hbm>>
      tpu.wait_indirect_dma semaphore(%arg13 : memref<!tpu.dma_semaphore, #tpu.memory_space<semaphore_mem>>) src(%dma_wait3A_484 : memref<100000x16xf32, #tpu.memory_space<hbm>>) dst(%dma_wait3A_478 : memref<1024x16xf32, #tpu.memory_space<vmem>>)
      %dma_start3A_485 = arith.constant 1 : i32
      %dma_start3A_486 = arith.constant 1 : i32
      %dma_start3A_487 = arith.constant 0 : i32
      %dma_start3A_488 = arith.constant 0 : i32
      %dma_start3A_489 = tpu.memref_slice %arg12[%dma_start3A_485, %dma_start3A_487, %dma_start3A_488] : memref<4x1024x16xf32, #tpu.memory_space<vmem>> -> memref<1x1024x16xf32, #tpu.memory_space<vmem>>
      %dma_start3A_490 = tpu.memref_squeeze %dma_start3A_489 : memref<1x1024x16xf32, #tpu.memory_space<vmem>> -> memref<1024x16xf32, #tpu.memory_space<vmem>>
      %dma_start3A_491 = arith.constant 0 : i32
      %dma_start3A_492 = tpu.memref_slice %arg8[%dma_start3A_486, %multiple_of3A, %dma_start3A_491] : memref<4x327680x16xf32, #tpu.memory_space<hbm>> -> memref<1x1024x16xf32, #tpu.memory_space<hbm>>
      %dma_start3A_493 = tpu.memref_squeeze %dma_start3A_492 : memref<1x1024x16xf32, #tpu.memory_space<hbm>> -> memref<1024x16xf32, #tpu.memory_space<hbm>>
      %dma_start3A_494 = arith.constant 0 : i32
      %dma_start3A_495 = tpu.memref_slice %arg8[%dma_start3A_486, %multiple_of3A, %dma_start3A_494] : memref<4x327680x16xf32, #tpu.memory_space<hbm>> -> memref<1x1024x16xf32, #tpu.memory_space<hbm>>
      %dma_start3A_496 = tpu.memref_squeeze %dma_start3A_495 : memref<1x1024x16xf32, #tpu.memory_space<hbm>> -> memref<1024x16xf32, #tpu.memory_space<hbm>>
      %dma_start3A_497 = arith.constant 0 : i32
      %dma_start3A_498 = arith.constant 0 : i32
      %dma_start3A_499 = tpu.memref_slice %arg12[%dma_start3A_485, %dma_start3A_497, %dma_start3A_498] : memref<4x1024x16xf32, #tpu.memory_space<vmem>> -> memref<1x1024x16xf32, #tpu.memory_space<vmem>>
      %dma_start3A_500 = tpu.memref_squeeze %dma_start3A_499 : memref<1x1024x16xf32, #tpu.memory_space<vmem>> -> memref<1024x16xf32, #tpu.memory_space<vmem>>
      tpu.enqueue_dma source(%dma_start3A_500 : memref<1024x16xf32, #tpu.memory_space<vmem>>) target(%dma_start3A_496 : memref<1024x16xf32, #tpu.memory_space<hbm>>) target_semaphore(%arg14 : memref<!tpu.dma_semaphore, #tpu.memory_space<semaphore_mem>>)
      %dma_wait3A_501 = arith.constant 2 : i32
      %dma_wait3A_502 = arith.constant 2 : i32
      %dma_wait3A_503 = arith.constant 0 : i32
      %dma_wait3A_504 = arith.constant 0 : i32
      %dma_wait3A_505 = tpu.memref_slice %arg12[%dma_wait3A_502, %dma_wait3A_503, %dma_wait3A_504] : memref<4x1024x16xf32, #tpu.memory_space<vmem>> -> memref<1x1024x16xf32, #tpu.memory_space<vmem>>
      %dma_wait3A_506 = tpu.memref_squeeze %dma_wait3A_505 : memref<1x1024x16xf32, #tpu.memory_space<vmem>> -> memref<1024x16xf32, #tpu.memory_space<vmem>>
      %dma_wait3A_507 = arith.constant 0 : i32
      %dma_wait3A_508 = tpu.memref_slice %arg11[%dma_wait3A_501, %dma_wait3A_507] : memref<4x1024xi32, #tpu.memory_space<vmem>> -> memref<1x1024xi32, #tpu.memory_space<vmem>>
      %dma_wait3A_509 = tpu.memref_squeeze %dma_wait3A_508 : memref<1x1024xi32, #tpu.memory_space<vmem>> -> memref<1024xi32, #tpu.memory_space<vmem>>
      %dma_wait3A_510 = arith.constant 0 : i32
      %dma_wait3A_511 = arith.constant 0 : i32
      %dma_wait3A_512 = tpu.memref_slice %arg6[%dma_wait3A_510, %dma_wait3A_511] : memref<100000x16xf32, #tpu.memory_space<hbm>> -> memref<100000x16xf32, #tpu.memory_space<hbm>>
      tpu.wait_indirect_dma semaphore(%arg13 : memref<!tpu.dma_semaphore, #tpu.memory_space<semaphore_mem>>) src(%dma_wait3A_512 : memref<100000x16xf32, #tpu.memory_space<hbm>>) dst(%dma_wait3A_506 : memref<1024x16xf32, #tpu.memory_space<vmem>>)
      %dma_start3A_513 = arith.constant 2 : i32
      %dma_start3A_514 = arith.constant 2 : i32
      %dma_start3A_515 = arith.constant 0 : i32
      %dma_start3A_516 = arith.constant 0 : i32
      %dma_start3A_517 = tpu.memref_slice %arg12[%dma_start3A_513, %dma_start3A_515, %dma_start3A_516] : memref<4x1024x16xf32, #tpu.memory_space<vmem>> -> memref<1x1024x16xf32, #tpu.memory_space<vmem>>
      %dma_start3A_518 = tpu.memref_squeeze %dma_start3A_517 : memref<1x1024x16xf32, #tpu.memory_space<vmem>> -> memref<1024x16xf32, #tpu.memory_space<vmem>>
      %dma_start3A_519 = arith.constant 0 : i32
      %dma_start3A_520 = tpu.memref_slice %arg8[%dma_start3A_514, %multiple_of3A, %dma_start3A_519] : memref<4x327680x16xf32, #tpu.memory_space<hbm>> -> memref<1x1024x16xf32, #tpu.memory_space<hbm>>
      %dma_start3A_521 = tpu.memref_squeeze %dma_start3A_520 : memref<1x1024x16xf32, #tpu.memory_space<hbm>> -> memref<1024x16xf32, #tpu.memory_space<hbm>>
      %dma_start3A_522 = arith.constant 0 : i32
      %dma_start3A_523 = tpu.memref_slice %arg8[%dma_start3A_514, %multiple_of3A, %dma_start3A_522] : memref<4x327680x16xf32, #tpu.memory_space<hbm>> -> memref<1x1024x16xf32, #tpu.memory_space<hbm>>
      %dma_start3A_524 = tpu.memref_squeeze %dma_start3A_523 : memref<1x1024x16xf32, #tpu.memory_space<hbm>> -> memref<1024x16xf32, #tpu.memory_space<hbm>>
      %dma_start3A_525 = arith.constant 0 : i32
      %dma_start3A_526 = arith.constant 0 : i32
      %dma_start3A_527 = tpu.memref_slice %arg12[%dma_start3A_513, %dma_start3A_525, %dma_start3A_526] : memref<4x1024x16xf32, #tpu.memory_space<vmem>> -> memref<1x1024x16xf32, #tpu.memory_space<vmem>>
      %dma_start3A_528 = tpu.memref_squeeze %dma_start3A_527 : memref<1x1024x16xf32, #tpu.memory_space<vmem>> -> memref<1024x16xf32, #tpu.memory_space<vmem>>
      tpu.enqueue_dma source(%dma_start3A_528 : memref<1024x16xf32, #tpu.memory_space<vmem>>) target(%dma_start3A_524 : memref<1024x16xf32, #tpu.memory_space<hbm>>) target_semaphore(%arg14 : memref<!tpu.dma_semaphore, #tpu.memory_space<semaphore_mem>>)
      %dma_wait3A_529 = arith.constant 3 : i32
      %dma_wait3A_530 = arith.constant 3 : i32
      %dma_wait3A_531 = arith.constant 0 : i32
      %dma_wait3A_532 = arith.constant 0 : i32
      %dma_wait3A_533 = tpu.memref_slice %arg12[%dma_wait3A_530, %dma_wait3A_531, %dma_wait3A_532] : memref<4x1024x16xf32, #tpu.memory_space<vmem>> -> memref<1x1024x16xf32, #tpu.memory_space<vmem>>
      %dma_wait3A_534 = tpu.memref_squeeze %dma_wait3A_533 : memref<1x1024x16xf32, #tpu.memory_space<vmem>> -> memref<1024x16xf32, #tpu.memory_space<vmem>>
      %dma_wait3A_535 = arith.constant 0 : i32
      %dma_wait3A_536 = tpu.memref_slice %arg11[%dma_wait3A_529, %dma_wait3A_535] : memref<4x1024xi32, #tpu.memory_space<vmem>> -> memref<1x1024xi32, #tpu.memory_space<vmem>>
      %dma_wait3A_537 = tpu.memref_squeeze %dma_wait3A_536 : memref<1x1024xi32, #tpu.memory_space<vmem>> -> memref<1024xi32, #tpu.memory_space<vmem>>
      %dma_wait3A_538 = arith.constant 0 : i32
      %dma_wait3A_539 = arith.constant 0 : i32
      %dma_wait3A_540 = tpu.memref_slice %arg7[%dma_wait3A_538, %dma_wait3A_539] : memref<100000x16xf32, #tpu.memory_space<hbm>> -> memref<100000x16xf32, #tpu.memory_space<hbm>>
      tpu.wait_indirect_dma semaphore(%arg13 : memref<!tpu.dma_semaphore, #tpu.memory_space<semaphore_mem>>) src(%dma_wait3A_540 : memref<100000x16xf32, #tpu.memory_space<hbm>>) dst(%dma_wait3A_534 : memref<1024x16xf32, #tpu.memory_space<vmem>>)
      %dma_start3A_541 = arith.constant 3 : i32
      %dma_start3A_542 = arith.constant 3 : i32
      %dma_start3A_543 = arith.constant 0 : i32
      %dma_start3A_544 = arith.constant 0 : i32
      %dma_start3A_545 = tpu.memref_slice %arg12[%dma_start3A_541, %dma_start3A_543, %dma_start3A_544] : memref<4x1024x16xf32, #tpu.memory_space<vmem>> -> memref<1x1024x16xf32, #tpu.memory_space<vmem>>
      %dma_start3A_546 = tpu.memref_squeeze %dma_start3A_545 : memref<1x1024x16xf32, #tpu.memory_space<vmem>> -> memref<1024x16xf32, #tpu.memory_space<vmem>>
      %dma_start3A_547 = arith.constant 0 : i32
      %dma_start3A_548 = tpu.memref_slice %arg8[%dma_start3A_542, %multiple_of3A, %dma_start3A_547] : memref<4x327680x16xf32, #tpu.memory_space<hbm>> -> memref<1x1024x16xf32, #tpu.memory_space<hbm>>
      %dma_start3A_549 = tpu.memref_squeeze %dma_start3A_548 : memref<1x1024x16xf32, #tpu.memory_space<hbm>> -> memref<1024x16xf32, #tpu.memory_space<hbm>>
      %dma_start3A_550 = arith.constant 0 : i32
      %dma_start3A_551 = tpu.memref_slice %arg8[%dma_start3A_542, %multiple_of3A, %dma_start3A_550] : memref<4x327680x16xf32, #tpu.memory_space<hbm>> -> memref<1x1024x16xf32, #tpu.memory_space<hbm>>
      %dma_start3A_552 = tpu.memref_squeeze %dma_start3A_551 : memref<1x1024x16xf32, #tpu.memory_space<hbm>> -> memref<1024x16xf32, #tpu.memory_space<hbm>>
      %dma_start3A_553 = arith.constant 0 : i32
      %dma_start3A_554 = arith.constant 0 : i32
      %dma_start3A_555 = tpu.memref_slice %arg12[%dma_start3A_541, %dma_start3A_553, %dma_start3A_554] : memref<4x1024x16xf32, #tpu.memory_space<vmem>> -> memref<1x1024x16xf32, #tpu.memory_space<vmem>>
      %dma_start3A_556 = tpu.memref_squeeze %dma_start3A_555 : memref<1x1024x16xf32, #tpu.memory_space<vmem>> -> memref<1024x16xf32, #tpu.memory_space<vmem>>
      tpu.enqueue_dma source(%dma_start3A_556 : memref<1024x16xf32, #tpu.memory_space<vmem>>) target(%dma_start3A_552 : memref<1024x16xf32, #tpu.memory_space<hbm>>) target_semaphore(%arg14 : memref<!tpu.dma_semaphore, #tpu.memory_space<semaphore_mem>>)
      %dma_wait3A_557 = arith.constant 0 : i32
      %dma_wait3A_558 = arith.constant 0 : i32
      %dma_wait3A_559 = arith.constant 0 : i32
      %dma_wait3A_560 = arith.constant 0 : i32
      %dma_wait3A_561 = tpu.memref_slice %arg12[%dma_wait3A_557, %dma_wait3A_559, %dma_wait3A_560] : memref<4x1024x16xf32, #tpu.memory_space<vmem>> -> memref<1x1024x16xf32, #tpu.memory_space<vmem>>
      %dma_wait3A_562 = tpu.memref_squeeze %dma_wait3A_561 : memref<1x1024x16xf32, #tpu.memory_space<vmem>> -> memref<1024x16xf32, #tpu.memory_space<vmem>>
      %dma_wait3A_563 = arith.constant 0 : i32
      %dma_wait3A_564 = tpu.memref_slice %arg8[%dma_wait3A_558, %multiple_of3A, %dma_wait3A_563] : memref<4x327680x16xf32, #tpu.memory_space<hbm>> -> memref<1x1024x16xf32, #tpu.memory_space<hbm>>
      %dma_wait3A_565 = tpu.memref_squeeze %dma_wait3A_564 : memref<1x1024x16xf32, #tpu.memory_space<hbm>> -> memref<1024x16xf32, #tpu.memory_space<hbm>>
      %dma_wait3A_566 = arith.constant 0 : i32
      %dma_wait3A_567 = tpu.memref_slice %arg8[%dma_wait3A_558, %multiple_of3A, %dma_wait3A_566] : memref<4x327680x16xf32, #tpu.memory_space<hbm>> -> memref<1x1024x16xf32, #tpu.memory_space<hbm>>
      %dma_wait3A_568 = tpu.memref_squeeze %dma_wait3A_567 : memref<1x1024x16xf32, #tpu.memory_space<hbm>> -> memref<1024x16xf32, #tpu.memory_space<hbm>>
      %dma_wait3A_569 = arith.constant 0 : i32
      %dma_wait3A_570 = arith.constant 0 : i32
      %dma_wait3A_571 = tpu.memref_slice %arg12[%dma_wait3A_557, %dma_wait3A_569, %dma_wait3A_570] : memref<4x1024x16xf32, #tpu.memory_space<vmem>> -> memref<1x1024x16xf32, #tpu.memory_space<vmem>>
      %dma_wait3A_572 = tpu.memref_squeeze %dma_wait3A_571 : memref<1x1024x16xf32, #tpu.memory_space<vmem>> -> memref<1024x16xf32, #tpu.memory_space<vmem>>
      tpu.wait_dma2 semaphore(%arg14 : memref<!tpu.dma_semaphore, #tpu.memory_space<semaphore_mem>>) src(%dma_wait3A_572 : memref<1024x16xf32, #tpu.memory_space<vmem>>) dst(%dma_wait3A_568 : memref<1024x16xf32, #tpu.memory_space<hbm>>)
      %dma_wait3A_573 = arith.constant 1 : i32
      %dma_wait3A_574 = arith.constant 1 : i32
      %dma_wait3A_575 = arith.constant 0 : i32
      %dma_wait3A_576 = arith.constant 0 : i32
      %dma_wait3A_577 = tpu.memref_slice %arg12[%dma_wait3A_573, %dma_wait3A_575, %dma_wait3A_576] : memref<4x1024x16xf32, #tpu.memory_space<vmem>> -> memref<1x1024x16xf32, #tpu.memory_space<vmem>>
      %dma_wait3A_578 = tpu.memref_squeeze %dma_wait3A_577 : memref<1x1024x16xf32, #tpu.memory_space<vmem>> -> memref<1024x16xf32, #tpu.memory_space<vmem>>
      %dma_wait3A_579 = arith.constant 0 : i32
      %dma_wait3A_580 = tpu.memref_slice %arg8[%dma_wait3A_574, %multiple_of3A, %dma_wait3A_579] : memref<4x327680x16xf32, #tpu.memory_space<hbm>> -> memref<1x1024x16xf32, #tpu.memory_space<hbm>>
      %dma_wait3A_581 = tpu.memref_squeeze %dma_wait3A_580 : memref<1x1024x16xf32, #tpu.memory_space<hbm>> -> memref<1024x16xf32, #tpu.memory_space<hbm>>
      %dma_wait3A_582 = arith.constant 0 : i32
      %dma_wait3A_583 = tpu.memref_slice %arg8[%dma_wait3A_574, %multiple_of3A, %dma_wait3A_582] : memref<4x327680x16xf32, #tpu.memory_space<hbm>> -> memref<1x1024x16xf32, #tpu.memory_space<hbm>>
      %dma_wait3A_584 = tpu.memref_squeeze %dma_wait3A_583 : memref<1x1024x16xf32, #tpu.memory_space<hbm>> -> memref<1024x16xf32, #tpu.memory_space<hbm>>
      %dma_wait3A_585 = arith.constant 0 : i32
      %dma_wait3A_586 = arith.constant 0 : i32
      %dma_wait3A_587 = tpu.memref_slice %arg12[%dma_wait3A_573, %dma_wait3A_585, %dma_wait3A_586] : memref<4x1024x16xf32, #tpu.memory_space<vmem>> -> memref<1x1024x16xf32, #tpu.memory_space<vmem>>
      %dma_wait3A_588 = tpu.memref_squeeze %dma_wait3A_587 : memref<1x1024x16xf32, #tpu.memory_space<vmem>> -> memref<1024x16xf32, #tpu.memory_space<vmem>>
      tpu.wait_dma2 semaphore(%arg14 : memref<!tpu.dma_semaphore, #tpu.memory_space<semaphore_mem>>) src(%dma_wait3A_588 : memref<1024x16xf32, #tpu.memory_space<vmem>>) dst(%dma_wait3A_584 : memref<1024x16xf32, #tpu.memory_space<hbm>>)
      %dma_wait3A_589 = arith.constant 2 : i32
      %dma_wait3A_590 = arith.constant 2 : i32
      %dma_wait3A_591 = arith.constant 0 : i32
      %dma_wait3A_592 = arith.constant 0 : i32
      %dma_wait3A_593 = tpu.memref_slice %arg12[%dma_wait3A_589, %dma_wait3A_591, %dma_wait3A_592] : memref<4x1024x16xf32, #tpu.memory_space<vmem>> -> memref<1x1024x16xf32, #tpu.memory_space<vmem>>
      %dma_wait3A_594 = tpu.memref_squeeze %dma_wait3A_593 : memref<1x1024x16xf32, #tpu.memory_space<vmem>> -> memref<1024x16xf32, #tpu.memory_space<vmem>>
      %dma_wait3A_595 = arith.constant 0 : i32
      %dma_wait3A_596 = tpu.memref_slice %arg8[%dma_wait3A_590, %multiple_of3A, %dma_wait3A_595] : memref<4x327680x16xf32, #tpu.memory_space<hbm>> -> memref<1x1024x16xf32, #tpu.memory_space<hbm>>
      %dma_wait3A_597 = tpu.memref_squeeze %dma_wait3A_596 : memref<1x1024x16xf32, #tpu.memory_space<hbm>> -> memref<1024x16xf32, #tpu.memory_space<hbm>>
      %dma_wait3A_598 = arith.constant 0 : i32
      %dma_wait3A_599 = tpu.memref_slice %arg8[%dma_wait3A_590, %multiple_of3A, %dma_wait3A_598] : memref<4x327680x16xf32, #tpu.memory_space<hbm>> -> memref<1x1024x16xf32, #tpu.memory_space<hbm>>
      %dma_wait3A_600 = tpu.memref_squeeze %dma_wait3A_599 : memref<1x1024x16xf32, #tpu.memory_space<hbm>> -> memref<1024x16xf32, #tpu.memory_space<hbm>>
      %dma_wait3A_601 = arith.constant 0 : i32
      %dma_wait3A_602 = arith.constant 0 : i32
      %dma_wait3A_603 = tpu.memref_slice %arg12[%dma_wait3A_589, %dma_wait3A_601, %dma_wait3A_602] : memref<4x1024x16xf32, #tpu.memory_space<vmem>> -> memref<1x1024x16xf32, #tpu.memory_space<vmem>>
      %dma_wait3A_604 = tpu.memref_squeeze %dma_wait3A_603 : memref<1x1024x16xf32, #tpu.memory_space<vmem>> -> memref<1024x16xf32, #tpu.memory_space<vmem>>
      tpu.wait_dma2 semaphore(%arg14 : memref<!tpu.dma_semaphore, #tpu.memory_space<semaphore_mem>>) src(%dma_wait3A_604 : memref<1024x16xf32, #tpu.memory_space<vmem>>) dst(%dma_wait3A_600 : memref<1024x16xf32, #tpu.memory_space<hbm>>)
      %dma_wait3A_605 = arith.constant 3 : i32
      %dma_wait3A_606 = arith.constant 3 : i32
      %dma_wait3A_607 = arith.constant 0 : i32
      %dma_wait3A_608 = arith.constant 0 : i32
      %dma_wait3A_609 = tpu.memref_slice %arg12[%dma_wait3A_605, %dma_wait3A_607, %dma_wait3A_608] : memref<4x1024x16xf32, #tpu.memory_space<vmem>> -> memref<1x1024x16xf32, #tpu.memory_space<vmem>>
      %dma_wait3A_610 = tpu.memref_squeeze %dma_wait3A_609 : memref<1x1024x16xf32, #tpu.memory_space<vmem>> -> memref<1024x16xf32, #tpu.memory_space<vmem>>
      %dma_wait3A_611 = arith.constant 0 : i32
      %dma_wait3A_612 = tpu.memref_slice %arg8[%dma_wait3A_606, %multiple_of3A, %dma_wait3A_611] : memref<4x327680x16xf32, #tpu.memory_space<hbm>> -> memref<1x1024x16xf32, #tpu.memory_space<hbm>>
      %dma_wait3A_613 = tpu.memref_squeeze %dma_wait3A_612 : memref<1x1024x16xf32, #tpu.memory_space<hbm>> -> memref<1024x16xf32, #tpu.memory_space<hbm>>
      %dma_wait3A_614 = arith.constant 0 : i32
      %dma_wait3A_615 = tpu.memref_slice %arg8[%dma_wait3A_606, %multiple_of3A, %dma_wait3A_614] : memref<4x327680x16xf32, #tpu.memory_space<hbm>> -> memref<1x1024x16xf32, #tpu.memory_space<hbm>>
      %dma_wait3A_616 = tpu.memref_squeeze %dma_wait3A_615 : memref<1x1024x16xf32, #tpu.memory_space<hbm>> -> memref<1024x16xf32, #tpu.memory_space<hbm>>
      %dma_wait3A_617 = arith.constant 0 : i32
      %dma_wait3A_618 = arith.constant 0 : i32
      %dma_wait3A_619 = tpu.memref_slice %arg12[%dma_wait3A_605, %dma_wait3A_617, %dma_wait3A_618] : memref<4x1024x16xf32, #tpu.memory_space<vmem>> -> memref<1x1024x16xf32, #tpu.memory_space<vmem>>
      %dma_wait3A_620 = tpu.memref_squeeze %dma_wait3A_619 : memref<1x1024x16xf32, #tpu.memory_space<vmem>> -> memref<1024x16xf32, #tpu.memory_space<vmem>>
      tpu.wait_dma2 semaphore(%arg14 : memref<!tpu.dma_semaphore, #tpu.memory_space<semaphore_mem>>) src(%dma_wait3A_620 : memref<1024x16xf32, #tpu.memory_space<vmem>>) dst(%dma_wait3A_616 : memref<1024x16xf32, #tpu.memory_space<hbm>>)
    }
    return
  }
}

module attributes {stable_mosaic.version = 14 : i64} {
  func.func @_mix_body(%arg0: i32, %arg1: memref<4x2048x128xf32, #tpu.memory_space<vmem>>, %arg2: memref<4x128x512xf32, #tpu.memory_space<vmem>>, %arg3: memref<1x512xf32, #tpu.memory_space<vmem>>, %arg4: memref<2048x512xf32, #tpu.memory_space<vmem>>) attributes {dimension_semantics = [#tpu.dimension_semantics<arbitrary>], iteration_bounds = array<i64: 20>, scalar_prefetch = 0 : i64, scratch_operands = 0 : i64, tpu.core_type = #tpu.core_type<tc>, window_params = [{transform_indices = @transform_0, window_bounds = array<i64: 4, 2048, 128>}, {pipeline_mode = #tpu.pipeline_mode<synchronous>, transform_indices = @transform_1, window_bounds = array<i64: 4, 128, 512>}, {pipeline_mode = #tpu.pipeline_mode<synchronous>, transform_indices = @transform_2, window_bounds = array<i64: 1, 512>}, {transform_indices = @transform_3, window_bounds = array<i64: 2048, 512>}]} {
    %get3A = arith.constant 0 : index
    %get3A_0 = arith.constant 0 : index
    %get3A_1 = arith.constant 0 : index
    %get3A_2 = vector.load %arg1[%get3A, %get3A_0, %get3A_1] : memref<4x2048x128xf32, #tpu.memory_space<vmem>>, vector<1x2048x128xf32>
    %get3A_3 = vector.shape_cast %get3A_2 : vector<1x2048x128xf32> to vector<2048x128xf32>
    %get3A_4 = arith.constant 0 : index
    %get3A_5 = arith.constant 0 : index
    %get3A_6 = arith.constant 0 : index
    %get3A_7 = vector.load %arg2[%get3A_4, %get3A_5, %get3A_6] : memref<4x128x512xf32, #tpu.memory_space<vmem>>, vector<1x128x512xf32>
    %get3A_8 = vector.shape_cast %get3A_7 : vector<1x128x512xf32> to vector<128x512xf32>
    %dot_general3A = arith.constant dense<0.000000e+00> : vector<2048x512xf32>
    %dot_general3A_9 = tpu.matmul %get3A_3, %get3A_8, %dot_general3A {dimension_numbers = #tpu.dot_dimension_numbers<[1], [0], [0], [1], [0, 0, 1, 1], [], []>, transpose_lhs_hint = false} : vector<2048x128xf32>, vector<128x512xf32>, vector<2048x512xf32> -> vector<2048x512xf32>
    %get3A_10 = arith.constant 1 : index
    %get3A_11 = arith.constant 0 : index
    %get3A_12 = arith.constant 0 : index
    %get3A_13 = vector.load %arg1[%get3A_10, %get3A_11, %get3A_12] : memref<4x2048x128xf32, #tpu.memory_space<vmem>>, vector<1x2048x128xf32>
    %get3A_14 = vector.shape_cast %get3A_13 : vector<1x2048x128xf32> to vector<2048x128xf32>
    %get3A_15 = arith.constant 1 : index
    %get3A_16 = arith.constant 0 : index
    %get3A_17 = arith.constant 0 : index
    %get3A_18 = vector.load %arg2[%get3A_15, %get3A_16, %get3A_17] : memref<4x128x512xf32, #tpu.memory_space<vmem>>, vector<1x128x512xf32>
    %get3A_19 = vector.shape_cast %get3A_18 : vector<1x128x512xf32> to vector<128x512xf32>
    %dot_general3A_20 = arith.constant dense<0.000000e+00> : vector<2048x512xf32>
    %dot_general3A_21 = tpu.matmul %get3A_14, %get3A_19, %dot_general3A_20 {dimension_numbers = #tpu.dot_dimension_numbers<[1], [0], [0], [1], [0, 0, 1, 1], [], []>, transpose_lhs_hint = false} : vector<2048x128xf32>, vector<128x512xf32>, vector<2048x512xf32> -> vector<2048x512xf32>
    %add3A = arith.addf %dot_general3A_9, %dot_general3A_21 : vector<2048x512xf32>
    %get3A_22 = arith.constant 2 : index
    %get3A_23 = arith.constant 0 : index
    %get3A_24 = arith.constant 0 : index
    %get3A_25 = vector.load %arg1[%get3A_22, %get3A_23, %get3A_24] : memref<4x2048x128xf32, #tpu.memory_space<vmem>>, vector<1x2048x128xf32>
    %get3A_26 = vector.shape_cast %get3A_25 : vector<1x2048x128xf32> to vector<2048x128xf32>
    %get3A_27 = arith.constant 2 : index
    %get3A_28 = arith.constant 0 : index
    %get3A_29 = arith.constant 0 : index
    %get3A_30 = vector.load %arg2[%get3A_27, %get3A_28, %get3A_29] : memref<4x128x512xf32, #tpu.memory_space<vmem>>, vector<1x128x512xf32>
    %get3A_31 = vector.shape_cast %get3A_30 : vector<1x128x512xf32> to vector<128x512xf32>
    %dot_general3A_32 = arith.constant dense<0.000000e+00> : vector<2048x512xf32>
    %dot_general3A_33 = tpu.matmul %get3A_26, %get3A_31, %dot_general3A_32 {dimension_numbers = #tpu.dot_dimension_numbers<[1], [0], [0], [1], [0, 0, 1, 1], [], []>, transpose_lhs_hint = false} : vector<2048x128xf32>, vector<128x512xf32>, vector<2048x512xf32> -> vector<2048x512xf32>
    %add3A_34 = arith.addf %add3A, %dot_general3A_33 : vector<2048x512xf32>
    %get3A_35 = arith.constant 3 : index
    %get3A_36 = arith.constant 0 : index
    %get3A_37 = arith.constant 0 : index
    %get3A_38 = vector.load %arg1[%get3A_35, %get3A_36, %get3A_37] : memref<4x2048x128xf32, #tpu.memory_space<vmem>>, vector<1x2048x128xf32>
    %get3A_39 = vector.shape_cast %get3A_38 : vector<1x2048x128xf32> to vector<2048x128xf32>
    %get3A_40 = arith.constant 3 : index
    %get3A_41 = arith.constant 0 : index
    %get3A_42 = arith.constant 0 : index
    %get3A_43 = vector.load %arg2[%get3A_40, %get3A_41, %get3A_42] : memref<4x128x512xf32, #tpu.memory_space<vmem>>, vector<1x128x512xf32>
    %get3A_44 = vector.shape_cast %get3A_43 : vector<1x128x512xf32> to vector<128x512xf32>
    %dot_general3A_45 = arith.constant dense<0.000000e+00> : vector<2048x512xf32>
    %dot_general3A_46 = tpu.matmul %get3A_39, %get3A_44, %dot_general3A_45 {dimension_numbers = #tpu.dot_dimension_numbers<[1], [0], [0], [1], [0, 0, 1, 1], [], []>, transpose_lhs_hint = false} : vector<2048x128xf32>, vector<128x512xf32>, vector<2048x512xf32> -> vector<2048x512xf32>
    %add3A_47 = arith.addf %add3A_34, %dot_general3A_46 : vector<2048x512xf32>
    %get3A_48 = arith.constant 0 : index
    %get3A_49 = arith.constant 0 : index
    %get3A_50 = vector.load %arg3[%get3A_48, %get3A_49] : memref<1x512xf32, #tpu.memory_space<vmem>>, vector<1x512xf32>
    %add3A_51 = vector.broadcast %get3A_50 : vector<1x512xf32> to vector<2048x512xf32>
    %add3A_52 = arith.addf %add3A_47, %add3A_51 : vector<2048x512xf32>
    %swap3A = arith.constant 0 : index
    %swap3A_53 = arith.constant 0 : index
    %swap3A_54 = vector.load %arg4[%swap3A, %swap3A_53] : memref<2048x512xf32, #tpu.memory_space<vmem>>, vector<2048x512xf32>
    tpu.vector_store %arg4[%swap3A, %swap3A_53], %add3A_52 {strides = array<i32>} : memref<2048x512xf32, #tpu.memory_space<vmem>>, vector<2048x512xf32>,
    return
  }
  func.func @transform_0(%arg0: i32) -> (i32, i32, i32) {
    %c0_i32 = arith.constant 0 : i32
    %c0_i32_0 = arith.constant 0 : i32
    %c0_i32_1 = arith.constant 0 : i32
    return %c0_i32, %arg0, %c0_i32_0 : i32, i32, i32
  }
  func.func @transform_1(%arg0: i32) -> (i32, i32, i32) {
    %c0_i32 = arith.constant 0 : i32
    %c0_i32_0 = arith.constant 0 : i32
    %c0_i32_1 = arith.constant 0 : i32
    %c0_i32_2 = arith.constant 0 : i32
    return %c0_i32, %c0_i32_0, %c0_i32_1 : i32, i32, i32
  }
  func.func @transform_2(%arg0: i32) -> (i32, i32) {
    %c0_i32 = arith.constant 0 : i32
    %c0_i32_0 = arith.constant 0 : i32
    %c0_i32_1 = arith.constant 0 : i32
    return %c0_i32, %c0_i32_0 : i32, i32
  }
  func.func @transform_3(%arg0: i32) -> (i32, i32) {
    %c0_i32 = arith.constant 0 : i32
    %c0_i32_0 = arith.constant 0 : i32
    return %arg0, %c0_i32 : i32, i32
  }
}

</mosaic_0001>

<sc_bundles>
// kernel: kernel.4.cloned.1.call-start
scs
__scs_entry_jumppad:
0x0: {  	(pc) =	sbr.rel $0x88, $3  }
0x1: {  	(tag) =	ssettag $0x0;
	lr =	simm.s32 $0x1  }
0x2: {  	[smem:$0x3F98] =	sst lr;
	_ =	strace $0xD0000000  }
0x3: {  	_ = 	snop  }
0x4: {  	_ = 	snop  }
0x5: {  	_ = 	snop  }
0x6: {  	_ = 	snop  }
0x7: {  	_ = 	snop  }
__scs_overlays_trampoline_lowered:
0x8: {  	[smem:$0x3FA7] =	sst s0  }
0x9: {  	[smem:$0x3FA8] =	sst s1  }
0xa: {  	[smem:$0x3FA9] =	sst s2  }
0xb: {  	[smem:$0x3FAA] =	sst s3  }
0xc: {  	[smem:$0x3FAB] =	sst s4  }
0xd: {  	[smem:$0x3FAC] =	sst s5  }
0xe: {  	[smem:$0x3FAD] =	sst s6  }
0xf: {  	[smem:$0x3FAE] =	sst s7  }
0x10: {  	[smem:$0x3FAF] =	sst s8  }
0x11: {  	[smem:$0x3FB0] =	sst s9;
	s0 =	simm.s32 @!p0 $0x0  }
0x12: {  	s1 =	sld [smem:$0x3F96];
	s0 =	simm.s32 @p0 $0x1  }
0x13: {  	[smem:$0x3FB1] =	sst s0;
	s0 =	simm.s32 @!p1 $0x0  }
0x14: {  	s2 =	sld [smem:$0x3F95];
	s0 =	simm.s32 @p1 $0x1  }
0x15: {  	[smem:$0x3FB2] =	sst s0;
	s0 =	simm.s32 @!p2 $0x0  }
0x16: {  	s3 =	sld [smem:$0x3FDB];
	s0 =	simm.s32 @p2 $0x1  }
0x17: {  	s4 =	simm.s32 $0x1BF5;
	[smem:$0x3FB4] =	sst s0  }
0x18: {  	s0 =	sld [smem:$0x3F97];
	_ =	swait.ge [sflag:s4], $0x0  }
0x19: {  	s7 =	sld [smem:$0x3F98]  }
0x1a: {  	s8 =	sadd.s32 $0xFFFFE003, lr  }
0x1b: {  	s9 =	sadd.s32 $0xFFFFFEF7, lr;
	s5 =	simm.s32 $0xFFFFFFFF;
	p2 =	slt.u32 s8, $0xFFFFF086  }
0x1c: {  	p1 =	slt.u32 s9, $0xF7A;
	s5 =	simm.s32 @!p2 $0x0  }
0x1d: {  	s5 =	simm.s32 @p1 $0x1;
	p0 =	seq.s32 s7, s2  }
0x1e: {  	s7 =	smul.u32 @!p0 $0xF7A, s2;
	p2 =	seq.s32 @!p0 s5, $0x0  }
0x1f: {  	s9 =	smul.u32 $0xF7A, s1;
	s8 =	simm.s32 @!p0 $0x1BF5;
	p2 =	por !p2, p0  }
0x20: {  	[sflag:s8] =	ssyncset.s32 @!p0 $0xFFFFF086;
	s6 =	sadd.s32 @!p0 s3, s7;
	s7 =	simm.s32 @!p0 $0x108  }
0x21: {  	s3 =	sadd.s32 s3, s9;
	s6 =	sadd.s32 @!p0 $0x88, s6;
	s7 =	simm.s32 @p2 $0x1082  }
0x22: {  	[simem:s7], [sflag:s8] =	dma.local @!p0 [hbm:s6], $0xF7A  }
0x23: {  	s9 =	sor.u32 $0xD0000000, s2;
	s6 =	simm.s32 $0x108;
	_ =	swait.ge @!p0 [sflag:s8], $0x0  }
0x24: {  	s3 =	sadd.s32 $0x88, s3;
	s6 =	simm.s32 @!p1 $0x1082;
	[sflag:s4] =	ssyncset.s32 $0xFFFFF086  }
0x25: {  	[simem:s6], [sflag:s4] =	dma.local [hbm:s3], $0xF7A  }
0x26: {  	[smem:$0x3F98] =	sst s1;
	(tag) =	ssettag s2;
	_ =	strace s9  }
0x27: {  	s1 =	sld [smem:$0x3FA8]  }
0x28: {  	s2 =	sld [smem:$0x3FA9]  }
0x29: {  	s4 =	sld [smem:$0x3FAB]  }
0x2a: {  	p0 =	seq.s32 s5, $0x0;
	s5 =	sld [smem:$0x3FAC]  }
0x2b: {  	s6 =	sld [smem:$0x3FAD]  }
0x2c: {  	s7 =	sld [smem:$0x3FAE]  }
0x2d: {  	s3 =	simm.s32 $0x108;
	s8 =	sld [smem:$0x3FAF]  }
0x2e: {  	s3 =	simm.s32 @!p0 $0x1082;
	s9 =	sld [smem:$0x3FB0]  }
0x2f: {  	lr =	sadd.s32 s0, s3;
	s0 =	sld [smem:$0x3FA7]  }
0x30: {  	s3 =	sld [smem:$0x3FAA]  }
0x31: {  	[smem:$0x3FB3] =	sst s10  }
0x32: {  	s10 =	sld [smem:$0x3FB1];
	_ =	sdelay $0x3  }
0x33: {  	p0 =	seq.s32 s10, $0x1;
	s10 =	sld [smem:$0x3FB3];
	_ =	sdelay $0x3  }
0x34: {  	[smem:$0x3FB3] =	sst s10  }
0x35: {  	s10 =	sld [smem:$0x3FB2];
	_ =	sdelay $0x3  }
0x36: {  	p1 =	seq.s32 s10, $0x1;
	s10 =	sld [smem:$0x3FB3];
	_ =	sdelay $0x3  }
0x37: {  	[smem:$0x3FB3] =	sst s10  }
0x38: {  	s10 =	sld [smem:$0x3FB4]  }
0x39: {  	_ = 	snop;
	(pc) =	sbr.ind lr, $3  }
0x3a: {  	_ = 	snop  }
0x3b: {  	_ = 	snop  }
0x3c: {  	p2 =	seq.s32 s10, $0x1;
	s10 =	sld [smem:$0x3FB3]  }
0x3d: {  	_ =	shalt  }
0x3e: {  	_ =	shalt  }
0x3f: {  	_ =	shalt  }
0x40: {  	_ =	shalt  }
0x41: {  	_ =	shalt  }
0x42: {  	_ =	shalt  }
0x43: {  	_ =	shalt  }
0x44: {  	_ =	shalt  }
0x45: {  	_ =	shalt  }
0x46: {  	_ =	shalt  }
0x47: {  	_ =	shalt  }
0x48: {  	_ =	shalt  }
0x49: {  	_ =	shalt  }
0x4a: {  	_ =	shalt  }
0x4b: {  	_ =	shalt  }
0x4c: {  	_ =	shalt  }
0x4d: {  	_ =	shalt  }
0x4e: {  	_ =	shalt  }
0x4f: {  	_ =	shalt  }
0x50: {  	_ =	shalt  }
0x51: {  	_ =	shalt  }
0x52: {  	_ =	shalt  }
0x53: {  	_ =	shalt  }
0x54: {  	_ =	shalt  }
0x55: {  	_ =	shalt  }
0x56: {  	_ =	shalt  }
0x57: {  	_ =	shalt  }
0x58: {  	_ =	shalt  }
0x59: {  	_ =	shalt  }
0x5a: {  	_ =	shalt  }
0x5b: {  	_ =	shalt  }
0x5c: {  	_ =	shalt  }
0x5d: {  	_ =	shalt  }
0x5e: {  	_ =	shalt  }
0x5f: {  	_ =	shalt  }
0x60: {  	_ =	shalt  }
0x61: {  	_ =	shalt  }
0x62: {  	_ =	shalt  }
0x63: {  	_ =	shalt  }
0x64: {  	_ =	shalt  }
0x65: {  	_ =	shalt  }
0x66: {  	_ =	shalt  }
0x67: {  	_ =	shalt  }
0x68: {  	_ =	shalt  }
0x69: {  	_ =	shalt  }
0x6a: {  	_ =	shalt  }
0x6b: {  	_ =	shalt  }
0x6c: {  	_ =	shalt  }
0x6d: {  	_ =	shalt  }
0x6e: {  	_ =	shalt  }
0x6f: {  	_ =	shalt  }
0x70: {  	_ =	shalt  }
0x71: {  	_ =	shalt  }
0x72: {  	_ =	shalt  }
0x73: {  	_ =	shalt  }
0x74: {  	_ =	shalt  }
0x75: {  	_ =	shalt  }
0x76: {  	_ =	shalt  }
0x77: {  	_ =	shalt  }
0x78: {  	_ =	shalt  }
0x79: {  	_ =	shalt  }
0x7a: {  	_ =	shalt  }
0x7b: {  	_ =	shalt  }
0x7c: {  	_ =	shalt  }
0x7d: {  	_ =	shalt  }
0x7e: {  	_ =	shalt  }
0x7f: {  	_ =	shalt  }
0x80: {  	_ =	shalt  }
0x81: {  	_ =	shalt  }
0x82: {  	_ =	shalt  }
0x83: {  	_ =	shalt  }
0x84: {  	_ =	shalt  }
0x85: {  	_ =	shalt  }
0x86: {  	_ =	shalt  }
0x87: {  	_ =	shalt  }
.Lfunc_end0:
.L_simem_size_0:
called_computation_lowered:
.L_overlay_start_0:
0x88: {  	s2 =	sld [smem:$0x3FD9]  }
0x89: {  	s3 =	sld [smem:$0x3FFE];
	_ =	sdelay $0x1  }
0x8a: {  	s1 =	srdreg.scid  }
0x8b: {  	s0 =	sand.u32 $0x1, s1  }
0x8c: {  	s16 =	sshll.u32 s0, $0xA;
	s2 =	sadd.s32 s3, s2  }
0x8d: {  	s2 =	sadd.s32 s2, s16  }
0x8e: {  	[smem:$0x3FBF] =	sst s2  }
0x8f: {  	_ = 	snop  }
0x90: {  	(tm) =	ssettm $0x1  }
0x91: {  	s17 =	sld [smem:$0x3FFB];
	_ =	sdelay $0x3  }
0x92: {  	_ =	strace s17  }
0x93: {  	s2 =	sld [smem:$0x3FFC];
	_ =	sdelay $0x3  }
0x94: {  	_ =	strace s2  }
0x95: {  	s2 =	sld [smem:$0x3FFD];
	_ =	sdelay $0x3  }
0x96: {  	_ =	strace s2  }
0x97: {  	_ =	strace $0x8FFFFFFF  }
0x98: {  	s18 =	sld [smem:$0x3FDB];
	_ =	sdelay $0x1  }
0x99: {  	s19 =	simm.s32 $_scs_section_size  }
0x9a: {  	s4 =	simm.s32 $_size__tile_overlayer_lowered;
	s5 =	simm.s32 $_tile_overlayer_lowered  }
0x9b: {  	s22 =	simm.s32 $0x1BFF;
	s21 =	sshll.u32 s5, $0x1;
	s2 =	sadd.s32 s19, s18  }
0x9c: {  	s6 =	simm.s32 $0x0;
	s20 =	sshll.u32 s4, $0x1;
	s4 =	sadd.s32 s21, s2  }
0x9d: {  	[timem:s6], [sflag:s22] =	dma.local [hbm:s4], s20  }
0x9e: {  	_ =	swait.ge [sflag:s22], s20  }
0x9f: {  	s3 =	ssub.s32 $0x0, s20;
	[sflag:s22] =	ssyncset.done $0x0  }
0xa0: {  	[sflag:s22] =	ssyncadd.s32 s3;
	_ =	sdelay $0x1  }
0xa1: {  	s23 =	simm.s32 $0x1B8B  }
0xa2: {  	_ =	swait.ge [sflag:s23], $0x1  }
0xa3: {  	[sflag:s23] =	ssyncset.done $0x0  }
0xa4: {  	s25 =	simm.s32 $0x1B8E;
	s24 =	sld [smem:$0x3FFE];
	[sflag:s23] =	ssyncadd.s32 $0xFFFFFFFF  }
0xa5: {  	s26 =	simm.s32 $execute0_lowered;
	[smem:$0x3FD2] =	sst s25  }
0xa6: {  	s4 =	sshll.u32 s26, $0x1;
	_ =	strace $0x80000046;
	[dreg:$0x1] =	wrdreg $0xFFFFFFFF  }
0xa7: {  	s28 =	simm.s32 $_size_execute0_lowered;
	s2 =	sadd.s32 s2, s4;
	[dreg:$0x0] =	wrdreg $0x0  }
0xa8: {  	s4 =	sshll.u32 s28, $0x1;
	[dreg:$0x2] =	wrdreg s2  }
0xa9: {  	[dreg:$0x3] =	wrdreg s4  }
0xaa: {  	[dreg:$0x4] =	wrdreg $0xC0  }
0xab: {  	_ =	task [dreg:s6], $0x5FFFF  }
0xac: {  	[dreg:$0x1] =	wrdreg $0xFFFFFFFF  }
0xad: {  	[dreg:$0x0] =	wrdreg $0x60  }
0xae: {  	[dreg:$0x2] =	wrdreg s24  }
0xaf: {  	[dreg:$0x3] =	wrdreg $0x9  }
0xb0: {  	_ =	task.clear_ibuf [dreg:s6], $0x4FFFF;
	_ =	strace $0x90000046  }
0xb1: {  	s29 =	simm.s32 $0x9;
	_ =	strace $0x80000048  }
0xb2: {  	_ =	swait.ge [sflag:s29], $0x1  }
0xb3: {  	[sflag:s29] =	ssyncadd.s32 $0xFFFFFFFF  }
0xb4: {  	_ =	strace $0x90000048  }
0xb5: {  	_ =	sfence  }
0xb6: {  	s30 =	sld [smem:$0x0];
	_ =	sdelay $0x2  }
0xb7: {  	s31 =	sshll.u32 s1, $0xD;
	s1 =	sshrl.u32 s1, $0x2  }
0xb8: {  	s3 =	sand.u32 $0x4000, s31;
	s1 =	sadd.s32 s1, s30  }
0xb9: {  	s0 =	sor.u32 s3, s0;
	s1 =	sshll.u32 s1, $0x11  }
0xba: {  	s0 =	sor.u32 s1, s0  }
0xbb: {  	s0 =	sadd.s32 $0x8F2B, s0  }
0xbc: {  	[sflag:s0] =	ssyncadd.remote.s32 $0x1  }
0xbd: {  	_ =	sfence.sel $0xFFFF  }
0xbe: {  	[dreg:$0x0] =	wrdreg $0xFFFFFFFF;
	(pc) =	sbr.abs _section_cstart, $3  }
0xbf: {  	[dreg:$0x1] =	wrdreg $0xFFFFFFFF  }
0xc0: {  	_ =	task.clear_ibuf [dreg:s6], $0x2FFFF;
	_ =	strace $0x9FFFFFFF  }
0xc1: {  	(tm) =	ssettm $0x7FFFFFFF  }
tec
execute0_lowered:
.L_overlay_start_1:
0x0: {  	(tag) =	ssettag $0x1  }
0x1: {  	s0 =	rddreg [dreg:$0x0]  }
0x2: {  	s1 =	simm.s32 $0x0;
	s30 =	srdreg.scid;
	s8 =	stileid.u32  }
0x3: {  	s12 =	simm.s32 $0x3;
	s13 =	simm.s32 $0x80;
	s14 =	simm.s32 $0x400  }
0x4: {  	s15 =	simm.s32 $0x480;
	s16 =	simm.s32 $0x1480;
	s17 =	simm.s32 $0x880  }
0x5: {  	s18 =	simm.s32 $0x5480;
	s19 =	simm.s32 $0xC80;
	s20 =	simm.s32 $0x9480  }
0x6: {  	s21 =	simm.s32 $0x1080;
	s22 =	simm.s32 $0xD480;
	s23 =	simm.s32 $0x1  }
0x7: {  	s24 =	simm.s32 $0x2;
	[smem:$0x7FF] =	sst s1;
	s3 =	sadd.s32 $0x2A00, s0  }
0x8: {  	_ =	strace $0x80000047;
	[dreg:$0x2] =	wrdreg s3;
	s3 =	sand.u32 $0x1, s30  }
0x9: {  	s2 =	sadd.s32 $0x2C00, s0;
	s5 =	sadd.s32 $0xCC00, s0;
	s4 =	ssub.s32 $0x2, s3  }
0xa: {  	s6 =	sadd.s32 $0x3DA00, s0;
	s7 =	sadd.s32 $0x6E800, s0;
	s10 =	sshrl.u32 s4, $0x1  }
0xb: {  	s9 =	sshll.u32 s8, $0x1;
	s8 =	sadd.s32 $0x9F600, s0;
	s31 =	ssub.s32 s4, s10  }
0xc: {  	s3 =	sor.u32 s3, s9;
	s9 =	sadd.s32 $0xD0400, s0;
	s0 =	smax.u32 s31, $0x1  }
0xd: {  	s25 =	simm.s32 $0x0;
	s10 =	smul.u32 $0x2800, s3;
	[dreg:$0x3] =	wrdreg s0  }
.LBB2_1:
0xe: {  	s0 =	rddreg [dreg:$0x2]  }
0xf: {  	[tilespmem:s1], [sflag:$0x3] =	stream.linear.gather [hbm4b:s0+s1], $0x80, $0x38;
	[tilespmem:$0x11480] =	vst v63  }
0x10: {  	_ =	swait.ge [sflag:s12], $0x80  }
0x11: {  	[sflag:s12] =	ssyncset.done $0x0  }
0x12: {  	s26 =	simm.s32 $0x0;
	[sflag:s12] =	ssyncadd.s32 $0xFFFFFF80  }
.LBB2_2:
0x13: {  	s0 =	sshll.u32 s26, $0xA  }
0x14: {  	s28 =	sadd.s32 s10, s0  }
0x15: {  	s0 =	sshrl.u32 s28, $0x3  }
0x16: {  	s3 =	simm.s32 $0x0;
	s0 =	sadd.s32 s2, s0  }
0x17: {  	[tilespmem:s13], [sflag:$0x3] =	stream.linear.gather [hbm4b:s0+s3], $0x400, $0x38;
	[tilespmem:$0x11480] =	vst v63  }
0x18: {  	_ =	swait.ge [sflag:s12], $0x400  }
0x19: {  	[sflag:s12] =	ssyncset.done $0x0  }
0x1a: {  	[sflag:s12] =	ssyncadd.s32 $0xFFFFFC00  }
0x1b: {  	v0 =	vld [tilespmem:$0x0];
	_ =	sdelay $0x4  }
0x1c: {  	v1 =	vcvt.s32.f32 v0;
	_ =	sdelay $0x1  }
0x1d: {  	v1 =	vmul.f32 $9.999999740e-06, v1;
	_ =	sdelay $0x1  }
0x1e: {  	v1 =	vtrunc.f32 v1  }
0x1f: {  	v1 =	vcvt.f32.s32 v1;
	_ =	sdelay $0x1  }
0x20: {  	v1 =	vmul.u32 $0xFFFE7960, v1;
	_ =	sdelay $0x1  }
0x21: {  	v0 =	vadd.s32 v0, v1  }
0x22: {  	vm0 =	vlt.s32 v0, $0x0;
	v1 =	vadd.s32 $0x186A0, v0  }
0x23: {  	v0 =	vsel vm0, v1, v0;
	v1 =	vld [tilespmem:$0x10]  }
0x24: {  	vm0 =	vgt.s32 v0, $0x1869F;
	v2 =	vadd.s32 $0xFFFE7960, v0  }
0x25: {  	v0 =	vsel vm0, v2, v0  }
0x26: {  	v2 =	vshll.u32 v0, $0xA  }
0x27: {  	v3 =	vcvt.s32.f32 v2  }
0x28: {  	v4 =	vcvt.s32.f32 v1  }
0x29: {  	v3 =	vmul.f32 $9.999999740e-06, v3  }
0x2a: {  	v4 =	vmul.f32 $9.999999740e-06, v4  }
0x2b: {  	v3 =	vtrunc.f32 v3  }
0x2c: {  	v3 =	vcvt.f32.s32 v3;
	v4 =	vtrunc.f32 v4  }
0x2d: {  	v4 =	vcvt.f32.s32 v4  }
0x2e: {  	s29 =	simm.s32 $0x0;
	v3 =	vmul.u32 $0xFFFE7960, v3  }
0x2f: {  	v5 =	vld [tilespmem:s29+$0x80];
	v4 =	vmul.u32 $0xFFFE7960, v4  }
0x30: {  	v2 =	vadd.s32 v2, v3  }
0x31: {  	vm11 =	vlt.s32 v2, $0x0;
	v3 =	vadd.s32 $0x186A0, v2;
	v1 =	vadd.s32 v1, v4  }
0x32: {  	v2 =	vsel vm11, v3, v2;
	vm12 =	vlt.s32 v1, $0x0;
	v3 =	vadd.s32 $0x186A0, v1  }
0x33: {  	s30 =	simm.s32 $0x10;
	v3 =	vsel vm12, v3, v1;
	vm13 =	vgt.s32 v2, $0x1869F;
	v1 =	vadd.s32 $0xFFFE7960, v2  }
0x34: {  	v6 =	vld [tilespmem:s30+$0x80];
	v1 =	vsel vm13, v1, v2;
	vm14 =	vgt.s32 v3, $0x1869F;
	v2 =	vand.u32 $0x3FF, v5  }
0x35: {  	v4 =	vadd.s32 $0xFFFE7960, v3;
	v5 =	vshrl.u32 v5, $0xA;
	v7 =	vmul.u32 v0, v2  }
0x36: {  	v2 =	vsel vm14, v4, v3;
	v3 =	vmul.u32 v1, v5  }
0x37: {  	v4 =	vadd.s32 v2, v7  }
0x38: {  	v5 =	vadd.s32 v3, v4  }
0x39: {  	s0 =	simm.s32 $0x20;
	v4 =	vand.u32 $0x3FF, v6;
	v3 =	vcvt.s32.f32 v5  }
0x3a: {  	v7 =	vld [tilespmem:s0+$0x80];
	v6 =	vshrl.u32 v6, $0xA;
	v8 =	vmul.u32 v0, v4  }
0x3b: {  	v6 =	vmul.u32 v1, v6;
	v3 =	vmul.f32 $9.999999740e-06, v3  }
0x3c: {  	v8 =	vadd.s32 v2, v8  }
0x3d: {  	v9 =	vtrunc.f32 v3;
	v3 =	vadd.s32 v6, v8  }
0x3e: {  	s31 =	simm.s32 $0x30;
	v6 =	vcvt.f32.s32 v9;
	v9 =	vcvt.s32.f32 v3  }
0x3f: {  	v4 =	vld [tilespmem:s31+$0x80];
	v8 =	vand.u32 $0x3FF, v7;
	v7 =	vshrl.u32 v7, $0xA  }
0x40: {  	v8 =	vmul.u32 v0, v8;
	v6 =	vmul.u32 $0xFFFE7960, v6;
	v9 =	vmul.f32 $9.999999740e-06, v9  }
0x41: {  	v7 =	vmul.u32 v1, v7  }
0x42: {  	s3 =	simm.s32 $0x40;
	v8 =	vadd.s32 v2, v8;
	v6 =	vadd.s32 v5, v6;
	v9 =	vtrunc.f32 v9  }
0x43: {  	v5 =	vadd.s32 v7, v8;
	v7 =	vld [tilespmem:s3+$0x80];
	vm15 =	vlt.s32 v6, $0x0;
	v11 =	vadd.s32 $0x186A0, v6  }
0x44: {  	v10 =	vand.u32 $0x3FF, v4;
	v8 =	vcvt.f32.s32 v9;
	v6 =	vsel vm15, v11, v6  }
0x45: {  	v10 =	vmul.u32 v0, v10;
	vm0 =	vgt.s32 v6, $0x1869F;
	v11 =	vadd.s32 $0xFFFE7960, v6  }
0x46: {  	s4 =	simm.s32 $0x140;
	v9 =	vcvt.s32.f32 v5;
	v8 =	vmul.u32 $0xFFFE7960, v8;
	v6 =	vsel vm0, v11, v6  }
.LBB2_3:
0x47: {  	s11 =	sshra.s32 s4, $0x2  }
0x48: {  	v11 =	vand.u32 $0x3FF, v7;
	v12 =	vshrl.u32 v4, $0xA;
	v9 =	vmul.f32 $9.999999740e-06, v9;
	[tilespmem:s29+$0x480] =	vst v6;
	v4 =	vmovc v7;
	s29 =	smov.u32 s30;
	s30 =	smov.u32 s0;
	p0 =	sne.s32 s4, $0xFC0  }
.Ltmp0:
0x49: {  	s0 =	smov.u32 s31;
	s31 =	smov.u32 s3;
	v7 =	vld [tilespmem:s11+$0x80];
	v6 =	vmul.u32 v1, v12;
	v10 =	vadd.s32 v2, v10;
	v8 =	vadd.s32 v3, v8;
	v3 =	vmovc v5;
	(pc) =	sbr.rel @p0 .LBB2_3-.Ltmp0, $4  }
0x4a: {  	s3 =	smov.u32 s11;
	v9 =	vtrunc.f32 v9;
	vm0 =	vlt.s32 v8, $0x0;
	v12 =	vadd.s32 $0x186A0, v8  }
0x4b: {  	v5 =	vadd.s32 v6, v10;
	v6 =	vcvt.f32.s32 v9;
	v12 =	vsel vm0, v12, v8  }
0x4c: {  	v9 =	vcvt.s32.f32 v5;
	vm0 =	vgt.s32 v12, $0x1869F;
	v13 =	vadd.s32 $0xFFFE7960, v12  }
0x4d: {  	s4 =	sadd.s32 $0x40, s4;
	v10 =	vmul.u32 v0, v11;
	v8 =	vmul.u32 $0xFFFE7960, v6;
	v6 =	vsel vm0, v13, v12  }
0x4e: {  	v11 =	vand.u32 $0x3FF, v7;
	v4 =	vshrl.u32 v4, $0xA  }
0x4f: {  	v7 =	vshrl.u32 v7, $0xA;
	v4 =	vmul.u32 v1, v4;
	v0 =	vmul.u32 v0, v11  }
0x50: {  	v9 =	vmul.f32 $9.999999740e-06, v9;
	v10 =	vadd.s32 v2, v10;
	v1 =	vmul.u32 v1, v7  }
0x51: {  	v4 =	vadd.s32 v4, v10;
	v0 =	vadd.s32 v2, v0  }
0x52: {  	v2 =	vtrunc.f32 v9;
	v7 =	vcvt.s32.f32 v4;
	v0 =	vadd.s32 v1, v0  }
0x53: {  	v1 =	vadd.s32 v3, v8;
	v2 =	vcvt.f32.s32 v2;
	v3 =	vcvt.s32.f32 v0  }
0x54: {  	vm0 =	vlt.s32 v1, $0x0;
	v8 =	vadd.s32 $0x186A0, v1;
	v7 =	vmul.f32 $9.999999740e-06, v7  }
0x55: {  	v1 =	vsel vm0, v8, v1;
	v2 =	vmul.u32 $0xFFFE7960, v2;
	v3 =	vmul.f32 $9.999999740e-06, v3  }
0x56: {  	vm0 =	vgt.s32 v1, $0x1869F;
	v7 =	vtrunc.f32 v7  }
0x57: {  	v2 =	vadd.s32 v5, v2;
	v5 =	vcvt.f32.s32 v7;
	v3 =	vtrunc.f32 v3  }
0x58: {  	vm1 =	vlt.s32 v2, $0x0;
	v7 =	vadd.s32 $0x186A0, v2;
	v3 =	vcvt.f32.s32 v3  }
0x59: {  	v8 =	vadd.s32 $0xFFFE7960, v1;
	v2 =	vsel vm1, v7, v2;
	v5 =	vmul.u32 $0xFFFE7960, v5  }
0x5a: {  	vm1 =	vgt.s32 v2, $0x1869F;
	v7 =	vadd.s32 $0xFFFE7960, v2;
	v3 =	vmul.u32 $0xFFFE7960, v3  }
0x5b: {  	v1 =	vsel vm0, v8, v1;
	v2 =	vsel vm1, v7, v2;
	v4 =	vadd.s32 v4, v5  }
0x5c: {  	vm6 =	vlt.s32 v4, $0x0;
	v5 =	vadd.s32 $0x186A0, v4;
	v0 =	vadd.s32 v0, v3  }
0x5d: {  	[tilespmem:s29+$0x480] =	vst v6;
	v3 =	vsel vm6, v5, v4;
	vm7 =	vlt.s32 v0, $0x0;
	v4 =	vadd.s32 $0x186A0, v0  }
0x5e: {  	[tilespmem:s30+$0x480] =	vst v1;
	v0 =	vsel vm7, v4, v0;
	vm8 =	vgt.s32 v3, $0x1869F;
	v1 =	vadd.s32 $0xFFFE7960, v3  }
0x5f: {  	[tilespmem:s0+$0x480] =	vst v2;
	v1 =	vsel vm8, v1, v3;
	vm9 =	vgt.s32 v0, $0x1869F;
	v2 =	vadd.s32 $0xFFFE7960, v0  }
0x60: {  	[tilespmem:s31+$0x480] =	vst v1;
	v0 =	vsel vm9, v2, v0  }
0x61: {  	[tilespmem:s3+$0x480] =	vst v0  }
0x62: {  	[tilespmem:s16], [sflag:$0x1] =	stream.indirect.gather [hbm4b:s5+s14], $0x10, s15, s14, $0xb8;
	[tilespmem:$0x11480] =	vst v63  }
0x63: {  	v0 =	vld [tilespmem:$0x20];
	_ =	sdelay $0x4  }
0x64: {  	v1 =	vcvt.s32.f32 v0;
	_ =	sdelay $0x1  }
0x65: {  	v1 =	vmul.f32 $9.999999740e-06, v1;
	_ =	sdelay $0x1  }
0x66: {  	v1 =	vtrunc.f32 v1  }
0x67: {  	v1 =	vcvt.f32.s32 v1;
	_ =	sdelay $0x1  }
0x68: {  	v1 =	vmul.u32 $0xFFFE7960, v1;
	_ =	sdelay $0x1  }
0x69: {  	v0 =	vadd.s32 v0, v1  }
0x6a: {  	vm10 =	vlt.s32 v0, $0x0;
	v1 =	vadd.s32 $0x186A0, v0  }
0x6b: {  	v0 =	vsel vm10, v1, v0;
	v1 =	vld [tilespmem:$0x30]  }
0x6c: {  	vm0 =	vgt.s32 v0, $0x1869F;
	v2 =	vadd.s32 $0xFFFE7960, v0  }
0x6d: {  	v0 =	vsel vm0, v2, v0  }
0x6e: {  	v2 =	vshll.u32 v0, $0xA  }
0x6f: {  	v3 =	vcvt.s32.f32 v2  }
0x70: {  	v4 =	vcvt.s32.f32 v1  }
0x71: {  	v3 =	vmul.f32 $9.999999740e-06, v3  }
0x72: {  	v4 =	vmul.f32 $9.999999740e-06, v4  }
0x73: {  	v3 =	vtrunc.f32 v3  }
0x74: {  	v3 =	vcvt.f32.s32 v3;
	v4 =	vtrunc.f32 v4  }
0x75: {  	v4 =	vcvt.f32.s32 v4  }
0x76: {  	s29 =	simm.s32 $0x0;
	v3 =	vmul.u32 $0xFFFE7960, v3  }
0x77: {  	v5 =	vld [tilespmem:s29+$0x80];
	v4 =	vmul.u32 $0xFFFE7960, v4  }
0x78: {  	v2 =	vadd.s32 v2, v3  }
0x79: {  	vm11 =	vlt.s32 v2, $0x0;
	v3 =	vadd.s32 $0x186A0, v2;
	v1 =	vadd.s32 v1, v4  }
0x7a: {  	v2 =	vsel vm11, v3, v2;
	vm12 =	vlt.s32 v1, $0x0;
	v3 =	vadd.s32 $0x186A0, v1  }
0x7b: {  	s30 =	simm.s32 $0x10;
	v3 =	vsel vm12, v3, v1;
	vm13 =	vgt.s32 v2, $0x1869F;
	v1 =	vadd.s32 $0xFFFE7960, v2  }
0x7c: {  	v6 =	vld [tilespmem:s30+$0x80];
	v1 =	vsel vm13, v1, v2;
	vm14 =	vgt.s32 v3, $0x1869F;
	v2 =	vand.u32 $0x3FF, v5  }
0x7d: {  	v4 =	vadd.s32 $0xFFFE7960, v3;
	v5 =	vshrl.u32 v5, $0xA;
	v7 =	vmul.u32 v0, v2  }
0x7e: {  	v2 =	vsel vm14, v4, v3;
	v3 =	vmul.u32 v1, v5  }
0x7f: {  	v4 =	vadd.s32 v2, v7  }
0x80: {  	v5 =	vadd.s32 v3, v4  }
0x81: {  	s0 =	simm.s32 $0x20;
	v4 =	vand.u32 $0x3FF, v6;
	v3 =	vcvt.s32.f32 v5  }
0x82: {  	v7 =	vld [tilespmem:s0+$0x80];
	v6 =	vshrl.u32 v6, $0xA;
	v8 =	vmul.u32 v0, v4  }
0x83: {  	v6 =	vmul.u32 v1, v6;
	v3 =	vmul.f32 $9.999999740e-06, v3  }
0x84: {  	v8 =	vadd.s32 v2, v8  }
0x85: {  	v9 =	vtrunc.f32 v3;
	v3 =	vadd.s32 v6, v8  }
0x86: {  	s31 =	simm.s32 $0x30;
	v6 =	vcvt.f32.s32 v9;
	v9 =	vcvt.s32.f32 v3  }
0x87: {  	v4 =	vld [tilespmem:s31+$0x80];
	v8 =	vand.u32 $0x3FF, v7;
	v7 =	vshrl.u32 v7, $0xA  }
0x88: {  	v8 =	vmul.u32 v0, v8;
	v6 =	vmul.u32 $0xFFFE7960, v6;
	v9 =	vmul.f32 $9.999999740e-06, v9  }
0x89: {  	v7 =	vmul.u32 v1, v7  }
0x8a: {  	s3 =	simm.s32 $0x40;
	v8 =	vadd.s32 v2, v8;
	v6 =	vadd.s32 v5, v6;
	v9 =	vtrunc.f32 v9  }
0x8b: {  	v5 =	vadd.s32 v7, v8;
	v7 =	vld [tilespmem:s3+$0x80];
	vm15 =	vlt.s32 v6, $0x0;
	v11 =	vadd.s32 $0x186A0, v6  }
0x8c: {  	v10 =	vand.u32 $0x3FF, v4;
	v8 =	vcvt.f32.s32 v9;
	v6 =	vsel vm15, v11, v6  }
0x8d: {  	v10 =	vmul.u32 v0, v10;
	vm0 =	vgt.s32 v6, $0x1869F;
	v11 =	vadd.s32 $0xFFFE7960, v6  }
0x8e: {  	s4 =	simm.s32 $0x140;
	v9 =	vcvt.s32.f32 v5;
	v8 =	vmul.u32 $0xFFFE7960, v8;
	v6 =	vsel vm0, v11, v6  }
.LBB2_5:
0x8f: {  	s11 =	sshra.s32 s4, $0x2  }
0x90: {  	v11 =	vand.u32 $0x3FF, v7;
	v12 =	vshrl.u32 v4, $0xA;
	v9 =	vmul.f32 $9.999999740e-06, v9;
	[tilespmem:s29+$0x880] =	vst v6;
	v4 =	vmovc v7;
	s29 =	smov.u32 s30;
	s30 =	smov.u32 s0;
	p0 =	sne.s32 s4, $0xFC0  }
.Ltmp1:
0x91: {  	s0 =	smov.u32 s31;
	s31 =	smov.u32 s3;
	v7 =	vld [tilespmem:s11+$0x80];
	v6 =	vmul.u32 v1, v12;
	v10 =	vadd.s32 v2, v10;
	v8 =	vadd.s32 v3, v8;
	v3 =	vmovc v5;
	(pc) =	sbr.rel @p0 .LBB2_5-.Ltmp1, $4  }
0x92: {  	s3 =	smov.u32 s11;
	v9 =	vtrunc.f32 v9;
	vm0 =	vlt.s32 v8, $0x0;
	v12 =	vadd.s32 $0x186A0, v8  }
0x93: {  	v5 =	vadd.s32 v6, v10;
	v6 =	vcvt.f32.s32 v9;
	v12 =	vsel vm0, v12, v8  }
0x94: {  	v9 =	vcvt.s32.f32 v5;
	vm0 =	vgt.s32 v12, $0x1869F;
	v13 =	vadd.s32 $0xFFFE7960, v12  }
0x95: {  	s4 =	sadd.s32 $0x40, s4;
	v10 =	vmul.u32 v0, v11;
	v8 =	vmul.u32 $0xFFFE7960, v6;
	v6 =	vsel vm0, v13, v12  }
0x96: {  	v11 =	vand.u32 $0x3FF, v7;
	v4 =	vshrl.u32 v4, $0xA  }
0x97: {  	v7 =	vshrl.u32 v7, $0xA;
	v4 =	vmul.u32 v1, v4;
	v0 =	vmul.u32 v0, v11  }
0x98: {  	v9 =	vmul.f32 $9.999999740e-06, v9;
	v10 =	vadd.s32 v2, v10;
	v1 =	vmul.u32 v1, v7  }
0x99: {  	v4 =	vadd.s32 v4, v10;
	v0 =	vadd.s32 v2, v0  }
0x9a: {  	v2 =	vtrunc.f32 v9;
	v7 =	vcvt.s32.f32 v4;
	v0 =	vadd.s32 v1, v0  }
0x9b: {  	v1 =	vadd.s32 v3, v8;
	v2 =	vcvt.f32.s32 v2;
	v3 =	vcvt.s32.f32 v0  }
0x9c: {  	vm0 =	vlt.s32 v1, $0x0;
	v8 =	vadd.s32 $0x186A0, v1;
	v7 =	vmul.f32 $9.999999740e-06, v7  }
0x9d: {  	v1 =	vsel vm0, v8, v1;
	v2 =	vmul.u32 $0xFFFE7960, v2;
	v3 =	vmul.f32 $9.999999740e-06, v3  }
0x9e: {  	vm0 =	vgt.s32 v1, $0x1869F;
	v7 =	vtrunc.f32 v7  }
0x9f: {  	v2 =	vadd.s32 v5, v2;
	v5 =	vcvt.f32.s32 v7;
	v3 =	vtrunc.f32 v3  }
0xa0: {  	vm1 =	vlt.s32 v2, $0x0;
	v7 =	vadd.s32 $0x186A0, v2;
	v3 =	vcvt.f32.s32 v3  }
0xa1: {  	v8 =	vadd.s32 $0xFFFE7960, v1;
	v2 =	vsel vm1, v7, v2;
	v5 =	vmul.u32 $0xFFFE7960, v5  }
0xa2: {  	vm1 =	vgt.s32 v2, $0x1869F;
	v7 =	vadd.s32 $0xFFFE7960, v2;
	v3 =	vmul.u32 $0xFFFE7960, v3  }
0xa3: {  	v1 =	vsel vm0, v8, v1;
	v2 =	vsel vm1, v7, v2;
	v4 =	vadd.s32 v4, v5  }
0xa4: {  	vm6 =	vlt.s32 v4, $0x0;
	v5 =	vadd.s32 $0x186A0, v4;
	v0 =	vadd.s32 v0, v3  }
0xa5: {  	[tilespmem:s29+$0x880] =	vst v6;
	v3 =	vsel vm6, v5, v4;
	vm7 =	vlt.s32 v0, $0x0;
	v4 =	vadd.s32 $0x186A0, v0  }
0xa6: {  	[tilespmem:s30+$0x880] =	vst v1;
	v0 =	vsel vm7, v4, v0;
	vm8 =	vgt.s32 v3, $0x1869F;
	v1 =	vadd.s32 $0xFFFE7960, v3  }
0xa7: {  	[tilespmem:s0+$0x880] =	vst v2;
	v1 =	vsel vm8, v1, v3;
	vm9 =	vgt.s32 v0, $0x1869F;
	v2 =	vadd.s32 $0xFFFE7960, v0  }
0xa8: {  	[tilespmem:s31+$0x880] =	vst v1;
	v0 =	vsel vm9, v2, v0  }
0xa9: {  	[tilespmem:s3+$0x880] =	vst v0  }
0xaa: {  	[tilespmem:s18], [sflag:$0x1] =	stream.indirect.gather [hbm4b:s6+s14], $0x10, s17, s14, $0xb8;
	[tilespmem:$0x11480] =	vst v63  }
0xab: {  	v0 =	vld [tilespmem:$0x40];
	_ =	sdelay $0x4  }
0xac: {  	v1 =	vcvt.s32.f32 v0;
	_ =	sdelay $0x1  }
0xad: {  	v1 =	vmul.f32 $9.999999740e-06, v1;
	_ =	sdelay $0x1  }
0xae: {  	v1 =	vtrunc.f32 v1  }
0xaf: {  	v1 =	vcvt.f32.s32 v1;
	_ =	sdelay $0x1  }
0xb0: {  	v1 =	vmul.u32 $0xFFFE7960, v1;
	_ =	sdelay $0x1  }
0xb1: {  	v0 =	vadd.s32 v0, v1  }
0xb2: {  	vm10 =	vlt.s32 v0, $0x0;
	v1 =	vadd.s32 $0x186A0, v0  }
0xb3: {  	v0 =	vsel vm10, v1, v0;
	v1 =	vld [tilespmem:$0x50]  }
0xb4: {  	vm0 =	vgt.s32 v0, $0x1869F;
	v2 =	vadd.s32 $0xFFFE7960, v0  }
0xb5: {  	v0 =	vsel vm0, v2, v0  }
0xb6: {  	v2 =	vshll.u32 v0, $0xA  }
0xb7: {  	v3 =	vcvt.s32.f32 v2  }
0xb8: {  	v4 =	vcvt.s32.f32 v1  }
0xb9: {  	v3 =	vmul.f32 $9.999999740e-06, v3  }
0xba: {  	v4 =	vmul.f32 $9.999999740e-06, v4  }
0xbb: {  	v3 =	vtrunc.f32 v3  }
0xbc: {  	v3 =	vcvt.f32.s32 v3;
	v4 =	vtrunc.f32 v4  }
0xbd: {  	v4 =	vcvt.f32.s32 v4  }
0xbe: {  	s29 =	simm.s32 $0x0;
	v3 =	vmul.u32 $0xFFFE7960, v3  }
0xbf: {  	v5 =	vld [tilespmem:s29+$0x80];
	v4 =	vmul.u32 $0xFFFE7960, v4  }
0xc0: {  	v2 =	vadd.s32 v2, v3  }
0xc1: {  	vm11 =	vlt.s32 v2, $0x0;
	v3 =	vadd.s32 $0x186A0, v2;
	v1 =	vadd.s32 v1, v4  }
0xc2: {  	v2 =	vsel vm11, v3, v2;
	vm12 =	vlt.s32 v1, $0x0;
	v3 =	vadd.s32 $0x186A0, v1  }
0xc3: {  	s30 =	simm.s32 $0x10;
	v3 =	vsel vm12, v3, v1;
	vm13 =	vgt.s32 v2, $0x1869F;
	v1 =	vadd.s32 $0xFFFE7960, v2  }
0xc4: {  	v6 =	vld [tilespmem:s30+$0x80];
	v1 =	vsel vm13, v1, v2;
	vm14 =	vgt.s32 v3, $0x1869F;
	v2 =	vand.u32 $0x3FF, v5  }
0xc5: {  	v4 =	vadd.s32 $0xFFFE7960, v3;
	v5 =	vshrl.u32 v5, $0xA;
	v7 =	vmul.u32 v0, v2  }
0xc6: {  	v2 =	vsel vm14, v4, v3;
	v3 =	vmul.u32 v1, v5  }
0xc7: {  	v4 =	vadd.s32 v2, v7  }
0xc8: {  	v5 =	vadd.s32 v3, v4  }
0xc9: {  	s0 =	simm.s32 $0x20;
	v4 =	vand.u32 $0x3FF, v6;
	v3 =	vcvt.s32.f32 v5  }
0xca: {  	v7 =	vld [tilespmem:s0+$0x80];
	v6 =	vshrl.u32 v6, $0xA;
	v8 =	vmul.u32 v0, v4  }
0xcb: {  	v6 =	vmul.u32 v1, v6;
	v3 =	vmul.f32 $9.999999740e-06, v3  }
0xcc: {  	v8 =	vadd.s32 v2, v8  }
0xcd: {  	v9 =	vtrunc.f32 v3;
	v3 =	vadd.s32 v6, v8  }
0xce: {  	s31 =	simm.s32 $0x30;
	v6 =	vcvt.f32.s32 v9;
	v9 =	vcvt.s32.f32 v3  }
0xcf: {  	v4 =	vld [tilespmem:s31+$0x80];
	v8 =	vand.u32 $0x3FF, v7;
	v7 =	vshrl.u32 v7, $0xA  }
0xd0: {  	v8 =	vmul.u32 v0, v8;
	v6 =	vmul.u32 $0xFFFE7960, v6;
	v9 =	vmul.f32 $9.999999740e-06, v9  }
0xd1: {  	v7 =	vmul.u32 v1, v7  }
0xd2: {  	s3 =	simm.s32 $0x40;
	v8 =	vadd.s32 v2, v8;
	v6 =	vadd.s32 v5, v6;
	v9 =	vtrunc.f32 v9  }
0xd3: {  	v5 =	vadd.s32 v7, v8;
	v7 =	vld [tilespmem:s3+$0x80];
	vm15 =	vlt.s32 v6, $0x0;
	v11 =	vadd.s32 $0x186A0, v6  }
0xd4: {  	v10 =	vand.u32 $0x3FF, v4;
	v8 =	vcvt.f32.s32 v9;
	v6 =	vsel vm15, v11, v6  }
0xd5: {  	v10 =	vmul.u32 v0, v10;
	vm0 =	vgt.s32 v6, $0x1869F;
	v11 =	vadd.s32 $0xFFFE7960, v6  }
0xd6: {  	s4 =	simm.s32 $0x140;
	v9 =	vcvt.s32.f32 v5;
	v8 =	vmul.u32 $0xFFFE7960, v8;
	v6 =	vsel vm0, v11, v6  }
.LBB2_7:
0xd7: {  	s11 =	sshra.s32 s4, $0x2  }
0xd8: {  	v11 =	vand.u32 $0x3FF, v7;
	v12 =	vshrl.u32 v4, $0xA;
	v9 =	vmul.f32 $9.999999740e-06, v9;
	[tilespmem:s29+$0xC80] =	vst v6;
	v4 =	vmovc v7;
	s29 =	smov.u32 s30;
	s30 =	smov.u32 s0;
	p0 =	sne.s32 s4, $0xFC0  }
.Ltmp2:
0xd9: {  	s0 =	smov.u32 s31;
	s31 =	smov.u32 s3;
	v7 =	vld [tilespmem:s11+$0x80];
	v6 =	vmul.u32 v1, v12;
	v10 =	vadd.s32 v2, v10;
	v8 =	vadd.s32 v3, v8;
	v3 =	vmovc v5;
	(pc) =	sbr.rel @p0 .LBB2_7-.Ltmp2, $4  }
0xda: {  	s3 =	smov.u32 s11;
	v9 =	vtrunc.f32 v9;
	vm0 =	vlt.s32 v8, $0x0;
	v12 =	vadd.s32 $0x186A0, v8  }
0xdb: {  	v5 =	vadd.s32 v6, v10;
	v6 =	vcvt.f32.s32 v9;
	v12 =	vsel vm0, v12, v8  }
0xdc: {  	v9 =	vcvt.s32.f32 v5;
	vm0 =	vgt.s32 v12, $0x1869F;
	v13 =	vadd.s32 $0xFFFE7960, v12  }
0xdd: {  	s4 =	sadd.s32 $0x40, s4;
	v10 =	vmul.u32 v0, v11;
	v8 =	vmul.u32 $0xFFFE7960, v6;
	v6 =	vsel vm0, v13, v12  }
0xde: {  	v11 =	vand.u32 $0x3FF, v7;
	v4 =	vshrl.u32 v4, $0xA  }
0xdf: {  	v7 =	vshrl.u32 v7, $0xA;
	v4 =	vmul.u32 v1, v4;
	v0 =	vmul.u32 v0, v11  }
0xe0: {  	v9 =	vmul.f32 $9.999999740e-06, v9;
	v10 =	vadd.s32 v2, v10;
	v1 =	vmul.u32 v1, v7  }
0xe1: {  	v4 =	vadd.s32 v4, v10;
	v0 =	vadd.s32 v2, v0  }
0xe2: {  	v2 =	vtrunc.f32 v9;
	v7 =	vcvt.s32.f32 v4;
	v0 =	vadd.s32 v1, v0  }
0xe3: {  	v1 =	vadd.s32 v3, v8;
	v2 =	vcvt.f32.s32 v2;
	v3 =	vcvt.s32.f32 v0  }
0xe4: {  	vm0 =	vlt.s32 v1, $0x0;
	v8 =	vadd.s32 $0x186A0, v1;
	v7 =	vmul.f32 $9.999999740e-06, v7  }
0xe5: {  	v1 =	vsel vm0, v8, v1;
	v2 =	vmul.u32 $0xFFFE7960, v2;
	v3 =	vmul.f32 $9.999999740e-06, v3  }
0xe6: {  	vm0 =	vgt.s32 v1, $0x1869F;
	v7 =	vtrunc.f32 v7  }
0xe7: {  	v2 =	vadd.s32 v5, v2;
	v5 =	vcvt.f32.s32 v7;
	v3 =	vtrunc.f32 v3  }
0xe8: {  	vm1 =	vlt.s32 v2, $0x0;
	v7 =	vadd.s32 $0x186A0, v2;
	v3 =	vcvt.f32.s32 v3  }
0xe9: {  	v8 =	vadd.s32 $0xFFFE7960, v1;
	v2 =	vsel vm1, v7, v2;
	v5 =	vmul.u32 $0xFFFE7960, v5  }
0xea: {  	vm1 =	vgt.s32 v2, $0x1869F;
	v7 =	vadd.s32 $0xFFFE7960, v2;
	v3 =	vmul.u32 $0xFFFE7960, v3  }
0xeb: {  	v1 =	vsel vm0, v8, v1;
	v2 =	vsel vm1, v7, v2;
	v4 =	vadd.s32 v4, v5  }
0xec: {  	vm6 =	vlt.s32 v4, $0x0;
	v5 =	vadd.s32 $0x186A0, v4;
	v0 =	vadd.s32 v0, v3  }
0xed: {  	[tilespmem:s29+$0xC80] =	vst v6;
	v3 =	vsel vm6, v5, v4;
	vm7 =	vlt.s32 v0, $0x0;
	v4 =	vadd.s32 $0x186A0, v0  }
0xee: {  	[tilespmem:s30+$0xC80] =	vst v1;
	v0 =	vsel vm7, v4, v0;
	vm8 =	vgt.s32 v3, $0x1869F;
	v1 =	vadd.s32 $0xFFFE7960, v3  }
0xef: {  	[tilespmem:s0+$0xC80] =	vst v2;
	v1 =	vsel vm8, v1, v3;
	vm9 =	vgt.s32 v0, $0x1869F;
	v2 =	vadd.s32 $0xFFFE7960, v0  }
0xf0: {  	[tilespmem:s31+$0xC80] =	vst v1;
	v0 =	vsel vm9, v2, v0  }
0xf1: {  	[tilespmem:s3+$0xC80] =	vst v0  }
0xf2: {  	[tilespmem:s20], [sflag:$0x1] =	stream.indirect.gather [hbm4b:s7+s14], $0x10, s19, s14, $0xb8;
	[tilespmem:$0x11480] =	vst v63  }
0xf3: {  	v0 =	vld [tilespmem:$0x60];
	_ =	sdelay $0x4  }
0xf4: {  	v1 =	vcvt.s32.f32 v0;
	_ =	sdelay $0x1  }
0xf5: {  	v1 =	vmul.f32 $9.999999740e-06, v1;
	_ =	sdelay $0x1  }
0xf6: {  	v1 =	vtrunc.f32 v1  }
0xf7: {  	v1 =	vcvt.f32.s32 v1;
	_ =	sdelay $0x1  }
0xf8: {  	v1 =	vmul.u32 $0xFFFE7960, v1;
	_ =	sdelay $0x1  }
0xf9: {  	v0 =	vadd.s32 v0, v1  }
0xfa: {  	vm10 =	vlt.s32 v0, $0x0;
	v1 =	vadd.s32 $0x186A0, v0  }
0xfb: {  	v0 =	vsel vm10, v1, v0;
	v1 =	vld [tilespmem:$0x70]  }
0xfc: {  	vm0 =	vgt.s32 v0, $0x1869F;
	v2 =	vadd.s32 $0xFFFE7960, v0  }
0xfd: {  	v0 =	vsel vm0, v2, v0  }
0xfe: {  	v2 =	vshll.u32 v0, $0xA  }
0xff: {  	v3 =	vcvt.s32.f32 v2  }
0x100: {  	v4 =	vcvt.s32.f32 v1  }
0x101: {  	v3 =	vmul.f32 $9.999999740e-06, v3  }
0x102: {  	v4 =	vmul.f32 $9.999999740e-06, v4  }
0x103: {  	v3 =	vtrunc.f32 v3  }
0x104: {  	v3 =	vcvt.f32.s32 v3;
	v4 =	vtrunc.f32 v4  }
0x105: {  	v4 =	vcvt.f32.s32 v4  }
0x106: {  	s29 =	simm.s32 $0x0;
	v3 =	vmul.u32 $0xFFFE7960, v3  }
0x107: {  	v5 =	vld [tilespmem:s29+$0x80];
	v4 =	vmul.u32 $0xFFFE7960, v4  }
0x108: {  	v2 =	vadd.s32 v2, v3  }
0x109: {  	vm11 =	vlt.s32 v2, $0x0;
	v3 =	vadd.s32 $0x186A0, v2;
	v1 =	vadd.s32 v1, v4  }
0x10a: {  	v2 =	vsel vm11, v3, v2;
	vm12 =	vlt.s32 v1, $0x0;
	v3 =	vadd.s32 $0x186A0, v1  }
0x10b: {  	s30 =	simm.s32 $0x10;
	v3 =	vsel vm12, v3, v1;
	vm13 =	vgt.s32 v2, $0x1869F;
	v1 =	vadd.s32 $0xFFFE7960, v2  }
0x10c: {  	v6 =	vld [tilespmem:s30+$0x80];
	v1 =	vsel vm13, v1, v2;
	vm14 =	vgt.s32 v3, $0x1869F;
	v2 =	vand.u32 $0x3FF, v5  }
0x10d: {  	v4 =	vadd.s32 $0xFFFE7960, v3;
	v5 =	vshrl.u32 v5, $0xA;
	v7 =	vmul.u32 v0, v2  }
0x10e: {  	v2 =	vsel vm14, v4, v3;
	v3 =	vmul.u32 v1, v5  }
0x10f: {  	v4 =	vadd.s32 v2, v7  }
0x110: {  	v5 =	vadd.s32 v3, v4  }
0x111: {  	s0 =	simm.s32 $0x20;
	v4 =	vand.u32 $0x3FF, v6;
	v3 =	vcvt.s32.f32 v5  }
0x112: {  	v7 =	vld [tilespmem:s0+$0x80];
	v6 =	vshrl.u32 v6, $0xA;
	v8 =	vmul.u32 v0, v4  }
0x113: {  	v6 =	vmul.u32 v1, v6;
	v3 =	vmul.f32 $9.999999740e-06, v3  }
0x114: {  	v8 =	vadd.s32 v2, v8  }
0x115: {  	v9 =	vtrunc.f32 v3;
	v3 =	vadd.s32 v6, v8  }
0x116: {  	s31 =	simm.s32 $0x30;
	v6 =	vcvt.f32.s32 v9;
	v9 =	vcvt.s32.f32 v3  }
0x117: {  	v4 =	vld [tilespmem:s31+$0x80];
	v8 =	vand.u32 $0x3FF, v7;
	v7 =	vshrl.u32 v7, $0xA  }
0x118: {  	v8 =	vmul.u32 v0, v8;
	v6 =	vmul.u32 $0xFFFE7960, v6;
	v9 =	vmul.f32 $9.999999740e-06, v9  }
0x119: {  	v7 =	vmul.u32 v1, v7  }
0x11a: {  	s3 =	simm.s32 $0x40;
	v8 =	vadd.s32 v2, v8;
	v6 =	vadd.s32 v5, v6;
	v9 =	vtrunc.f32 v9  }
0x11b: {  	v5 =	vadd.s32 v7, v8;
	v7 =	vld [tilespmem:s3+$0x80];
	vm15 =	vlt.s32 v6, $0x0;
	v11 =	vadd.s32 $0x186A0, v6  }
0x11c: {  	v10 =	vand.u32 $0x3FF, v4;
	v8 =	vcvt.f32.s32 v9;
	v6 =	vsel vm15, v11, v6  }
0x11d: {  	v10 =	vmul.u32 v0, v10;
	vm0 =	vgt.s32 v6, $0x1869F;
	v11 =	vadd.s32 $0xFFFE7960, v6  }
0x11e: {  	s4 =	simm.s32 $0x140;
	v9 =	vcvt.s32.f32 v5;
	v8 =	vmul.u32 $0xFFFE7960, v8;
	v6 =	vsel vm0, v11, v6  }
.LBB2_9:
0x11f: {  	s11 =	sshra.s32 s4, $0x2  }
0x120: {  	v11 =	vand.u32 $0x3FF, v7;
	v12 =	vshrl.u32 v4, $0xA;
	v9 =	vmul.f32 $9.999999740e-06, v9;
	[tilespmem:s29+$0x1080] =	vst v6;
	v4 =	vmovc v7;
	s29 =	smov.u32 s30;
	s30 =	smov.u32 s0;
	p0 =	sne.s32 s4, $0xFC0  }
.Ltmp3:
0x121: {  	s0 =	smov.u32 s31;
	s31 =	smov.u32 s3;
	v7 =	vld [tilespmem:s11+$0x80];
	v6 =	vmul.u32 v1, v12;
	v10 =	vadd.s32 v2, v10;
	v8 =	vadd.s32 v3, v8;
	v3 =	vmovc v5;
	(pc) =	sbr.rel @p0 .LBB2_9-.Ltmp3, $4  }
0x122: {  	s3 =	smov.u32 s11;
	v9 =	vtrunc.f32 v9;
	vm0 =	vlt.s32 v8, $0x0;
	v12 =	vadd.s32 $0x186A0, v8  }
0x123: {  	v5 =	vadd.s32 v6, v10;
	v6 =	vcvt.f32.s32 v9;
	v12 =	vsel vm0, v12, v8  }
0x124: {  	v9 =	vcvt.s32.f32 v5;
	vm0 =	vgt.s32 v12, $0x1869F;
	v13 =	vadd.s32 $0xFFFE7960, v12  }
0x125: {  	s4 =	sadd.s32 $0x40, s4;
	v10 =	vmul.u32 v0, v11;
	v8 =	vmul.u32 $0xFFFE7960, v6;
	v6 =	vsel vm0, v13, v12  }
0x126: {  	v11 =	vand.u32 $0x3FF, v7;
	v4 =	vshrl.u32 v4, $0xA  }
0x127: {  	v52 =	vshrl.u32 v7, $0xA;
	v4 =	vmul.u32 v1, v4;
	v0 =	vmul.u32 v0, v11  }
0x128: {  	v9 =	vmul.f32 $9.999999740e-06, v9;
	v10 =	vadd.s32 v2, v10;
	v53 =	vmul.u32 v1, v52  }
0x129: {  	v4 =	vadd.s32 v4, v10;
	v0 =	vadd.s32 v2, v0  }
0x12a: {  	v54 =	vtrunc.f32 v9;
	v55 =	vcvt.s32.f32 v4;
	v0 =	vadd.s32 v53, v0  }
0x12b: {  	v56 =	vadd.s32 v3, v8;
	v2 =	vcvt.f32.s32 v54;
	v57 =	vcvt.s32.f32 v0  }
0x12c: {  	vm0 =	vlt.s32 v56, $0x0;
	v8 =	vadd.s32 $0x186A0, v56;
	v7 =	vmul.f32 $9.999999740e-06, v55  }
0x12d: {  	v1 =	vsel vm0, v8, v56;
	v2 =	vmul.u32 $0xFFFE7960, v2;
	v3 =	vmul.f32 $9.999999740e-06, v57  }
0x12e: {  	vm0 =	vgt.s32 v1, $0x1869F;
	v7 =	vtrunc.f32 v7  }
0x12f: {  	v2 =	vadd.s32 v5, v2;
	v58 =	vcvt.f32.s32 v7;
	v3 =	vtrunc.f32 v3  }
0x130: {  	vm1 =	vlt.s32 v2, $0x0;
	v59 =	vadd.s32 $0x186A0, v2;
	v3 =	vcvt.f32.s32 v3  }
0x131: {  	v8 =	vadd.s32 $0xFFFE7960, v1;
	v2 =	vsel vm1, v59, v2;
	v5 =	vmul.u32 $0xFFFE7960, v58  }
0x132: {  	vm1 =	vgt.s32 v2, $0x1869F;
	v7 =	vadd.s32 $0xFFFE7960, v2;
	v3 =	vmul.u32 $0xFFFE7960, v3  }
0x133: {  	v1 =	vsel vm0, v8, v1;
	v2 =	vsel vm1, v7, v2;
	v4 =	vadd.s32 v4, v5  }
0x134: {  	vm12 =	vlt.s32 v4, $0x0;
	v5 =	vadd.s32 $0x186A0, v4;
	v0 =	vadd.s32 v0, v3  }
0x135: {  	[tilespmem:s29+$0x1080] =	vst v6;
	v60 =	vsel vm12, v5, v4;
	vm13 =	vlt.s32 v0, $0x0;
	v61 =	vadd.s32 $0x186A0, v0  }
0x136: {  	[tilespmem:s30+$0x1080] =	vst v1;
	v0 =	vsel vm13, v61, v0;
	vm14 =	vgt.s32 v60, $0x1869F;
	v62 =	vadd.s32 $0xFFFE7960, v60  }
0x137: {  	[tilespmem:s0+$0x1080] =	vst v2;
	v1 =	vsel vm14, v62, v60;
	vm15 =	vgt.s32 v0, $0x1869F;
	v63 =	vadd.s32 $0xFFFE7960, v0  }
0x138: {  	[tilespmem:s31+$0x1080] =	vst v1;
	v0 =	vsel vm15, v63, v0  }
0x139: {  	[tilespmem:s3+$0x1080] =	vst v0  }
0x13a: {  	[tilespmem:s22], [sflag:$0x1] =	stream.indirect.gather [hbm4b:s8+s14], $0x10, s21, s14, $0xb8;
	[tilespmem:$0x11480] =	vst v63  }
0x13b: {  	_ =	swait.ge [sflag:s23], $0x4000  }
0x13c: {  	s28 =	sshll.u32 s28, $0x1;
	[sflag:s23] =	ssyncset.done $0x0  }
0x13d: {  	s29 =	sadd.s32 s9, s28;
	[sflag:s23] =	ssyncadd.s32 $0xFFFFC000  }
0x13e: {  	[hbm4b:s29+s1] =	stream.linear.scatter [tilespmem:s16], [sflag:$0x2], $0x4000, $0x38;
	[tilespmem:$0x11480] =	vst v63  }
0x13f: {  	s0 =	sand.u32 $0x1FFFFFFE, s28;
	_ =	swait.ge [sflag:s23], $0x4000  }
0x140: {  	s0 =	sadd.s32 s9, s0;
	[sflag:s23] =	ssyncset.done $0x0  }
0x141: {  	s30 =	sadd.s32 $0xA0000, s0;
	[sflag:s23] =	ssyncadd.s32 $0xFFFFC000  }
0x142: {  	[hbm4b:s30+s1] =	stream.linear.scatter [tilespmem:s18], [sflag:$0x2], $0x4000, $0x38;
	[tilespmem:$0x11480] =	vst v63  }
0x143: {  	_ =	swait.ge [sflag:s23], $0x4000  }
0x144: {  	[sflag:s23] =	ssyncset.done $0x0  }
0x145: {  	s31 =	sadd.s32 $0x140000, s0;
	[sflag:s23] =	ssyncadd.s32 $0xFFFFC000  }
0x146: {  	[hbm4b:s31+s1] =	stream.linear.scatter [tilespmem:s20], [sflag:$0x2], $0x4000, $0x38;
	[tilespmem:$0x11480] =	vst v63  }
0x147: {  	_ =	swait.ge [sflag:s23], $0x4000  }
0x148: {  	[sflag:s23] =	ssyncset.done $0x0  }
0x149: {  	s0 =	sadd.s32 $0x1E0000, s0;
	[sflag:s23] =	ssyncadd.s32 $0xFFFFC000  }
0x14a: {  	[hbm4b:s0+s1] =	stream.linear.scatter [tilespmem:s22], [sflag:$0x2], $0x4000, $0x38;
	[tilespmem:$0x11480] =	vst v63  }
0x14b: {  	_ =	swait.ge [sflag:s24], $0x4000  }
0x14c: {  	[sflag:s24] =	ssyncset.done $0x0  }
0x14d: {  	[sflag:s24] =	ssyncadd.s32 $0xFFFFC000  }
0x14e: {  	_ =	swait.ge [sflag:s24], $0x4000  }
0x14f: {  	[sflag:s24] =	ssyncset.done $0x0  }
0x150: {  	s26 =	sadd.s32 $0x1, s26;
	[sflag:s24] =	ssyncadd.s32 $0xFFFFC000  }
0x151: {  	p0 =	sne.s32 s26, $0xA;
	_ =	swait.ge [sflag:s24], $0x4000  }
.Ltmp4:
0x152: {  	[sflag:s24] =	ssyncset.done $0x0;
	(pc) =	sbr.rel @p0 .LBB2_2-.Ltmp4, $4  }
0x153: {  	[sflag:s24] =	ssyncadd.s32 $0xFFFFC000  }
0x154: {  	_ =	swait.ge [sflag:s24], $0x4000  }
0x155: {  	[sflag:s24] =	ssyncset.done $0x0  }
0x156: {  	[sflag:s24] =	ssyncadd.s32 $0xFFFFC000  }
0x157: {  	s25 =	sadd.s32 $0x1, s25;
	s0 =	rddreg [dreg:$0x3]  }
0x158: {  	p0 =	sne.s32 s25, s0  }
.Ltmp5:
0x159: {  	_ = 	snop;
	(pc) =	sbr.rel @p0 .LBB2_1-.Ltmp5, $1  }
0x15a: {  	_ =	sdelay $0x3  }
0x15b: {  	_ =	sfence.sel $0x180000  }
0x15c: {  	[bflag:$0x0] =	sbarrier.arrive $0xFFFF  }
0x15d: {  	_ =	strace $0x90000047  }
0x15e: {  	s0 =	stileid.u32;
	[bflag:$0x2] =	sbarrier.arrive $0xFFFF  }
0x15f: {  	p0 =	sne.s32 s0, $0x0;
	s0 =	rddreg [dreg:$0x1]  }
0x160: {  	s0 =	sadd.s32 @!p0 $0x100000, s0  }
0x161: {  	[sflag:s0] =	ssyncadd.tile.s32 @!p0 $0x1;
	_ =	shalt  }
.Lfunc_end2:
_tile_overlayer_lowered:
.L_overlay_start_2:
0x162: {  	(tag) =	ssettag $0x2  }
0x163: {  	s0 =	rddreg [dreg:$0x0];
	s2 =	stileid.u32  }
0x164: {  	s1 =	rddreg [dreg:$0x1];
	p0 =	sne.s32 s2, $0x0  }
0x165: {  	s3 =	rddreg [dreg:$0x2];
	[bflag:$0x3] =	sbarrier.arrive $0xFFFF;
	s2 =	simm.s32 @!p0 $0x1C03  }
0x166: {  	[timem:s3], [sflag:s2] =	dma.local @!p0 [hbm:s0], s1  }
0x167: {  	s0 =	simm.s32 @!p0 $0x3  }
0x168: {  	_ =	swait.ge @!p0 [sflag:s0], s1  }
0x169: {  	s1 =	ssub.s32 @!p0 $0x0, s1;
	[sflag:s0] =	ssyncset.done @!p0 $0x0  }
0x16a: {  	[sflag:s0] =	ssyncadd.s32 @!p0 s1  }
0x16b: {  	[bflag:$0x3] =	sbarrier.arrive $0xFFFF  }
0x16c: {  	_ =	shalt  }

</sc_bundles>
